<compile_context>
chip_gen: v7x
topology: tpu7x:2x2x1
jax: 0.10.2.dev20260603
libtpu: 0.0.44.dev20260713+nightly
codegen_flags: <defaults>
</compile_context>

<pallas_src>
import functools

import jax
import jax.numpy as jnp
from jax import lax
from jax.experimental import pallas as pl
from jax.experimental.pallas import tpu as pltpu
from jax.experimental.pallas import tpu_sc as plsc

N_NODES = 10000
D = 128
NEG_SLOPE = 0.2

NC = 2
NS = 16
L = 16
NW = NC * NS

B = 32
NPAD = 10240
NDEN = NPAD // 8
RPT = NPAD // NS
DPT = NDEN // NS
KV = D // L



def _mm_body(x_ref, wl_ref, wr_ref, out_ref):
    x = x_ref[...]
    out_ref[0] = jnp.dot(x, wl_ref[...], preferred_element_type=jnp.float32)
    out_ref[1] = jnp.dot(x, wr_ref[...], preferred_element_type=jnp.float32)


def _matmuls(xp, W_l, W_r):
    g = 10
    r = NPAD // g
    return pl.pallas_call(
        _mm_body,
        grid=(g,),
        in_specs=[
            pl.BlockSpec((r, D), lambda i: (i, 0)),
            pl.BlockSpec((D, D), lambda i: (0, 0)),
            pl.BlockSpec((D, D), lambda i: (0, 0)),
        ],
        out_specs=pl.BlockSpec((NC, r, D), lambda i: (0, i, 0)),
        out_shape=jax.ShapeDtypeStruct((NC, NPAD, D), jnp.float32),
    )(xp, W_l, W_r)



def _edge_body(nb, xlr_hbm, ei_hbm, att_hbm,
               acc_out, den_out,
               ib0, ib1, gidx0, gidx1,
               sdstb0, sdstb1, didxb0, didxb1,
               oldc0, oldc1, xlrb0, xlrb1, msg0, msg1, dmsg0, dmsg1,
               abuf, attb, acc_sh, den_sh,
               isem0, isem1, gsem0, gsem1, ssem0, ssem1):
    ib = (ib0, ib1)
    gidxb = (gidx0, gidx1)
    sdstb = (sdstb0, sdstb1)
    didxb = (didxb0, didxb1)
    oldcolb = (oldc0, oldc1)
    xlrb = (xlrb0, xlrb1)
    msg = (msg0, msg1)
    dmsg = (dmsg0, dmsg1)
    isem = (isem0, isem1)
    gsem = (gsem0, gsem1)
    ssem = (ssem0, ssem1)

    cid = lax.axis_index("c")
    sid = lax.axis_index("s")
    wid = sid * NC + cid

    zero16 = jnp.zeros((L,), jnp.float32)
    iota16 = lax.iota(jnp.int32, L)

    @pl.loop(0, B)
    def _zrow(rw):
        for c in range(KV):
            msg0[rw, pl.ds(c * L, L)] = zero16
            dmsg0[rw, pl.ds(c * L, L)] = zero16
            dmsg1[rw, pl.ds(c * L, L)] = zero16

    @pl.loop(0, RPT // B)
    def _zacc(i):
        pltpu.sync_copy(msg0, acc_sh.at[pl.ds(sid * RPT + i * B, B)])

    off = 0
    while off < DPT:
        w = min(B, DPT - off)
        pltpu.sync_copy(dmsg0.at[pl.ds(0, w)],
                        den_sh.at[pl.ds(sid * DPT + off, w)])
        off += w

    plsc.subcore_barrier()

    pltpu.sync_copy(att_hbm, attb)
    attv = [attb[pl.ds(k * L, L)] for k in range(KV)]

    ebase = wid * (nb * B)

    def idx_cp(blk, q):
        e0 = ebase + blk * B
        return pltpu.make_async_copy(ei_hbm.at[:, pl.ds(e0, B)], ib[q],
                                     isem[q])

    def gather_cp(q):
        return pltpu.make_async_copy(xlr_hbm.at[gidxb[q]], xlrb[q], gsem[q])

    def scatter_cps(q):
        return (pltpu.make_async_copy(msg[q], acc_sh.at[sdstb[q]], ssem[q]),
                pltpu.make_async_copy(dmsg[q], den_sh.at[didxb[q]], ssem[q]))

    def build_gidx(q):
        for g in range(B // L):
            gidxb[q][pl.ds(g * L, L)] = ib[q][0, pl.ds(g * L, L)]
            gidxb[q][pl.ds(B + g * L, L)] = (ib[q][1, pl.ds(g * L, L)]
                                             + NPAD)

    i1 = idx_cp(0, 0)
    i1.start()
    i1.wait()
    build_gidx(0)
    idx_cp(1, 1).start()
    gather_cp(0).start()

    npair = (nb + 1) // 2

    @pl.loop(0, npair)
    def _pair(i):
        for p in (0, 1):
            q = p
            r = 1 - p
            blk = i * 2 + p

            @pl.when(blk < nb)
            def _body():
                @pl.when(blk + 1 < nb)
                def _pf():
                    idx_cp(blk + 1, r).wait()
                    build_gidx(r)
                    gather_cp(r).start()

                gather_cp(q).wait()

                @pl.when(blk >= 2)
                def _drain():
                    s1, s2 = scatter_cps(q)
                    s1.wait()
                    s2.wait()
                    for g in range(B // L):
                        rows = iota16 + (g * L)
                        oldc = oldcolb[q][pl.ds(g * L, L)]
                        plsc.store_scatter(dmsg[q], [rows, oldc], zero16)

                @plsc.parallel_loop(0, B, unroll=4)
                def _edge(e):
                    xlv = [xlrb[q][e, pl.ds(k * L, L)] for k in range(KV)]
                    terms = []
                    for k in range(KV):
                        s = xlv[k] + xlrb[q][B + e, pl.ds(k * L, L)]
                        m = jnp.maximum(s, s * NEG_SLOPE)
                        terms.append(m * attv[k])
                    t01 = terms[0] + terms[1]
                    t23 = terms[2] + terms[3]
                    t45 = terms[4] + terms[5]
                    t67 = terms[6] + terms[7]
                    logit = jnp.sum((t01 + t23) + (t45 + t67))
                    a = jnp.exp(lax.broadcast(logit, (L,)))
                    abuf[e, pl.ds(0, L)] = a
                    for k in range(KV):
                        msg[q][e, pl.ds(k * L, L)] = a * xlv[k]

                for g in range(B // L):
                    rows = iota16 + (g * L)
                    dstv = ib[q][1, pl.ds(g * L, L)]
                    av = plsc.load_gather(abuf, [rows, iota16])
                    colv = (dstv & 7) * 16
                    plsc.store_scatter(dmsg[q], [rows, colv], av)
                    oldcolb[q][pl.ds(g * L, L)] = colv
                    sdstb[q][pl.ds(g * L, L)] = dstv
                    didxb[q][pl.ds(g * L, L)] = dstv >> 3

                @pl.when(blk + 2 < nb)
                def _pf2():
                    idx_cp(blk + 2, q).start()

                s1, s2 = scatter_cps(q)
                s1.start(add=True)
                s2.start(add=True)

    for q in ((nb - 2) % 2, (nb - 1) % 2):
        s1, s2 = scatter_cps(q)
        s1.wait()
        s2.wait()

    plsc.subcore_barrier()

    r0 = sid * RPT
    pltpu.sync_copy(acc_sh.at[pl.ds(r0, RPT)],
                    acc_out.at[cid, pl.ds(r0, RPT)])
    d0 = sid * DPT
    pltpu.sync_copy(den_sh.at[pl.ds(d0, DPT)],
                    den_out.at[cid, pl.ds(d0, DPT)])


def _edge_kernel(nb):
    mesh = plsc.VectorSubcoreMesh(core_axis_name="c", subcore_axis_name="s")

    def ivmem(n):
        return pltpu.VMEM((n,), jnp.int32)

    return pl.kernel(
        functools.partial(_edge_body, nb),
        out_type=(
            jax.ShapeDtypeStruct((NC, NPAD, D), jnp.float32),
            jax.ShapeDtypeStruct((NC, NDEN, D), jnp.float32),
        ),
        mesh=mesh,
        compiler_params=pltpu.CompilerParams(
            needs_layout_passes=False, use_tc_tiling_on_sc=False),
        scratch_types=[
            pltpu.VMEM((2, B), jnp.int32),
            pltpu.VMEM((2, B), jnp.int32),
            ivmem(2 * B), ivmem(2 * B),
            ivmem(B), ivmem(B),
            ivmem(B), ivmem(B),
            ivmem(B), ivmem(B),
            pltpu.VMEM((2 * B, D), jnp.float32),
            pltpu.VMEM((2 * B, D), jnp.float32),
            pltpu.VMEM((B, D), jnp.float32),
            pltpu.VMEM((B, D), jnp.float32),
            pltpu.VMEM((B, D), jnp.float32),
            pltpu.VMEM((B, D), jnp.float32),
            pltpu.VMEM((B, L), jnp.float32),
            pltpu.VMEM((D,), jnp.float32),
            pltpu.VMEM_SHARED((NPAD, D), jnp.float32),
            pltpu.VMEM_SHARED((NDEN, D), jnp.float32),
            pltpu.SemaphoreType.DMA, pltpu.SemaphoreType.DMA,
            pltpu.SemaphoreType.DMA, pltpu.SemaphoreType.DMA,
            pltpu.SemaphoreType.DMA, pltpu.SemaphoreType.DMA,
        ],
    )



def _comb_body(acc_ref, den_ref, bias_ref, out_ref):
    num = acc_ref[0] + acc_ref[1]
    den = den_ref[0, :, 0:1] + den_ref[1, :, 0:1]
    out_ref[...] = num / den + bias_ref[...]


def _combine(acc, den16, bias2d):
    g = 10
    r = N_NODES // g
    return pl.pallas_call(
        _comb_body,
        grid=(g,),
        in_specs=[
            pl.BlockSpec((NC, r, D), lambda i: (0, i, 0)),
            pl.BlockSpec((NC, r, L), lambda i: (0, i, 0)),
            pl.BlockSpec((1, D), lambda i: (0, 0)),
        ],
        out_specs=pl.BlockSpec((r, D), lambda i: (i, 0)),
        out_shape=jax.ShapeDtypeStruct((N_NODES, D), jnp.float32),
    )(acc, den16, bias2d)



def kernel(x, edge_index, W_l, W_r, att, bias):
    xpad = jnp.zeros((NPAD - N_NODES, D), jnp.float32)
    xlr = _matmuls(jnp.concatenate([x, xpad]), W_l, W_r)
    xlr_flat = xlr.reshape(NC * NPAD, D)

    loop = jnp.arange(N_NODES, dtype=jnp.int32)
    src = jnp.concatenate([edge_index[0], loop])
    dst = jnp.concatenate([edge_index[1], loop])
    etot = src.shape[0]
    nb = -(-etot // (NW * B))
    epad = nb * NW * B
    pad = epad - etot
    src = jnp.concatenate([src, jnp.full((pad,), N_NODES, jnp.int32)])
    dst = jnp.concatenate([dst, jnp.full((pad,), N_NODES, jnp.int32)])
    ei2 = jnp.stack([src, dst])

    acc, den = _edge_kernel(nb)(xlr_flat, ei2, att)
    den16 = den.reshape(NC, NPAD, L)
    return _combine(acc, den16, bias.reshape(1, D))

# --- scband reference (transcript-rebuilt; emitter-appended) ---
"""Pipeline reference for scband-lin-gatencoder-89635967467601 (READ-ONLY COPY).

The authoritative reference and input builder live on the scoring server;
editing this copy changes nothing except your own understanding.
"""

import jax, jax.numpy as jnp
import numpy as np

N = 10000
E = 320000
D_IN = 128
D_OUT = 128
NEG_SLOPE = 0.2


def setup_inputs(seed: int = 0) -> dict:
    key = jax.random.key(seed)
    k1, k2, k3, k4, k5 = jax.random.split(key, 5)
    x = jax.random.normal(k1, (N, D_IN), dtype=jnp.float32)
    edge_index = jax.random.randint(k2, (2, E), 0, N, dtype=jnp.int32)
    # GATv2Conv (heads=1) learned parameters
    W_l = jax.random.normal(k3, (D_IN, D_OUT), dtype=jnp.float32) * (1.0 / np.sqrt(D_IN))
    W_r = jax.random.normal(k4, (D_IN, D_OUT), dtype=jnp.float32) * (1.0 / np.sqrt(D_IN))
    att = jax.random.normal(k5, (D_OUT,), dtype=jnp.float32) * (1.0 / np.sqrt(D_OUT))
    bias = jnp.zeros((D_OUT,), dtype=jnp.float32)
    return {"x": x, "edge_index": edge_index, "W_l": W_l, "W_r": W_r, "att": att, "bias": bias}


def reference(x, edge_index, W_l, W_r, att, bias):
    # GATv2Conv forward, heads=1, add_self_loops=True, eval mode (dropout inactive)
    src = edge_index[0]
    dst = edge_index[1]
    loop = jnp.arange(N, dtype=src.dtype)
    src = jnp.concatenate([src, loop], axis=0)
    dst = jnp.concatenate([dst, loop], axis=0)

    x_l = x @ W_l  # source-side transform
    x_r = x @ W_r  # target-side transform

    # message: e_ij = att . leaky_relu(x_l[j] + x_r[i])
    m = x_l[src] + x_r[dst]
    m = jax.nn.leaky_relu(m, NEG_SLOPE)
    alpha = m @ att  # [E + N]

    # segment softmax over destination nodes
    amax = jax.ops.segment_max(alpha, dst, num_segments=N)
    amax = jnp.where(jnp.isfinite(amax), amax, 0.0)
    alpha = jnp.exp(alpha - amax[dst])
    denom = jax.ops.segment_sum(alpha, dst, num_segments=N)
    alpha = alpha / (denom[dst] + 1e-16)

    # weighted aggregation of source features
    out = jax.ops.segment_sum(alpha[:, None] * x_l[src], dst, num_segments=N)
    return out + bias

if __name__ == "__main__":
    import jax
    _d = setup_inputs()
    print(jax.jit(kernel)(*tuple(_d.values())))

</pallas_src>

<mosaic_0001>
#map = affine_map<(d0, d1) -> (0, 0)>
#map1 = affine_map<(d0, d1) -> (0)>
#map2 = affine_map<(d0, d1) -> (0, 0, 0)>
module attributes {stable_mosaic.version = 14 : i64} {
  func.func @_edge_body(%arg0: i32, %arg1: i32, %arg2: memref<20480x128xf32, #tpu.memory_space<hbm>>, %arg3: memref<2x330752xi32, #tpu.memory_space<hbm>>, %arg4: memref<128xf32, #tpu.memory_space<hbm>>, %arg5: memref<2x10240x128xf32, #tpu.memory_space<hbm>>, %arg6: memref<2x1280x128xf32, #tpu.memory_space<hbm>>, %arg7: memref<2x32xi32, #tpu.memory_space<vmem>>, %arg8: memref<2x32xi32, #tpu.memory_space<vmem>>, %arg9: memref<64xi32, #tpu.memory_space<vmem>>, %arg10: memref<64xi32, #tpu.memory_space<vmem>>, %arg11: memref<32xi32, #tpu.memory_space<vmem>>, %arg12: memref<32xi32, #tpu.memory_space<vmem>>, %arg13: memref<32xi32, #tpu.memory_space<vmem>>, %arg14: memref<32xi32, #tpu.memory_space<vmem>>, %arg15: memref<32xi32, #tpu.memory_space<vmem>>, %arg16: memref<32xi32, #tpu.memory_space<vmem>>, %arg17: memref<64x128xf32, #tpu.memory_space<vmem>>, %arg18: memref<64x128xf32, #tpu.memory_space<vmem>>, %arg19: memref<32x128xf32, #tpu.memory_space<vmem>>, %arg20: memref<32x128xf32, #tpu.memory_space<vmem>>, %arg21: memref<32x128xf32, #tpu.memory_space<vmem>>, %arg22: memref<32x128xf32, #tpu.memory_space<vmem>>, %arg23: memref<32x16xf32, #tpu.memory_space<vmem>>, %arg24: memref<128xf32, #tpu.memory_space<vmem>>, %arg25: memref<10240x128xf32, #tpu.memory_space<vmem_shared>>, %arg26: memref<1280x128xf32, #tpu.memory_space<vmem_shared>>, %arg27: memref<!tpu.dma_semaphore, #tpu.memory_space<semaphore_mem>>, %arg28: memref<!tpu.dma_semaphore, #tpu.memory_space<semaphore_mem>>, %arg29: memref<!tpu.dma_semaphore, #tpu.memory_space<semaphore_mem>>, %arg30: memref<!tpu.dma_semaphore, #tpu.memory_space<semaphore_mem>>, %arg31: memref<!tpu.dma_semaphore, #tpu.memory_space<semaphore_mem>>, %arg32: memref<!tpu.dma_semaphore, #tpu.memory_space<semaphore_mem>>) attributes {dimension_semantics = [#tpu.dimension_semantics<core_parallel>, #tpu.dimension_semantics<subcore_parallel>], iteration_bounds = array<i64: 2, 16>, scalar_prefetch = 0 : i64, scratch_operands = 26 : i64, tpu.core_type = #tpu.core_type<sc_vector_subcore>, window_params = [{transform_indices = #map}, {transform_indices = #map}, {transform_indices = #map1}, {transform_indices = #map2}, {transform_indices = #map2}]} {
    %mul3A = arith.constant 2 : i32
    %mul3A_0 = arith.muli %arg1, %mul3A : i32
    %add3A = arith.addi %mul3A_0, %arg0 : i32
    %broadcast_in_dim3A = arith.constant 0.000000e+00 : f32
    %broadcast_in_dim3A_1 = vector.broadcast %broadcast_in_dim3A : f32 to vector<16xf32>
    %iota3A = tpu.iota {dimensions = array<i32: 0>} : vector<16xi32>
    %scan3A = arith.constant 0 : i32
    %scan3A_2 = arith.constant 32 : i32
    %scan3A_3 = arith.addi %scan3A, %scan3A_2 : i32
    %scan3A_4 = arith.constant 1 : i32
    scf.for %scan3A_108 = %scan3A to %scan3A_3 step %scan3A_4  : i32 {
      %mul3A_109 = arith.constant 1 : i32
      %mul3A_110 = arith.muli %scan3A_108, %mul3A_109 : i32
      %add3A_111 = arith.constant 0 : i32
      %add3A_112 = arith.addi %add3A_111, %mul3A_110 : i32
      %swap3A_113 = arith.index_cast %add3A_112 : i32 to index
      %swap3A_114 = arith.constant 0 : index
      %swap3A_115 = tpu.vector_load %arg19[%swap3A_113, %swap3A_114] {strides = array<i32>} : memref<32x128xf32, #tpu.memory_space<vmem>>, vector<16xf32>,
      tpu.vector_store %arg19[%swap3A_113, %swap3A_114], %broadcast_in_dim3A_1 {strides = array<i32>} : memref<32x128xf32, #tpu.memory_space<vmem>>, vector<16xf32>,
      %swap3A_116 = arith.index_cast %add3A_112 : i32 to index
      %swap3A_117 = arith.constant 0 : index
      %swap3A_118 = tpu.vector_load %arg21[%swap3A_116, %swap3A_117] {strides = array<i32>} : memref<32x128xf32, #tpu.memory_space<vmem>>, vector<16xf32>,
      tpu.vector_store %arg21[%swap3A_116, %swap3A_117], %broadcast_in_dim3A_1 {strides = array<i32>} : memref<32x128xf32, #tpu.memory_space<vmem>>, vector<16xf32>,
      %swap3A_119 = arith.index_cast %add3A_112 : i32 to index
      %swap3A_120 = arith.constant 0 : index
      %swap3A_121 = tpu.vector_load %arg22[%swap3A_119, %swap3A_120] {strides = array<i32>} : memref<32x128xf32, #tpu.memory_space<vmem>>, vector<16xf32>,
      tpu.vector_store %arg22[%swap3A_119, %swap3A_120], %broadcast_in_dim3A_1 {strides = array<i32>} : memref<32x128xf32, #tpu.memory_space<vmem>>, vector<16xf32>,
      %swap3A_122 = arith.index_cast %add3A_112 : i32 to index
      %swap3A_123 = arith.constant 16 : index
      %swap3A_124 = tpu.vector_load %arg19[%swap3A_122, %swap3A_123] {strides = array<i32>} : memref<32x128xf32, #tpu.memory_space<vmem>>, vector<16xf32>,
      tpu.vector_store %arg19[%swap3A_122, %swap3A_123], %broadcast_in_dim3A_1 {strides = array<i32>} : memref<32x128xf32, #tpu.memory_space<vmem>>, vector<16xf32>,
      %swap3A_125 = arith.index_cast %add3A_112 : i32 to index
      %swap3A_126 = arith.constant 16 : index
      %swap3A_127 = tpu.vector_load %arg21[%swap3A_125, %swap3A_126] {strides = array<i32>} : memref<32x128xf32, #tpu.memory_space<vmem>>, vector<16xf32>,
      tpu.vector_store %arg21[%swap3A_125, %swap3A_126], %broadcast_in_dim3A_1 {strides = array<i32>} : memref<32x128xf32, #tpu.memory_space<vmem>>, vector<16xf32>,
      %swap3A_128 = arith.index_cast %add3A_112 : i32 to index
      %swap3A_129 = arith.constant 16 : index
      %swap3A_130 = tpu.vector_load %arg22[%swap3A_128, %swap3A_129] {strides = array<i32>} : memref<32x128xf32, #tpu.memory_space<vmem>>, vector<16xf32>,
      tpu.vector_store %arg22[%swap3A_128, %swap3A_129], %broadcast_in_dim3A_1 {strides = array<i32>} : memref<32x128xf32, #tpu.memory_space<vmem>>, vector<16xf32>,
      %swap3A_131 = arith.index_cast %add3A_112 : i32 to index
      %swap3A_132 = arith.constant 32 : index
      %swap3A_133 = tpu.vector_load %arg19[%swap3A_131, %swap3A_132] {strides = array<i32>} : memref<32x128xf32, #tpu.memory_space<vmem>>, vector<16xf32>,
      tpu.vector_store %arg19[%swap3A_131, %swap3A_132], %broadcast_in_dim3A_1 {strides = array<i32>} : memref<32x128xf32, #tpu.memory_space<vmem>>, vector<16xf32>,
      %swap3A_134 = arith.index_cast %add3A_112 : i32 to index
      %swap3A_135 = arith.constant 32 : index
      %swap3A_136 = tpu.vector_load %arg21[%swap3A_134, %swap3A_135] {strides = array<i32>} : memref<32x128xf32, #tpu.memory_space<vmem>>, vector<16xf32>,
      tpu.vector_store %arg21[%swap3A_134, %swap3A_135], %broadcast_in_dim3A_1 {strides = array<i32>} : memref<32x128xf32, #tpu.memory_space<vmem>>, vector<16xf32>,
      %swap3A_137 = arith.index_cast %add3A_112 : i32 to index
      %swap3A_138 = arith.constant 32 : index
      %swap3A_139 = tpu.vector_load %arg22[%swap3A_137, %swap3A_138] {strides = array<i32>} : memref<32x128xf32, #tpu.memory_space<vmem>>, vector<16xf32>,
      tpu.vector_store %arg22[%swap3A_137, %swap3A_138], %broadcast_in_dim3A_1 {strides = array<i32>} : memref<32x128xf32, #tpu.memory_space<vmem>>, vector<16xf32>,
      %swap3A_140 = arith.index_cast %add3A_112 : i32 to index
      %swap3A_141 = arith.constant 48 : index
      %swap3A_142 = tpu.vector_load %arg19[%swap3A_140, %swap3A_141] {strides = array<i32>} : memref<32x128xf32, #tpu.memory_space<vmem>>, vector<16xf32>,
      tpu.vector_store %arg19[%swap3A_140, %swap3A_141], %broadcast_in_dim3A_1 {strides = array<i32>} : memref<32x128xf32, #tpu.memory_space<vmem>>, vector<16xf32>,
      %swap3A_143 = arith.index_cast %add3A_112 : i32 to index
      %swap3A_144 = arith.constant 48 : index
      %swap3A_145 = tpu.vector_load %arg21[%swap3A_143, %swap3A_144] {strides = array<i32>} : memref<32x128xf32, #tpu.memory_space<vmem>>, vector<16xf32>,
      tpu.vector_store %arg21[%swap3A_143, %swap3A_144], %broadcast_in_dim3A_1 {strides = array<i32>} : memref<32x128xf32, #tpu.memory_space<vmem>>, vector<16xf32>,
      %swap3A_146 = arith.index_cast %add3A_112 : i32 to index
      %swap3A_147 = arith.constant 48 : index
      %swap3A_148 = tpu.vector_load %arg22[%swap3A_146, %swap3A_147] {strides = array<i32>} : memref<32x128xf32, #tpu.memory_space<vmem>>, vector<16xf32>,
      tpu.vector_store %arg22[%swap3A_146, %swap3A_147], %broadcast_in_dim3A_1 {strides = array<i32>} : memref<32x128xf32, #tpu.memory_space<vmem>>, vector<16xf32>,
      %swap3A_149 = arith.index_cast %add3A_112 : i32 to index
      %swap3A_150 = arith.constant 64 : index
      %swap3A_151 = tpu.vector_load %arg19[%swap3A_149, %swap3A_150] {strides = array<i32>} : memref<32x128xf32, #tpu.memory_space<vmem>>, vector<16xf32>,
      tpu.vector_store %arg19[%swap3A_149, %swap3A_150], %broadcast_in_dim3A_1 {strides = array<i32>} : memref<32x128xf32, #tpu.memory_space<vmem>>, vector<16xf32>,
      %swap3A_152 = arith.index_cast %add3A_112 : i32 to index
      %swap3A_153 = arith.constant 64 : index
      %swap3A_154 = tpu.vector_load %arg21[%swap3A_152, %swap3A_153] {strides = array<i32>} : memref<32x128xf32, #tpu.memory_space<vmem>>, vector<16xf32>,
      tpu.vector_store %arg21[%swap3A_152, %swap3A_153], %broadcast_in_dim3A_1 {strides = array<i32>} : memref<32x128xf32, #tpu.memory_space<vmem>>, vector<16xf32>,
      %swap3A_155 = arith.index_cast %add3A_112 : i32 to index
      %swap3A_156 = arith.constant 64 : index
      %swap3A_157 = tpu.vector_load %arg22[%swap3A_155, %swap3A_156] {strides = array<i32>} : memref<32x128xf32, #tpu.memory_space<vmem>>, vector<16xf32>,
      tpu.vector_store %arg22[%swap3A_155, %swap3A_156], %broadcast_in_dim3A_1 {strides = array<i32>} : memref<32x128xf32, #tpu.memory_space<vmem>>, vector<16xf32>,
      %swap3A_158 = arith.index_cast %add3A_112 : i32 to index
      %swap3A_159 = arith.constant 80 : index
      %swap3A_160 = tpu.vector_load %arg19[%swap3A_158, %swap3A_159] {strides = array<i32>} : memref<32x128xf32, #tpu.memory_space<vmem>>, vector<16xf32>,
      tpu.vector_store %arg19[%swap3A_158, %swap3A_159], %broadcast_in_dim3A_1 {strides = array<i32>} : memref<32x128xf32, #tpu.memory_space<vmem>>, vector<16xf32>,
      %swap3A_161 = arith.index_cast %add3A_112 : i32 to index
      %swap3A_162 = arith.constant 80 : index
      %swap3A_163 = tpu.vector_load %arg21[%swap3A_161, %swap3A_162] {strides = array<i32>} : memref<32x128xf32, #tpu.memory_space<vmem>>, vector<16xf32>,
      tpu.vector_store %arg21[%swap3A_161, %swap3A_162], %broadcast_in_dim3A_1 {strides = array<i32>} : memref<32x128xf32, #tpu.memory_space<vmem>>, vector<16xf32>,
      %swap3A_164 = arith.index_cast %add3A_112 : i32 to index
      %swap3A_165 = arith.constant 80 : index
      %swap3A_166 = tpu.vector_load %arg22[%swap3A_164, %swap3A_165] {strides = array<i32>} : memref<32x128xf32, #tpu.memory_space<vmem>>, vector<16xf32>,
      tpu.vector_store %arg22[%swap3A_164, %swap3A_165], %broadcast_in_dim3A_1 {strides = array<i32>} : memref<32x128xf32, #tpu.memory_space<vmem>>, vector<16xf32>,
      %swap3A_167 = arith.index_cast %add3A_112 : i32 to index
      %swap3A_168 = arith.constant 96 : index
      %swap3A_169 = tpu.vector_load %arg19[%swap3A_167, %swap3A_168] {strides = array<i32>} : memref<32x128xf32, #tpu.memory_space<vmem>>, vector<16xf32>,
      tpu.vector_store %arg19[%swap3A_167, %swap3A_168], %broadcast_in_dim3A_1 {strides = array<i32>} : memref<32x128xf32, #tpu.memory_space<vmem>>, vector<16xf32>,
      %swap3A_170 = arith.index_cast %add3A_112 : i32 to index
      %swap3A_171 = arith.constant 96 : index
      %swap3A_172 = tpu.vector_load %arg21[%swap3A_170, %swap3A_171] {strides = array<i32>} : memref<32x128xf32, #tpu.memory_space<vmem>>, vector<16xf32>,
      tpu.vector_store %arg21[%swap3A_170, %swap3A_171], %broadcast_in_dim3A_1 {strides = array<i32>} : memref<32x128xf32, #tpu.memory_space<vmem>>, vector<16xf32>,
      %swap3A_173 = arith.index_cast %add3A_112 : i32 to index
      %swap3A_174 = arith.constant 96 : index
      %swap3A_175 = tpu.vector_load %arg22[%swap3A_173, %swap3A_174] {strides = array<i32>} : memref<32x128xf32, #tpu.memory_space<vmem>>, vector<16xf32>,
      tpu.vector_store %arg22[%swap3A_173, %swap3A_174], %broadcast_in_dim3A_1 {strides = array<i32>} : memref<32x128xf32, #tpu.memory_space<vmem>>, vector<16xf32>,
      %swap3A_176 = arith.index_cast %add3A_112 : i32 to index
      %swap3A_177 = arith.constant 112 : index
      %swap3A_178 = tpu.vector_load %arg19[%swap3A_176, %swap3A_177] {strides = array<i32>} : memref<32x128xf32, #tpu.memory_space<vmem>>, vector<16xf32>,
      tpu.vector_store %arg19[%swap3A_176, %swap3A_177], %broadcast_in_dim3A_1 {strides = array<i32>} : memref<32x128xf32, #tpu.memory_space<vmem>>, vector<16xf32>,
      %swap3A_179 = arith.index_cast %add3A_112 : i32 to index
      %swap3A_180 = arith.constant 112 : index
      %swap3A_181 = tpu.vector_load %arg21[%swap3A_179, %swap3A_180] {strides = array<i32>} : memref<32x128xf32, #tpu.memory_space<vmem>>, vector<16xf32>,
      tpu.vector_store %arg21[%swap3A_179, %swap3A_180], %broadcast_in_dim3A_1 {strides = array<i32>} : memref<32x128xf32, #tpu.memory_space<vmem>>, vector<16xf32>,
      %swap3A_182 = arith.index_cast %add3A_112 : i32 to index
      %swap3A_183 = arith.constant 112 : index
      %swap3A_184 = tpu.vector_load %arg22[%swap3A_182, %swap3A_183] {strides = array<i32>} : memref<32x128xf32, #tpu.memory_space<vmem>>, vector<16xf32>,
      tpu.vector_store %arg22[%swap3A_182, %swap3A_183], %broadcast_in_dim3A_1 {strides = array<i32>} : memref<32x128xf32, #tpu.memory_space<vmem>>, vector<16xf32>,
    }
    %scan3A_5 = arith.constant 32 : i32
    %scan3A_6 = arith.constant 0 : i32
    %scan3A_7 = arith.constant 20 : i32
    %scan3A_8 = arith.addi %scan3A_6, %scan3A_7 : i32
    %scan3A_9 = arith.constant 1 : i32
    scf.for %scan3A_108 = %scan3A_6 to %scan3A_8 step %scan3A_9  : i32 {
      %mul3A_109 = arith.constant 1 : i32
      %mul3A_110 = arith.muli %scan3A_108, %mul3A_109 : i32
      %add3A_111 = arith.constant 0 : i32
      %add3A_112 = arith.addi %add3A_111, %mul3A_110 : i32
      %mul3A_113 = arith.constant 640 : i32
      %mul3A_114 = arith.muli %arg1, %mul3A_113 : i32
      %mul3A_115 = arith.constant 32 : i32
      %mul3A_116 = arith.muli %add3A_112, %mul3A_115 : i32
      %add3A_117 = arith.addi %mul3A_114, %mul3A_116 : i32
      "tpu.region"() ({
        %run_scoped3A = tpu.sem_alloc : memref<!tpu.dma_semaphore, #tpu.memory_space<semaphore_mem>>
        %dma_start3A_118 = arith.constant 0 : i32
        %dma_start3A_119 = tpu.memref_slice %arg25[%add3A_117, %dma_start3A_118] : memref<10240x128xf32, #tpu.memory_space<vmem_shared>> -> memref<32x128xf32, #tpu.memory_space<vmem_shared>>
        %dma_start3A_120 = arith.constant 0 : i32
        %dma_start3A_121 = tpu.memref_slice %arg25[%add3A_117, %dma_start3A_120] : memref<10240x128xf32, #tpu.memory_space<vmem_shared>> -> memref<32x128xf32, #tpu.memory_space<vmem_shared>>
        tpu.enqueue_dma source(%arg19 : memref<32x128xf32, #tpu.memory_space<vmem>>) target(%dma_start3A_121 : memref<32x128xf32, #tpu.memory_space<vmem_shared>>) target_semaphore(%run_scoped3A : memref<!tpu.dma_semaphore, #tpu.memory_space<semaphore_mem>>)
        %dma_wait3A_122 = arith.constant 0 : i32
        %dma_wait3A_123 = tpu.memref_slice %arg25[%add3A_117, %dma_wait3A_122] : memref<10240x128xf32, #tpu.memory_space<vmem_shared>> -> memref<32x128xf32, #tpu.memory_space<vmem_shared>>
        %dma_wait3A_124 = arith.constant 0 : i32
        %dma_wait3A_125 = tpu.memref_slice %arg25[%add3A_117, %dma_wait3A_124] : memref<10240x128xf32, #tpu.memory_space<vmem_shared>> -> memref<32x128xf32, #tpu.memory_space<vmem_shared>>
        tpu.wait_dma2 semaphore(%run_scoped3A : memref<!tpu.dma_semaphore, #tpu.memory_space<semaphore_mem>>) src(%arg19 : memref<32x128xf32, #tpu.memory_space<vmem>>) dst(%dma_wait3A_125 : memref<32x128xf32, #tpu.memory_space<vmem_shared>>)
        tpu.yield
      }) : () -> ()
    }
    %scan3A_10 = arith.constant 20 : i32
    %mul3A_11 = arith.constant 80 : i32
    %mul3A_12 = arith.muli %arg1, %mul3A_11 : i32
    %add3A_13 = arith.constant 0 : i32
    %add3A_14 = arith.addi %mul3A_12, %add3A_13 : i32
    "tpu.region"() ({
      %run_scoped3A = tpu.sem_alloc : memref<!tpu.dma_semaphore, #tpu.memory_space<semaphore_mem>>
      %dma_start3A_108 = arith.constant 0 : i32
      %dma_start3A_109 = arith.constant 0 : i32
      %dma_start3A_110 = tpu.memref_slice %arg21[%dma_start3A_108, %dma_start3A_109] : memref<32x128xf32, #tpu.memory_space<vmem>> -> memref<32x128xf32, #tpu.memory_space<vmem>>
      %dma_start3A_111 = arith.constant 0 : i32
      %dma_start3A_112 = tpu.memref_slice %arg26[%add3A_14, %dma_start3A_111] : memref<1280x128xf32, #tpu.memory_space<vmem_shared>> -> memref<32x128xf32, #tpu.memory_space<vmem_shared>>
      %dma_start3A_113 = arith.constant 0 : i32
      %dma_start3A_114 = tpu.memref_slice %arg26[%add3A_14, %dma_start3A_113] : memref<1280x128xf32, #tpu.memory_space<vmem_shared>> -> memref<32x128xf32, #tpu.memory_space<vmem_shared>>
      %dma_start3A_115 = arith.constant 0 : i32
      %dma_start3A_116 = arith.constant 0 : i32
      %dma_start3A_117 = tpu.memref_slice %arg21[%dma_start3A_115, %dma_start3A_116] : memref<32x128xf32, #tpu.memory_space<vmem>> -> memref<32x128xf32, #tpu.memory_space<vmem>>
      tpu.enqueue_dma source(%dma_start3A_117 : memref<32x128xf32, #tpu.memory_space<vmem>>) target(%dma_start3A_114 : memref<32x128xf32, #tpu.memory_space<vmem_shared>>) target_semaphore(%run_scoped3A : memref<!tpu.dma_semaphore, #tpu.memory_space<semaphore_mem>>)
      %dma_wait3A_118 = arith.constant 0 : i32
      %dma_wait3A_119 = arith.constant 0 : i32
      %dma_wait3A_120 = tpu.memref_slice %arg21[%dma_wait3A_118, %dma_wait3A_119] : memref<32x128xf32, #tpu.memory_space<vmem>> -> memref<32x128xf32, #tpu.memory_space<vmem>>
      %dma_wait3A_121 = arith.constant 0 : i32
      %dma_wait3A_122 = tpu.memref_slice %arg26[%add3A_14, %dma_wait3A_121] : memref<1280x128xf32, #tpu.memory_space<vmem_shared>> -> memref<32x128xf32, #tpu.memory_space<vmem_shared>>
      %dma_wait3A_123 = arith.constant 0 : i32
      %dma_wait3A_124 = tpu.memref_slice %arg26[%add3A_14, %dma_wait3A_123] : memref<1280x128xf32, #tpu.memory_space<vmem_shared>> -> memref<32x128xf32, #tpu.memory_space<vmem_shared>>
      %dma_wait3A_125 = arith.constant 0 : i32
      %dma_wait3A_126 = arith.constant 0 : i32
      %dma_wait3A_127 = tpu.memref_slice %arg21[%dma_wait3A_125, %dma_wait3A_126] : memref<32x128xf32, #tpu.memory_space<vmem>> -> memref<32x128xf32, #tpu.memory_space<vmem>>
      tpu.wait_dma2 semaphore(%run_scoped3A : memref<!tpu.dma_semaphore, #tpu.memory_space<semaphore_mem>>) src(%dma_wait3A_127 : memref<32x128xf32, #tpu.memory_space<vmem>>) dst(%dma_wait3A_124 : memref<32x128xf32, #tpu.memory_space<vmem_shared>>)
      tpu.yield
    }) : () -> ()
    %mul3A_15 = arith.constant 80 : i32
    %mul3A_16 = arith.muli %arg1, %mul3A_15 : i32
    %add3A_17 = arith.constant 32 : i32
    %add3A_18 = arith.addi %mul3A_16, %add3A_17 : i32
    "tpu.region"() ({
      %run_scoped3A = tpu.sem_alloc : memref<!tpu.dma_semaphore, #tpu.memory_space<semaphore_mem>>
      %dma_start3A_108 = arith.constant 0 : i32
      %dma_start3A_109 = arith.constant 0 : i32
      %dma_start3A_110 = tpu.memref_slice %arg21[%dma_start3A_108, %dma_start3A_109] : memref<32x128xf32, #tpu.memory_space<vmem>> -> memref<32x128xf32, #tpu.memory_space<vmem>>
      %dma_start3A_111 = arith.constant 0 : i32
      %dma_start3A_112 = tpu.memref_slice %arg26[%add3A_18, %dma_start3A_111] : memref<1280x128xf32, #tpu.memory_space<vmem_shared>> -> memref<32x128xf32, #tpu.memory_space<vmem_shared>>
      %dma_start3A_113 = arith.constant 0 : i32
      %dma_start3A_114 = tpu.memref_slice %arg26[%add3A_18, %dma_start3A_113] : memref<1280x128xf32, #tpu.memory_space<vmem_shared>> -> memref<32x128xf32, #tpu.memory_space<vmem_shared>>
      %dma_start3A_115 = arith.constant 0 : i32
      %dma_start3A_116 = arith.constant 0 : i32
      %dma_start3A_117 = tpu.memref_slice %arg21[%dma_start3A_115, %dma_start3A_116] : memref<32x128xf32, #tpu.memory_space<vmem>> -> memref<32x128xf32, #tpu.memory_space<vmem>>
      tpu.enqueue_dma source(%dma_start3A_117 : memref<32x128xf32, #tpu.memory_space<vmem>>) target(%dma_start3A_114 : memref<32x128xf32, #tpu.memory_space<vmem_shared>>) target_semaphore(%run_scoped3A : memref<!tpu.dma_semaphore, #tpu.memory_space<semaphore_mem>>)
      %dma_wait3A_118 = arith.constant 0 : i32
      %dma_wait3A_119 = arith.constant 0 : i32
      %dma_wait3A_120 = tpu.memref_slice %arg21[%dma_wait3A_118, %dma_wait3A_119] : memref<32x128xf32, #tpu.memory_space<vmem>> -> memref<32x128xf32, #tpu.memory_space<vmem>>
      %dma_wait3A_121 = arith.constant 0 : i32
      %dma_wait3A_122 = tpu.memref_slice %arg26[%add3A_18, %dma_wait3A_121] : memref<1280x128xf32, #tpu.memory_space<vmem_shared>> -> memref<32x128xf32, #tpu.memory_space<vmem_shared>>
      %dma_wait3A_123 = arith.constant 0 : i32
      %dma_wait3A_124 = tpu.memref_slice %arg26[%add3A_18, %dma_wait3A_123] : memref<1280x128xf32, #tpu.memory_space<vmem_shared>> -> memref<32x128xf32, #tpu.memory_space<vmem_shared>>
      %dma_wait3A_125 = arith.constant 0 : i32
      %dma_wait3A_126 = arith.constant 0 : i32
      %dma_wait3A_127 = tpu.memref_slice %arg21[%dma_wait3A_125, %dma_wait3A_126] : memref<32x128xf32, #tpu.memory_space<vmem>> -> memref<32x128xf32, #tpu.memory_space<vmem>>
      tpu.wait_dma2 semaphore(%run_scoped3A : memref<!tpu.dma_semaphore, #tpu.memory_space<semaphore_mem>>) src(%dma_wait3A_127 : memref<32x128xf32, #tpu.memory_space<vmem>>) dst(%dma_wait3A_124 : memref<32x128xf32, #tpu.memory_space<vmem_shared>>)
      tpu.yield
    }) : () -> ()
    %mul3A_19 = arith.constant 80 : i32
    %mul3A_20 = arith.muli %arg1, %mul3A_19 : i32
    %add3A_21 = arith.constant 64 : i32
    %add3A_22 = arith.addi %mul3A_20, %add3A_21 : i32
    "tpu.region"() ({
      %run_scoped3A = tpu.sem_alloc : memref<!tpu.dma_semaphore, #tpu.memory_space<semaphore_mem>>
      %dma_start3A_108 = arith.constant 0 : i32
      %dma_start3A_109 = arith.constant 0 : i32
      %dma_start3A_110 = tpu.memref_slice %arg21[%dma_start3A_108, %dma_start3A_109] : memref<32x128xf32, #tpu.memory_space<vmem>> -> memref<16x128xf32, #tpu.memory_space<vmem>>
      %dma_start3A_111 = arith.constant 0 : i32
      %dma_start3A_112 = tpu.memref_slice %arg26[%add3A_22, %dma_start3A_111] : memref<1280x128xf32, #tpu.memory_space<vmem_shared>> -> memref<16x128xf32, #tpu.memory_space<vmem_shared>>
      %dma_start3A_113 = arith.constant 0 : i32
      %dma_start3A_114 = tpu.memref_slice %arg26[%add3A_22, %dma_start3A_113] : memref<1280x128xf32, #tpu.memory_space<vmem_shared>> -> memref<16x128xf32, #tpu.memory_space<vmem_shared>>
      %dma_start3A_115 = arith.constant 0 : i32
      %dma_start3A_116 = arith.constant 0 : i32
      %dma_start3A_117 = tpu.memref_slice %arg21[%dma_start3A_115, %dma_start3A_116] : memref<32x128xf32, #tpu.memory_space<vmem>> -> memref<16x128xf32, #tpu.memory_space<vmem>>
      tpu.enqueue_dma source(%dma_start3A_117 : memref<16x128xf32, #tpu.memory_space<vmem>>) target(%dma_start3A_114 : memref<16x128xf32, #tpu.memory_space<vmem_shared>>) target_semaphore(%run_scoped3A : memref<!tpu.dma_semaphore, #tpu.memory_space<semaphore_mem>>)
      %dma_wait3A_118 = arith.constant 0 : i32
      %dma_wait3A_119 = arith.constant 0 : i32
      %dma_wait3A_120 = tpu.memref_slice %arg21[%dma_wait3A_118, %dma_wait3A_119] : memref<32x128xf32, #tpu.memory_space<vmem>> -> memref<16x128xf32, #tpu.memory_space<vmem>>
      %dma_wait3A_121 = arith.constant 0 : i32
      %dma_wait3A_122 = tpu.memref_slice %arg26[%add3A_22, %dma_wait3A_121] : memref<1280x128xf32, #tpu.memory_space<vmem_shared>> -> memref<16x128xf32, #tpu.memory_space<vmem_shared>>
      %dma_wait3A_123 = arith.constant 0 : i32
      %dma_wait3A_124 = tpu.memref_slice %arg26[%add3A_22, %dma_wait3A_123] : memref<1280x128xf32, #tpu.memory_space<vmem_shared>> -> memref<16x128xf32, #tpu.memory_space<vmem_shared>>
      %dma_wait3A_125 = arith.constant 0 : i32
      %dma_wait3A_126 = arith.constant 0 : i32
      %dma_wait3A_127 = tpu.memref_slice %arg21[%dma_wait3A_125, %dma_wait3A_126] : memref<32x128xf32, #tpu.memory_space<vmem>> -> memref<16x128xf32, #tpu.memory_space<vmem>>
      tpu.wait_dma2 semaphore(%run_scoped3A : memref<!tpu.dma_semaphore, #tpu.memory_space<semaphore_mem>>) src(%dma_wait3A_127 : memref<16x128xf32, #tpu.memory_space<vmem>>) dst(%dma_wait3A_124 : memref<16x128xf32, #tpu.memory_space<vmem_shared>>)
      tpu.yield
    }) : () -> ()
    %barrier3A = arith.constant 0 : index
    tpu.barrier barrier_id(%barrier3A)
    "tpu.region"() ({
      %run_scoped3A = tpu.sem_alloc : memref<!tpu.dma_semaphore, #tpu.memory_space<semaphore_mem>>
      tpu.enqueue_dma source(%arg4 : memref<128xf32, #tpu.memory_space<hbm>>) target(%arg24 : memref<128xf32, #tpu.memory_space<vmem>>) target_semaphore(%run_scoped3A : memref<!tpu.dma_semaphore, #tpu.memory_space<semaphore_mem>>)
      tpu.wait_dma2 semaphore(%run_scoped3A : memref<!tpu.dma_semaphore, #tpu.memory_space<semaphore_mem>>) src(%arg4 : memref<128xf32, #tpu.memory_space<hbm>>) dst(%arg24 : memref<128xf32, #tpu.memory_space<vmem>>)
      tpu.yield
    }) : () -> ()
    %get3A = arith.constant 0 : index
    %get3A_23 = tpu.vector_load %arg24[%get3A] {strides = array<i32>} : memref<128xf32, #tpu.memory_space<vmem>>, vector<16xf32>,
    %get3A_24 = arith.constant 16 : index
    %get3A_25 = tpu.vector_load %arg24[%get3A_24] {strides = array<i32>} : memref<128xf32, #tpu.memory_space<vmem>>, vector<16xf32>,
    %get3A_26 = arith.constant 32 : index
    %get3A_27 = tpu.vector_load %arg24[%get3A_26] {strides = array<i32>} : memref<128xf32, #tpu.memory_space<vmem>>, vector<16xf32>,
    %get3A_28 = arith.constant 48 : index
    %get3A_29 = tpu.vector_load %arg24[%get3A_28] {strides = array<i32>} : memref<128xf32, #tpu.memory_space<vmem>>, vector<16xf32>,
    %get3A_30 = arith.constant 64 : index
    %get3A_31 = tpu.vector_load %arg24[%get3A_30] {strides = array<i32>} : memref<128xf32, #tpu.memory_space<vmem>>, vector<16xf32>,
    %get3A_32 = arith.constant 80 : index
    %get3A_33 = tpu.vector_load %arg24[%get3A_32] {strides = array<i32>} : memref<128xf32, #tpu.memory_space<vmem>>, vector<16xf32>,
    %get3A_34 = arith.constant 96 : index
    %get3A_35 = tpu.vector_load %arg24[%get3A_34] {strides = array<i32>} : memref<128xf32, #tpu.memory_space<vmem>>, vector<16xf32>,
    %get3A_36 = arith.constant 112 : index
    %get3A_37 = tpu.vector_load %arg24[%get3A_36] {strides = array<i32>} : memref<128xf32, #tpu.memory_space<vmem>>, vector<16xf32>,
    %mul3A_38 = arith.constant 10336 : i32
    %mul3A_39 = arith.muli %add3A, %mul3A_38 : i32
    %add3A_40 = arith.constant 0 : i32
    %add3A_41 = arith.addi %mul3A_39, %add3A_40 : i32
    %dma_start3A = arith.constant 0 : i32
    %dma_start3A_42 = tpu.memref_slice %arg3[%dma_start3A, %add3A_41] : memref<2x330752xi32, #tpu.memory_space<hbm>> -> memref<2x32xi32, #tpu.memory_space<hbm>>
    %dma_start3A_43 = arith.constant 0 : i32
    %dma_start3A_44 = tpu.memref_slice %arg3[%dma_start3A_43, %add3A_41] : memref<2x330752xi32, #tpu.memory_space<hbm>> -> memref<2x32xi32, #tpu.memory_space<hbm>>
    tpu.enqueue_dma source(%dma_start3A_44 : memref<2x32xi32, #tpu.memory_space<hbm>>) target(%arg7 : memref<2x32xi32, #tpu.memory_space<vmem>>) target_semaphore(%arg27 : memref<!tpu.dma_semaphore, #tpu.memory_space<semaphore_mem>>)
    %dma_wait3A = arith.constant 0 : i32
    %dma_wait3A_45 = tpu.memref_slice %arg3[%dma_wait3A, %add3A_41] : memref<2x330752xi32, #tpu.memory_space<hbm>> -> memref<2x32xi32, #tpu.memory_space<hbm>>
    %dma_wait3A_46 = arith.constant 0 : i32
    %dma_wait3A_47 = tpu.memref_slice %arg3[%dma_wait3A_46, %add3A_41] : memref<2x330752xi32, #tpu.memory_space<hbm>> -> memref<2x32xi32, #tpu.memory_space<hbm>>
    tpu.wait_dma2 semaphore(%arg27 : memref<!tpu.dma_semaphore, #tpu.memory_space<semaphore_mem>>) src(%dma_wait3A_47 : memref<2x32xi32, #tpu.memory_space<hbm>>) dst(%arg7 : memref<2x32xi32, #tpu.memory_space<vmem>>)
    %get3A_48 = arith.constant 0 : i32
    %get3A_49 = arith.index_cast %get3A_48 : i32 to index
    %get3A_50 = arith.constant 0 : index
    %get3A_51 = tpu.vector_load %arg7[%get3A_49, %get3A_50] {strides = array<i32>} : memref<2x32xi32, #tpu.memory_space<vmem>>, vector<16xi32>,
    %swap3A = arith.constant 0 : index
    %swap3A_52 = tpu.vector_load %arg9[%swap3A] {strides = array<i32>} : memref<64xi32, #tpu.memory_space<vmem>>, vector<16xi32>,
    tpu.vector_store %arg9[%swap3A], %get3A_51 {strides = array<i32>} : memref<64xi32, #tpu.memory_space<vmem>>, vector<16xi32>,
    %get3A_53 = arith.constant 1 : i32
    %get3A_54 = arith.index_cast %get3A_53 : i32 to index
    %get3A_55 = arith.constant 0 : index
    %get3A_56 = tpu.vector_load %arg7[%get3A_54, %get3A_55] {strides = array<i32>} : memref<2x32xi32, #tpu.memory_space<vmem>>, vector<16xi32>,
    %add3A_57 = arith.constant 10240 : i32
    %add3A_58 = vector.broadcast %add3A_57 : i32 to vector<16xi32>
    %add3A_59 = arith.addi %get3A_56, %add3A_58 : vector<16xi32>
    %swap3A_60 = arith.constant 32 : index
    %swap3A_61 = tpu.vector_load %arg9[%swap3A_60] {strides = array<i32>} : memref<64xi32, #tpu.memory_space<vmem>>, vector<16xi32>,
    tpu.vector_store %arg9[%swap3A_60], %add3A_59 {strides = array<i32>} : memref<64xi32, #tpu.memory_space<vmem>>, vector<16xi32>,
    %get3A_62 = arith.constant 0 : i32
    %get3A_63 = arith.index_cast %get3A_62 : i32 to index
    %get3A_64 = arith.constant 16 : index
    %get3A_65 = tpu.vector_load %arg7[%get3A_63, %get3A_64] {strides = array<i32>} : memref<2x32xi32, #tpu.memory_space<vmem>>, vector<16xi32>,
    %swap3A_66 = arith.constant 16 : index
    %swap3A_67 = tpu.vector_load %arg9[%swap3A_66] {strides = array<i32>} : memref<64xi32, #tpu.memory_space<vmem>>, vector<16xi32>,
    tpu.vector_store %arg9[%swap3A_66], %get3A_65 {strides = array<i32>} : memref<64xi32, #tpu.memory_space<vmem>>, vector<16xi32>,
    %get3A_68 = arith.constant 1 : i32
    %get3A_69 = arith.index_cast %get3A_68 : i32 to index
    %get3A_70 = arith.constant 16 : index
    %get3A_71 = tpu.vector_load %arg7[%get3A_69, %get3A_70] {strides = array<i32>} : memref<2x32xi32, #tpu.memory_space<vmem>>, vector<16xi32>,
    %add3A_72 = arith.constant 10240 : i32
    %add3A_73 = vector.broadcast %add3A_72 : i32 to vector<16xi32>
    %add3A_74 = arith.addi %get3A_71, %add3A_73 : vector<16xi32>
    %swap3A_75 = arith.constant 48 : index
    %swap3A_76 = tpu.vector_load %arg9[%swap3A_75] {strides = array<i32>} : memref<64xi32, #tpu.memory_space<vmem>>, vector<16xi32>,
    tpu.vector_store %arg9[%swap3A_75], %add3A_74 {strides = array<i32>} : memref<64xi32, #tpu.memory_space<vmem>>, vector<16xi32>,
    %add3A_77 = arith.constant 32 : i32
    %add3A_78 = arith.addi %mul3A_39, %add3A_77 : i32
    %dma_start3A_79 = arith.constant 0 : i32
    %dma_start3A_80 = tpu.memref_slice %arg3[%dma_start3A_79, %add3A_78] : memref<2x330752xi32, #tpu.memory_space<hbm>> -> memref<2x32xi32, #tpu.memory_space<hbm>>
    %dma_start3A_81 = arith.constant 0 : i32
    %dma_start3A_82 = tpu.memref_slice %arg3[%dma_start3A_81, %add3A_78] : memref<2x330752xi32, #tpu.memory_space<hbm>> -> memref<2x32xi32, #tpu.memory_space<hbm>>
    tpu.enqueue_dma source(%dma_start3A_82 : memref<2x32xi32, #tpu.memory_space<hbm>>) target(%arg8 : memref<2x32xi32, #tpu.memory_space<vmem>>) target_semaphore(%arg28 : memref<!tpu.dma_semaphore, #tpu.memory_space<semaphore_mem>>)
    %dma_start3A_83 = arith.constant 0 : i32
    %dma_start3A_84 = arith.constant 0 : i32
    %dma_start3A_85 = tpu.memref_slice %arg2[%dma_start3A_83, %dma_start3A_84] : memref<20480x128xf32, #tpu.memory_space<hbm>> -> memref<20480x128xf32, #tpu.memory_space<hbm>>
    tpu.enqueue_indirect_dma source(%dma_start3A_85 : memref<20480x128xf32, #tpu.memory_space<hbm>>) target(%arg17 : memref<64x128xf32, #tpu.memory_space<vmem>>) offsets(%arg9 : memref<64xi32, #tpu.memory_space<vmem>>) semaphore(%arg29 : memref<!tpu.dma_semaphore, #tpu.memory_space<semaphore_mem>>)
    %scan3A_86 = arith.constant 0 : i32
    %scan3A_87 = arith.constant 162 : i32
    %scan3A_88 = arith.addi %scan3A_86, %scan3A_87 : i32
    %scan3A_89 = arith.constant 1 : i32
    scf.for %scan3A_108 = %scan3A_86 to %scan3A_88 step %scan3A_89  : i32 {
      %mul3A_109 = arith.constant 1 : i32
      %mul3A_110 = arith.muli %scan3A_108, %mul3A_109 : i32
      %add3A_111 = arith.constant 0 : i32
      %add3A_112 = arith.addi %add3A_111, %mul3A_110 : i32
      %mul3A_113 = arith.constant 2 : i32
      %mul3A_114 = arith.muli %add3A_112, %mul3A_113 : i32
      %add3A_115 = arith.constant 0 : i32
      %add3A_116 = arith.addi %mul3A_114, %add3A_115 : i32
      %lt3A = arith.constant 323 : i32
      %lt3A_117 = arith.cmpi slt, %add3A_116, %lt3A : i32
      %convert_element_type3A = arith.extui %lt3A_117 : i1 to i32
      %cond3A = arith.constant 0 : i32
      %cond3A_118 = arith.cmpi ne, %convert_element_type3A, %cond3A : i32
      scf.if %cond3A_118 {
        %add3A_128 = arith.constant 1 : i32
        %add3A_129 = arith.addi %add3A_116, %add3A_128 : i32
        %lt3A_130 = arith.constant 323 : i32
        %lt3A_131 = arith.cmpi slt, %add3A_129, %lt3A_130 : i32
        %convert_element_type3A_132 = arith.extui %lt3A_131 : i1 to i32
        %cond3A_133 = arith.constant 0 : i32
        %cond3A_134 = arith.cmpi ne, %convert_element_type3A_132, %cond3A_133 : i32
        scf.if %cond3A_134 {
          %add3A_200 = arith.constant 1 : i32
          %add3A_201 = arith.addi %add3A_116, %add3A_200 : i32
          %mul3A_202 = arith.constant 32 : i32
          %mul3A_203 = arith.muli %add3A_201, %mul3A_202 : i32
          %add3A_204 = arith.addi %mul3A_39, %mul3A_203 : i32
          %dma_wait3A_205 = arith.constant 0 : i32
          %dma_wait3A_206 = tpu.memref_slice %arg3[%dma_wait3A_205, %add3A_204] : memref<2x330752xi32, #tpu.memory_space<hbm>> -> memref<2x32xi32, #tpu.memory_space<hbm>>
          %dma_wait3A_207 = arith.constant 0 : i32
          %dma_wait3A_208 = tpu.memref_slice %arg3[%dma_wait3A_207, %add3A_204] : memref<2x330752xi32, #tpu.memory_space<hbm>> -> memref<2x32xi32, #tpu.memory_space<hbm>>
          tpu.wait_dma2 semaphore(%arg28 : memref<!tpu.dma_semaphore, #tpu.memory_space<semaphore_mem>>) src(%dma_wait3A_208 : memref<2x32xi32, #tpu.memory_space<hbm>>) dst(%arg8 : memref<2x32xi32, #tpu.memory_space<vmem>>)
          %get3A_209 = arith.constant 0 : i32
          %get3A_210 = arith.index_cast %get3A_209 : i32 to index
          %get3A_211 = arith.constant 0 : index
          %get3A_212 = tpu.vector_load %arg8[%get3A_210, %get3A_211] {strides = array<i32>} : memref<2x32xi32, #tpu.memory_space<vmem>>, vector<16xi32>,
          %swap3A_213 = arith.constant 0 : index
          %swap3A_214 = tpu.vector_load %arg10[%swap3A_213] {strides = array<i32>} : memref<64xi32, #tpu.memory_space<vmem>>, vector<16xi32>,
          tpu.vector_store %arg10[%swap3A_213], %get3A_212 {strides = array<i32>} : memref<64xi32, #tpu.memory_space<vmem>>, vector<16xi32>,
          %get3A_215 = arith.constant 1 : i32
          %get3A_216 = arith.index_cast %get3A_215 : i32 to index
          %get3A_217 = arith.constant 0 : index
          %get3A_218 = tpu.vector_load %arg8[%get3A_216, %get3A_217] {strides = array<i32>} : memref<2x32xi32, #tpu.memory_space<vmem>>, vector<16xi32>,
          %add3A_219 = arith.constant 10240 : i32
          %add3A_220 = vector.broadcast %add3A_219 : i32 to vector<16xi32>
          %add3A_221 = arith.addi %get3A_218, %add3A_220 : vector<16xi32>
          %swap3A_222 = arith.constant 32 : index
          %swap3A_223 = tpu.vector_load %arg10[%swap3A_222] {strides = array<i32>} : memref<64xi32, #tpu.memory_space<vmem>>, vector<16xi32>,
          tpu.vector_store %arg10[%swap3A_222], %add3A_221 {strides = array<i32>} : memref<64xi32, #tpu.memory_space<vmem>>, vector<16xi32>,
          %get3A_224 = arith.constant 0 : i32
          %get3A_225 = arith.index_cast %get3A_224 : i32 to index
          %get3A_226 = arith.constant 16 : index
          %get3A_227 = tpu.vector_load %arg8[%get3A_225, %get3A_226] {strides = array<i32>} : memref<2x32xi32, #tpu.memory_space<vmem>>, vector<16xi32>,
          %swap3A_228 = arith.constant 16 : index
          %swap3A_229 = tpu.vector_load %arg10[%swap3A_228] {strides = array<i32>} : memref<64xi32, #tpu.memory_space<vmem>>, vector<16xi32>,
          tpu.vector_store %arg10[%swap3A_228], %get3A_227 {strides = array<i32>} : memref<64xi32, #tpu.memory_space<vmem>>, vector<16xi32>,
          %get3A_230 = arith.constant 1 : i32
          %get3A_231 = arith.index_cast %get3A_230 : i32 to index
          %get3A_232 = arith.constant 16 : index
          %get3A_233 = tpu.vector_load %arg8[%get3A_231, %get3A_232] {strides = array<i32>} : memref<2x32xi32, #tpu.memory_space<vmem>>, vector<16xi32>,
          %add3A_234 = arith.constant 10240 : i32
          %add3A_235 = vector.broadcast %add3A_234 : i32 to vector<16xi32>
          %add3A_236 = arith.addi %get3A_233, %add3A_235 : vector<16xi32>
          %swap3A_237 = arith.constant 48 : index
          %swap3A_238 = tpu.vector_load %arg10[%swap3A_237] {strides = array<i32>} : memref<64xi32, #tpu.memory_space<vmem>>, vector<16xi32>,
          tpu.vector_store %arg10[%swap3A_237], %add3A_236 {strides = array<i32>} : memref<64xi32, #tpu.memory_space<vmem>>, vector<16xi32>,
          %dma_start3A_239 = arith.constant 0 : i32
          %dma_start3A_240 = arith.constant 0 : i32
          %dma_start3A_241 = tpu.memref_slice %arg2[%dma_start3A_239, %dma_start3A_240] : memref<20480x128xf32, #tpu.memory_space<hbm>> -> memref<20480x128xf32, #tpu.memory_space<hbm>>
          tpu.enqueue_indirect_dma source(%dma_start3A_241 : memref<20480x128xf32, #tpu.memory_space<hbm>>) target(%arg18 : memref<64x128xf32, #tpu.memory_space<vmem>>) offsets(%arg10 : memref<64xi32, #tpu.memory_space<vmem>>) semaphore(%arg30 : memref<!tpu.dma_semaphore, #tpu.memory_space<semaphore_mem>>)
        } else {
        }
        %dma_wait3A_135 = arith.constant 0 : i32
        %dma_wait3A_136 = arith.constant 0 : i32
        %dma_wait3A_137 = tpu.memref_slice %arg2[%dma_wait3A_135, %dma_wait3A_136] : memref<20480x128xf32, #tpu.memory_space<hbm>> -> memref<20480x128xf32, #tpu.memory_space<hbm>>
        tpu.wait_indirect_dma semaphore(%arg29 : memref<!tpu.dma_semaphore, #tpu.memory_space<semaphore_mem>>) src(%dma_wait3A_137 : memref<20480x128xf32, #tpu.memory_space<hbm>>) dst(%arg17 : memref<64x128xf32, #tpu.memory_space<vmem>>)
        %ge3A = arith.constant 2 : i32
        %ge3A_138 = arith.cmpi sge, %add3A_116, %ge3A : i32
        %convert_element_type3A_139 = arith.extui %ge3A_138 : i1 to i32
        %cond3A_140 = arith.constant 0 : i32
        %cond3A_141 = arith.cmpi ne, %convert_element_type3A_139, %cond3A_140 : i32
        scf.if %cond3A_141 {
          %dma_wait3A_200 = arith.constant 0 : i32
          %dma_wait3A_201 = arith.constant 0 : i32
          %dma_wait3A_202 = tpu.memref_slice %arg25[%dma_wait3A_200, %dma_wait3A_201] : memref<10240x128xf32, #tpu.memory_space<vmem_shared>> -> memref<10240x128xf32, #tpu.memory_space<vmem_shared>>
          tpu.wait_indirect_dma semaphore(%arg31 : memref<!tpu.dma_semaphore, #tpu.memory_space<semaphore_mem>>) src(%arg19 : memref<32x128xf32, #tpu.memory_space<vmem>>) dst(%dma_wait3A_202 : memref<10240x128xf32, #tpu.memory_space<vmem_shared>>)
          %dma_wait3A_203 = arith.constant 0 : i32
          %dma_wait3A_204 = arith.constant 0 : i32
          %dma_wait3A_205 = tpu.memref_slice %arg26[%dma_wait3A_203, %dma_wait3A_204] : memref<1280x128xf32, #tpu.memory_space<vmem_shared>> -> memref<1280x128xf32, #tpu.memory_space<vmem_shared>>
          tpu.wait_indirect_dma semaphore(%arg31 : memref<!tpu.dma_semaphore, #tpu.memory_space<semaphore_mem>>) src(%arg21 : memref<32x128xf32, #tpu.memory_space<vmem>>) dst(%dma_wait3A_205 : memref<1280x128xf32, #tpu.memory_space<vmem_shared>>)
          %add3A_206 = arith.constant 0 : i32
          %add3A_207 = vector.broadcast %add3A_206 : i32 to vector<16xi32>
          %add3A_208 = arith.addi %iota3A, %add3A_207 : vector<16xi32>
          %get3A_209 = arith.constant 0 : index
          %get3A_210 = tpu.vector_load %arg15[%get3A_209] {strides = array<i32>} : memref<32xi32, #tpu.memory_space<vmem>>, vector<16xi32>,
          tpu.vector_store_idx %arg21[%add3A_208, %get3A_210], %broadcast_in_dim3A_1 : memref<32x128xf32, #tpu.memory_space<vmem>>[vector<16xi32>, vector<16xi32>], vector<16xf32>,
          %add3A_211 = arith.constant 16 : i32
          %add3A_212 = vector.broadcast %add3A_211 : i32 to vector<16xi32>
          %add3A_213 = arith.addi %iota3A, %add3A_212 : vector<16xi32>
          %get3A_214 = arith.constant 16 : index
          %get3A_215 = tpu.vector_load %arg15[%get3A_214] {strides = array<i32>} : memref<32xi32, #tpu.memory_space<vmem>>, vector<16xi32>,
          tpu.vector_store_idx %arg21[%add3A_213, %get3A_215], %broadcast_in_dim3A_1 : memref<32x128xf32, #tpu.memory_space<vmem>>[vector<16xi32>, vector<16xi32>], vector<16xf32>,
        } else {
        }
        %parallel_loop3A = arith.constant 0 : i32
        %parallel_loop3A_142 = arith.constant 32 : i32
        %parallel_loop3A_143 = arith.constant 1 : i32
        scf.for %parallel_loop3A_200 = %parallel_loop3A to %parallel_loop3A_142 step %parallel_loop3A_143  : i32 {
          %parallel_loop3A_201 = arith.index_cast %parallel_loop3A_200 : i32 to index
          %parallel_loop3A_202 = arith.constant 0 : index
          %parallel_loop3A_203 = tpu.vector_load %arg17[%parallel_loop3A_201, %parallel_loop3A_202] {strides = array<i32>} : memref<64x128xf32, #tpu.memory_space<vmem>>, vector<16xf32>,
          %parallel_loop3A_204 = arith.index_cast %parallel_loop3A_200 : i32 to index
          %parallel_loop3A_205 = arith.constant 16 : index
          %parallel_loop3A_206 = tpu.vector_load %arg17[%parallel_loop3A_204, %parallel_loop3A_205] {strides = array<i32>} : memref<64x128xf32, #tpu.memory_space<vmem>>, vector<16xf32>,
          %parallel_loop3A_207 = arith.index_cast %parallel_loop3A_200 : i32 to index
          %parallel_loop3A_208 = arith.constant 32 : index
          %parallel_loop3A_209 = tpu.vector_load %arg17[%parallel_loop3A_207, %parallel_loop3A_208] {strides = array<i32>} : memref<64x128xf32, #tpu.memory_space<vmem>>, vector<16xf32>,
          %parallel_loop3A_210 = arith.index_cast %parallel_loop3A_200 : i32 to index
          %parallel_loop3A_211 = arith.constant 48 : index
          %parallel_loop3A_212 = tpu.vector_load %arg17[%parallel_loop3A_210, %parallel_loop3A_211] {strides = array<i32>} : memref<64x128xf32, #tpu.memory_space<vmem>>, vector<16xf32>,
          %parallel_loop3A_213 = arith.index_cast %parallel_loop3A_200 : i32 to index
          %parallel_loop3A_214 = arith.constant 64 : index
          %parallel_loop3A_215 = tpu.vector_load %arg17[%parallel_loop3A_213, %parallel_loop3A_214] {strides = array<i32>} : memref<64x128xf32, #tpu.memory_space<vmem>>, vector<16xf32>,
          %parallel_loop3A_216 = arith.index_cast %parallel_loop3A_200 : i32 to index
          %parallel_loop3A_217 = arith.constant 80 : index
          %parallel_loop3A_218 = tpu.vector_load %arg17[%parallel_loop3A_216, %parallel_loop3A_217] {strides = array<i32>} : memref<64x128xf32, #tpu.memory_space<vmem>>, vector<16xf32>,
          %parallel_loop3A_219 = arith.index_cast %parallel_loop3A_200 : i32 to index
          %parallel_loop3A_220 = arith.constant 96 : index
          %parallel_loop3A_221 = tpu.vector_load %arg17[%parallel_loop3A_219, %parallel_loop3A_220] {strides = array<i32>} : memref<64x128xf32, #tpu.memory_space<vmem>>, vector<16xf32>,
          %parallel_loop3A_222 = arith.index_cast %parallel_loop3A_200 : i32 to index
          %parallel_loop3A_223 = arith.constant 112 : index
          %parallel_loop3A_224 = tpu.vector_load %arg17[%parallel_loop3A_222, %parallel_loop3A_223] {strides = array<i32>} : memref<64x128xf32, #tpu.memory_space<vmem>>, vector<16xf32>,
          %parallel_loop3A_225 = arith.constant 32 : i32
          %parallel_loop3A_226 = arith.addi %parallel_loop3A_225, %parallel_loop3A_200 : i32
          %parallel_loop3A_227 = arith.index_cast %parallel_loop3A_226 : i32 to index
          %parallel_loop3A_228 = arith.constant 0 : index
          %parallel_loop3A_229 = tpu.vector_load %arg17[%parallel_loop3A_227, %parallel_loop3A_228] {strides = array<i32>} : memref<64x128xf32, #tpu.memory_space<vmem>>, vector<16xf32>,
          %parallel_loop3A_230 = arith.addf %parallel_loop3A_203, %parallel_loop3A_229 : vector<16xf32>
          %parallel_loop3A_231 = arith.constant 2.000000e-01 : f32
          %parallel_loop3A_232 = vector.broadcast %parallel_loop3A_231 : f32 to vector<16xf32>
          %parallel_loop3A_233 = arith.mulf %parallel_loop3A_230, %parallel_loop3A_232 : vector<16xf32>
          %parallel_loop3A_234 = arith.maximumf %parallel_loop3A_230, %parallel_loop3A_233 : vector<16xf32>
          %parallel_loop3A_235 = arith.mulf %parallel_loop3A_234, %get3A_23 : vector<16xf32>
          %parallel_loop3A_236 = arith.constant 32 : i32
          %parallel_loop3A_237 = arith.addi %parallel_loop3A_236, %parallel_loop3A_200 : i32
          %parallel_loop3A_238 = arith.index_cast %parallel_loop3A_237 : i32 to index
          %parallel_loop3A_239 = arith.constant 16 : index
          %parallel_loop3A_240 = tpu.vector_load %arg17[%parallel_loop3A_238, %parallel_loop3A_239] {strides = array<i32>} : memref<64x128xf32, #tpu.memory_space<vmem>>, vector<16xf32>,
          %parallel_loop3A_241 = arith.addf %parallel_loop3A_206, %parallel_loop3A_240 : vector<16xf32>
          %parallel_loop3A_242 = arith.constant 2.000000e-01 : f32
          %parallel_loop3A_243 = vector.broadcast %parallel_loop3A_242 : f32 to vector<16xf32>
          %parallel_loop3A_244 = arith.mulf %parallel_loop3A_241, %parallel_loop3A_243 : vector<16xf32>
          %parallel_loop3A_245 = arith.maximumf %parallel_loop3A_241, %parallel_loop3A_244 : vector<16xf32>
          %parallel_loop3A_246 = arith.mulf %parallel_loop3A_245, %get3A_25 : vector<16xf32>
          %parallel_loop3A_247 = arith.constant 32 : i32
          %parallel_loop3A_248 = arith.addi %parallel_loop3A_247, %parallel_loop3A_200 : i32
          %parallel_loop3A_249 = arith.index_cast %parallel_loop3A_248 : i32 to index
          %parallel_loop3A_250 = arith.constant 32 : index
          %parallel_loop3A_251 = tpu.vector_load %arg17[%parallel_loop3A_249, %parallel_loop3A_250] {strides = array<i32>} : memref<64x128xf32, #tpu.memory_space<vmem>>, vector<16xf32>,
          %parallel_loop3A_252 = arith.addf %parallel_loop3A_209, %parallel_loop3A_251 : vector<16xf32>
          %parallel_loop3A_253 = arith.constant 2.000000e-01 : f32
          %parallel_loop3A_254 = vector.broadcast %parallel_loop3A_253 : f32 to vector<16xf32>
          %parallel_loop3A_255 = arith.mulf %parallel_loop3A_252, %parallel_loop3A_254 : vector<16xf32>
          %parallel_loop3A_256 = arith.maximumf %parallel_loop3A_252, %parallel_loop3A_255 : vector<16xf32>
          %parallel_loop3A_257 = arith.mulf %parallel_loop3A_256, %get3A_27 : vector<16xf32>
          %parallel_loop3A_258 = arith.constant 32 : i32
          %parallel_loop3A_259 = arith.addi %parallel_loop3A_258, %parallel_loop3A_200 : i32
          %parallel_loop3A_260 = arith.index_cast %parallel_loop3A_259 : i32 to index
          %parallel_loop3A_261 = arith.constant 48 : index
          %parallel_loop3A_262 = tpu.vector_load %arg17[%parallel_loop3A_260, %parallel_loop3A_261] {strides = array<i32>} : memref<64x128xf32, #tpu.memory_space<vmem>>, vector<16xf32>,
          %parallel_loop3A_263 = arith.addf %parallel_loop3A_212, %parallel_loop3A_262 : vector<16xf32>
          %parallel_loop3A_264 = arith.constant 2.000000e-01 : f32
          %parallel_loop3A_265 = vector.broadcast %parallel_loop3A_264 : f32 to vector<16xf32>
          %parallel_loop3A_266 = arith.mulf %parallel_loop3A_263, %parallel_loop3A_265 : vector<16xf32>
          %parallel_loop3A_267 = arith.maximumf %parallel_loop3A_263, %parallel_loop3A_266 : vector<16xf32>
          %parallel_loop3A_268 = arith.mulf %parallel_loop3A_267, %get3A_29 : vector<16xf32>
          %parallel_loop3A_269 = arith.constant 32 : i32
          %parallel_loop3A_270 = arith.addi %parallel_loop3A_269, %parallel_loop3A_200 : i32
          %parallel_loop3A_271 = arith.index_cast %parallel_loop3A_270 : i32 to index
          %parallel_loop3A_272 = arith.constant 64 : index
          %parallel_loop3A_273 = tpu.vector_load %arg17[%parallel_loop3A_271, %parallel_loop3A_272] {strides = array<i32>} : memref<64x128xf32, #tpu.memory_space<vmem>>, vector<16xf32>,
          %parallel_loop3A_274 = arith.addf %parallel_loop3A_215, %parallel_loop3A_273 : vector<16xf32>
          %parallel_loop3A_275 = arith.constant 2.000000e-01 : f32
          %parallel_loop3A_276 = vector.broadcast %parallel_loop3A_275 : f32 to vector<16xf32>
          %parallel_loop3A_277 = arith.mulf %parallel_loop3A_274, %parallel_loop3A_276 : vector<16xf32>
          %parallel_loop3A_278 = arith.maximumf %parallel_loop3A_274, %parallel_loop3A_277 : vector<16xf32>
          %parallel_loop3A_279 = arith.mulf %parallel_loop3A_278, %get3A_31 : vector<16xf32>
          %parallel_loop3A_280 = arith.constant 32 : i32
          %parallel_loop3A_281 = arith.addi %parallel_loop3A_280, %parallel_loop3A_200 : i32
          %parallel_loop3A_282 = arith.index_cast %parallel_loop3A_281 : i32 to index
          %parallel_loop3A_283 = arith.constant 80 : index
          %parallel_loop3A_284 = tpu.vector_load %arg17[%parallel_loop3A_282, %parallel_loop3A_283] {strides = array<i32>} : memref<64x128xf32, #tpu.memory_space<vmem>>, vector<16xf32>,
          %parallel_loop3A_285 = arith.addf %parallel_loop3A_218, %parallel_loop3A_284 : vector<16xf32>
          %parallel_loop3A_286 = arith.constant 2.000000e-01 : f32
          %parallel_loop3A_287 = vector.broadcast %parallel_loop3A_286 : f32 to vector<16xf32>
          %parallel_loop3A_288 = arith.mulf %parallel_loop3A_285, %parallel_loop3A_287 : vector<16xf32>
          %parallel_loop3A_289 = arith.maximumf %parallel_loop3A_285, %parallel_loop3A_288 : vector<16xf32>
          %parallel_loop3A_290 = arith.mulf %parallel_loop3A_289, %get3A_33 : vector<16xf32>
          %parallel_loop3A_291 = arith.constant 32 : i32
          %parallel_loop3A_292 = arith.addi %parallel_loop3A_291, %parallel_loop3A_200 : i32
          %parallel_loop3A_293 = arith.index_cast %parallel_loop3A_292 : i32 to index
          %parallel_loop3A_294 = arith.constant 96 : index
          %parallel_loop3A_295 = tpu.vector_load %arg17[%parallel_loop3A_293, %parallel_loop3A_294] {strides = array<i32>} : memref<64x128xf32, #tpu.memory_space<vmem>>, vector<16xf32>,
          %parallel_loop3A_296 = arith.addf %parallel_loop3A_221, %parallel_loop3A_295 : vector<16xf32>
          %parallel_loop3A_297 = arith.constant 2.000000e-01 : f32
          %parallel_loop3A_298 = vector.broadcast %parallel_loop3A_297 : f32 to vector<16xf32>
          %parallel_loop3A_299 = arith.mulf %parallel_loop3A_296, %parallel_loop3A_298 : vector<16xf32>
          %parallel_loop3A_300 = arith.maximumf %parallel_loop3A_296, %parallel_loop3A_299 : vector<16xf32>
          %parallel_loop3A_301 = arith.mulf %parallel_loop3A_300, %get3A_35 : vector<16xf32>
          %parallel_loop3A_302 = arith.constant 32 : i32
          %parallel_loop3A_303 = arith.addi %parallel_loop3A_302, %parallel_loop3A_200 : i32
          %parallel_loop3A_304 = arith.index_cast %parallel_loop3A_303 : i32 to index
          %parallel_loop3A_305 = arith.constant 112 : index
          %parallel_loop3A_306 = tpu.vector_load %arg17[%parallel_loop3A_304, %parallel_loop3A_305] {strides = array<i32>} : memref<64x128xf32, #tpu.memory_space<vmem>>, vector<16xf32>,
          %parallel_loop3A_307 = arith.addf %parallel_loop3A_224, %parallel_loop3A_306 : vector<16xf32>
          %parallel_loop3A_308 = arith.constant 2.000000e-01 : f32
          %parallel_loop3A_309 = vector.broadcast %parallel_loop3A_308 : f32 to vector<16xf32>
          %parallel_loop3A_310 = arith.mulf %parallel_loop3A_307, %parallel_loop3A_309 : vector<16xf32>
          %parallel_loop3A_311 = arith.maximumf %parallel_loop3A_307, %parallel_loop3A_310 : vector<16xf32>
          %parallel_loop3A_312 = arith.mulf %parallel_loop3A_311, %get3A_37 : vector<16xf32>
          %parallel_loop3A_313 = arith.addf %parallel_loop3A_235, %parallel_loop3A_246 : vector<16xf32>
          %parallel_loop3A_314 = arith.addf %parallel_loop3A_257, %parallel_loop3A_268 : vector<16xf32>
          %parallel_loop3A_315 = arith.addf %parallel_loop3A_279, %parallel_loop3A_290 : vector<16xf32>
          %parallel_loop3A_316 = arith.addf %parallel_loop3A_301, %parallel_loop3A_312 : vector<16xf32>
          %parallel_loop3A_317 = arith.addf %parallel_loop3A_313, %parallel_loop3A_314 : vector<16xf32>
          %parallel_loop3A_318 = arith.addf %parallel_loop3A_315, %parallel_loop3A_316 : vector<16xf32>
          %parallel_loop3A_319 = arith.addf %parallel_loop3A_317, %parallel_loop3A_318 : vector<16xf32>
          %parallel_loop3A_320 = arith.constant true
          %parallel_loop3A_321 = vector.broadcast %parallel_loop3A_320 : i1 to vector<16xi1>
          %parallel_loop3A_322 = tpu.scan <sum>, %parallel_loop3A_319 masked %parallel_loop3A_321 : vector<16xf32>, vector<16xi1> -> vector<16xf32>
          %parallel_loop3A_323 = vector.extract %parallel_loop3A_322[15] : f32 from vector<16xf32>
          %parallel_loop3A_324 = vector.broadcast %parallel_loop3A_323 : f32 to vector<16xf32>
          %parallel_loop3A_325 = math.exp %parallel_loop3A_324 : vector<16xf32>
          %parallel_loop3A_326 = arith.index_cast %parallel_loop3A_200 : i32 to index
          %parallel_loop3A_327 = arith.constant 0 : index
          %parallel_loop3A_328 = tpu.vector_load %arg23[%parallel_loop3A_326, %parallel_loop3A_327] {strides = array<i32>} : memref<32x16xf32, #tpu.memory_space<vmem>>, vector<16xf32>,
          tpu.vector_store %arg23[%parallel_loop3A_326, %parallel_loop3A_327], %parallel_loop3A_325 {strides = array<i32>} : memref<32x16xf32, #tpu.memory_space<vmem>>, vector<16xf32>,
          %parallel_loop3A_329 = arith.mulf %parallel_loop3A_325, %parallel_loop3A_203 : vector<16xf32>
          %parallel_loop3A_330 = arith.index_cast %parallel_loop3A_200 : i32 to index
          %parallel_loop3A_331 = arith.constant 0 : index
          %parallel_loop3A_332 = tpu.vector_load %arg19[%parallel_loop3A_330, %parallel_loop3A_331] {strides = array<i32>} : memref<32x128xf32, #tpu.memory_space<vmem>>, vector<16xf32>,
          tpu.vector_store %arg19[%parallel_loop3A_330, %parallel_loop3A_331], %parallel_loop3A_329 {strides = array<i32>} : memref<32x128xf32, #tpu.memory_space<vmem>>, vector<16xf32>,
          %parallel_loop3A_333 = arith.mulf %parallel_loop3A_325, %parallel_loop3A_206 : vector<16xf32>
          %parallel_loop3A_334 = arith.index_cast %parallel_loop3A_200 : i32 to index
          %parallel_loop3A_335 = arith.constant 16 : index
          %parallel_loop3A_336 = tpu.vector_load %arg19[%parallel_loop3A_334, %parallel_loop3A_335] {strides = array<i32>} : memref<32x128xf32, #tpu.memory_space<vmem>>, vector<16xf32>,
          tpu.vector_store %arg19[%parallel_loop3A_334, %parallel_loop3A_335], %parallel_loop3A_333 {strides = array<i32>} : memref<32x128xf32, #tpu.memory_space<vmem>>, vector<16xf32>,
          %parallel_loop3A_337 = arith.mulf %parallel_loop3A_325, %parallel_loop3A_209 : vector<16xf32>
          %parallel_loop3A_338 = arith.index_cast %parallel_loop3A_200 : i32 to index
          %parallel_loop3A_339 = arith.constant 32 : index
          %parallel_loop3A_340 = tpu.vector_load %arg19[%parallel_loop3A_338, %parallel_loop3A_339] {strides = array<i32>} : memref<32x128xf32, #tpu.memory_space<vmem>>, vector<16xf32>,
          tpu.vector_store %arg19[%parallel_loop3A_338, %parallel_loop3A_339], %parallel_loop3A_337 {strides = array<i32>} : memref<32x128xf32, #tpu.memory_space<vmem>>, vector<16xf32>,
          %parallel_loop3A_341 = arith.mulf %parallel_loop3A_325, %parallel_loop3A_212 : vector<16xf32>
          %parallel_loop3A_342 = arith.index_cast %parallel_loop3A_200 : i32 to index
          %parallel_loop3A_343 = arith.constant 48 : index
          %parallel_loop3A_344 = tpu.vector_load %arg19[%parallel_loop3A_342, %parallel_loop3A_343] {strides = array<i32>} : memref<32x128xf32, #tpu.memory_space<vmem>>, vector<16xf32>,
          tpu.vector_store %arg19[%parallel_loop3A_342, %parallel_loop3A_343], %parallel_loop3A_341 {strides = array<i32>} : memref<32x128xf32, #tpu.memory_space<vmem>>, vector<16xf32>,
          %parallel_loop3A_345 = arith.mulf %parallel_loop3A_325, %parallel_loop3A_215 : vector<16xf32>
          %parallel_loop3A_346 = arith.index_cast %parallel_loop3A_200 : i32 to index
          %parallel_loop3A_347 = arith.constant 64 : index
          %parallel_loop3A_348 = tpu.vector_load %arg19[%parallel_loop3A_346, %parallel_loop3A_347] {strides = array<i32>} : memref<32x128xf32, #tpu.memory_space<vmem>>, vector<16xf32>,
          tpu.vector_store %arg19[%parallel_loop3A_346, %parallel_loop3A_347], %parallel_loop3A_345 {strides = array<i32>} : memref<32x128xf32, #tpu.memory_space<vmem>>, vector<16xf32>,
          %parallel_loop3A_349 = arith.mulf %parallel_loop3A_325, %parallel_loop3A_218 : vector<16xf32>
          %parallel_loop3A_350 = arith.index_cast %parallel_loop3A_200 : i32 to index
          %parallel_loop3A_351 = arith.constant 80 : index
          %parallel_loop3A_352 = tpu.vector_load %arg19[%parallel_loop3A_350, %parallel_loop3A_351] {strides = array<i32>} : memref<32x128xf32, #tpu.memory_space<vmem>>, vector<16xf32>,
          tpu.vector_store %arg19[%parallel_loop3A_350, %parallel_loop3A_351], %parallel_loop3A_349 {strides = array<i32>} : memref<32x128xf32, #tpu.memory_space<vmem>>, vector<16xf32>,
          %parallel_loop3A_353 = arith.mulf %parallel_loop3A_325, %parallel_loop3A_221 : vector<16xf32>
          %parallel_loop3A_354 = arith.index_cast %parallel_loop3A_200 : i32 to index
          %parallel_loop3A_355 = arith.constant 96 : index
          %parallel_loop3A_356 = tpu.vector_load %arg19[%parallel_loop3A_354, %parallel_loop3A_355] {strides = array<i32>} : memref<32x128xf32, #tpu.memory_space<vmem>>, vector<16xf32>,
          tpu.vector_store %arg19[%parallel_loop3A_354, %parallel_loop3A_355], %parallel_loop3A_353 {strides = array<i32>} : memref<32x128xf32, #tpu.memory_space<vmem>>, vector<16xf32>,
          %parallel_loop3A_357 = arith.mulf %parallel_loop3A_325, %parallel_loop3A_224 : vector<16xf32>
          %parallel_loop3A_358 = arith.index_cast %parallel_loop3A_200 : i32 to index
          %parallel_loop3A_359 = arith.constant 112 : index
          %parallel_loop3A_360 = tpu.vector_load %arg19[%parallel_loop3A_358, %parallel_loop3A_359] {strides = array<i32>} : memref<32x128xf32, #tpu.memory_space<vmem>>, vector<16xf32>,
          tpu.vector_store %arg19[%parallel_loop3A_358, %parallel_loop3A_359], %parallel_loop3A_357 {strides = array<i32>} : memref<32x128xf32, #tpu.memory_space<vmem>>, vector<16xf32>,
        } {sc.loop_unroll_factor = 4 : i64, sc.parallel_access}
        %add3A_144 = arith.constant 0 : i32
        %add3A_145 = vector.broadcast %add3A_144 : i32 to vector<16xi32>
        %add3A_146 = arith.addi %iota3A, %add3A_145 : vector<16xi32>
        %get3A_147 = arith.constant 1 : i32
        %get3A_148 = arith.index_cast %get3A_147 : i32 to index
        %get3A_149 = arith.constant 0 : index
        %get3A_150 = tpu.vector_load %arg7[%get3A_148, %get3A_149] {strides = array<i32>} : memref<2x32xi32, #tpu.memory_space<vmem>>, vector<16xi32>,
        %gather3A = tpu.vector_load_idx %arg23[%add3A_146, %iota3A] : memref<32x16xf32, #tpu.memory_space<vmem>>[vector<16xi32>, vector<16xi32>], vector<16xf32>,
        %and3A = arith.constant 7 : i32
        %and3A_151 = vector.broadcast %and3A : i32 to vector<16xi32>
        %and3A_152 = arith.andi %get3A_150, %and3A_151 : vector<16xi32>
        %mul3A_153 = arith.constant 16 : i32
        %mul3A_154 = vector.broadcast %mul3A_153 : i32 to vector<16xi32>
        %mul3A_155 = arith.muli %and3A_152, %mul3A_154 : vector<16xi32>
        tpu.vector_store_idx %arg21[%add3A_146, %mul3A_155], %gather3A : memref<32x128xf32, #tpu.memory_space<vmem>>[vector<16xi32>, vector<16xi32>], vector<16xf32>,
        %swap3A_156 = arith.constant 0 : index
        %swap3A_157 = tpu.vector_load %arg15[%swap3A_156] {strides = array<i32>} : memref<32xi32, #tpu.memory_space<vmem>>, vector<16xi32>,
        tpu.vector_store %arg15[%swap3A_156], %mul3A_155 {strides = array<i32>} : memref<32xi32, #tpu.memory_space<vmem>>, vector<16xi32>,
        %swap3A_158 = arith.constant 0 : index
        %swap3A_159 = tpu.vector_load %arg11[%swap3A_158] {strides = array<i32>} : memref<32xi32, #tpu.memory_space<vmem>>, vector<16xi32>,
        tpu.vector_store %arg11[%swap3A_158], %get3A_150 {strides = array<i32>} : memref<32xi32, #tpu.memory_space<vmem>>, vector<16xi32>,
        %shift_right_arithmetic3A = arith.constant 3 : i32
        %shift_right_arithmetic3A_160 = vector.broadcast %shift_right_arithmetic3A : i32 to vector<16xi32>
        %shift_right_arithmetic3A_161 = arith.shrsi %get3A_150, %shift_right_arithmetic3A_160 : vector<16xi32>
        %swap3A_162 = arith.constant 0 : index
        %swap3A_163 = tpu.vector_load %arg13[%swap3A_162] {strides = array<i32>} : memref<32xi32, #tpu.memory_space<vmem>>, vector<16xi32>,
        tpu.vector_store %arg13[%swap3A_162], %shift_right_arithmetic3A_161 {strides = array<i32>} : memref<32xi32, #tpu.memory_space<vmem>>, vector<16xi32>,
        %add3A_164 = arith.constant 16 : i32
        %add3A_165 = vector.broadcast %add3A_164 : i32 to vector<16xi32>
        %add3A_166 = arith.addi %iota3A, %add3A_165 : vector<16xi32>
        %get3A_167 = arith.constant 1 : i32
        %get3A_168 = arith.index_cast %get3A_167 : i32 to index
        %get3A_169 = arith.constant 16 : index
        %get3A_170 = tpu.vector_load %arg7[%get3A_168, %get3A_169] {strides = array<i32>} : memref<2x32xi32, #tpu.memory_space<vmem>>, vector<16xi32>,
        %gather3A_171 = tpu.vector_load_idx %arg23[%add3A_166, %iota3A] : memref<32x16xf32, #tpu.memory_space<vmem>>[vector<16xi32>, vector<16xi32>], vector<16xf32>,
        %and3A_172 = arith.constant 7 : i32
        %and3A_173 = vector.broadcast %and3A_172 : i32 to vector<16xi32>
        %and3A_174 = arith.andi %get3A_170, %and3A_173 : vector<16xi32>
        %mul3A_175 = arith.constant 16 : i32
        %mul3A_176 = vector.broadcast %mul3A_175 : i32 to vector<16xi32>
        %mul3A_177 = arith.muli %and3A_174, %mul3A_176 : vector<16xi32>
        tpu.vector_store_idx %arg21[%add3A_166, %mul3A_177], %gather3A_171 : memref<32x128xf32, #tpu.memory_space<vmem>>[vector<16xi32>, vector<16xi32>], vector<16xf32>,
        %swap3A_178 = arith.constant 16 : index
        %swap3A_179 = tpu.vector_load %arg15[%swap3A_178] {strides = array<i32>} : memref<32xi32, #tpu.memory_space<vmem>>, vector<16xi32>,
        tpu.vector_store %arg15[%swap3A_178], %mul3A_177 {strides = array<i32>} : memref<32xi32, #tpu.memory_space<vmem>>, vector<16xi32>,
        %swap3A_180 = arith.constant 16 : index
        %swap3A_181 = tpu.vector_load %arg11[%swap3A_180] {strides = array<i32>} : memref<32xi32, #tpu.memory_space<vmem>>, vector<16xi32>,
        tpu.vector_store %arg11[%swap3A_180], %get3A_170 {strides = array<i32>} : memref<32xi32, #tpu.memory_space<vmem>>, vector<16xi32>,
        %shift_right_arithmetic3A_182 = arith.constant 3 : i32
        %shift_right_arithmetic3A_183 = vector.broadcast %shift_right_arithmetic3A_182 : i32 to vector<16xi32>
        %shift_right_arithmetic3A_184 = arith.shrsi %get3A_170, %shift_right_arithmetic3A_183 : vector<16xi32>
        %swap3A_185 = arith.constant 16 : index
        %swap3A_186 = tpu.vector_load %arg13[%swap3A_185] {strides = array<i32>} : memref<32xi32, #tpu.memory_space<vmem>>, vector<16xi32>,
        tpu.vector_store %arg13[%swap3A_185], %shift_right_arithmetic3A_184 {strides = array<i32>} : memref<32xi32, #tpu.memory_space<vmem>>, vector<16xi32>,
        %add3A_187 = arith.constant 2 : i32
        %add3A_188 = arith.addi %add3A_116, %add3A_187 : i32
        %lt3A_189 = arith.constant 323 : i32
        %lt3A_190 = arith.cmpi slt, %add3A_188, %lt3A_189 : i32
        %convert_element_type3A_191 = arith.extui %lt3A_190 : i1 to i32
        %cond3A_192 = arith.constant 0 : i32
        %cond3A_193 = arith.cmpi ne, %convert_element_type3A_191, %cond3A_192 : i32
        scf.if %cond3A_193 {
          %add3A_200 = arith.constant 2 : i32
          %add3A_201 = arith.addi %add3A_116, %add3A_200 : i32
          %mul3A_202 = arith.constant 32 : i32
          %mul3A_203 = arith.muli %add3A_201, %mul3A_202 : i32
          %add3A_204 = arith.addi %mul3A_39, %mul3A_203 : i32
          %dma_start3A_205 = arith.constant 0 : i32
          %dma_start3A_206 = tpu.memref_slice %arg3[%dma_start3A_205, %add3A_204] : memref<2x330752xi32, #tpu.memory_space<hbm>> -> memref<2x32xi32, #tpu.memory_space<hbm>>
          %dma_start3A_207 = arith.constant 0 : i32
          %dma_start3A_208 = tpu.memref_slice %arg3[%dma_start3A_207, %add3A_204] : memref<2x330752xi32, #tpu.memory_space<hbm>> -> memref<2x32xi32, #tpu.memory_space<hbm>>
          tpu.enqueue_dma source(%dma_start3A_208 : memref<2x32xi32, #tpu.memory_space<hbm>>) target(%arg7 : memref<2x32xi32, #tpu.memory_space<vmem>>) target_semaphore(%arg27 : memref<!tpu.dma_semaphore, #tpu.memory_space<semaphore_mem>>)
        } else {
        }
        %dma_start3A_194 = arith.constant 0 : i32
        %dma_start3A_195 = arith.constant 0 : i32
        %dma_start3A_196 = tpu.memref_slice %arg25[%dma_start3A_194, %dma_start3A_195] : memref<10240x128xf32, #tpu.memory_space<vmem_shared>> -> memref<10240x128xf32, #tpu.memory_space<vmem_shared>>
        tpu.enqueue_indirect_dma source(%arg19 : memref<32x128xf32, #tpu.memory_space<vmem>>) target(%dma_start3A_196 : memref<10240x128xf32, #tpu.memory_space<vmem_shared>>) offsets(%arg11 : memref<32xi32, #tpu.memory_space<vmem>>) semaphore(%arg31 : memref<!tpu.dma_semaphore, #tpu.memory_space<semaphore_mem>>) {add = true}
        %dma_start3A_197 = arith.constant 0 : i32
        %dma_start3A_198 = arith.constant 0 : i32
        %dma_start3A_199 = tpu.memref_slice %arg26[%dma_start3A_197, %dma_start3A_198] : memref<1280x128xf32, #tpu.memory_space<vmem_shared>> -> memref<1280x128xf32, #tpu.memory_space<vmem_shared>>
        tpu.enqueue_indirect_dma source(%arg21 : memref<32x128xf32, #tpu.memory_space<vmem>>) target(%dma_start3A_199 : memref<1280x128xf32, #tpu.memory_space<vmem_shared>>) offsets(%arg13 : memref<32xi32, #tpu.memory_space<vmem>>) semaphore(%arg31 : memref<!tpu.dma_semaphore, #tpu.memory_space<semaphore_mem>>) {add = true}
      } else {
      }
      %mul3A_119 = arith.constant 2 : i32
      %mul3A_120 = arith.muli %add3A_112, %mul3A_119 : i32
      %add3A_121 = arith.constant 1 : i32
      %add3A_122 = arith.addi %mul3A_120, %add3A_121 : i32
      %lt3A_123 = arith.constant 323 : i32
      %lt3A_124 = arith.cmpi slt, %add3A_122, %lt3A_123 : i32
      %convert_element_type3A_125 = arith.extui %lt3A_124 : i1 to i32
      %cond3A_126 = arith.constant 0 : i32
      %cond3A_127 = arith.cmpi ne, %convert_element_type3A_125, %cond3A_126 : i32
      scf.if %cond3A_127 {
        %add3A_128 = arith.constant 1 : i32
        %add3A_129 = arith.addi %add3A_122, %add3A_128 : i32
        %lt3A_130 = arith.constant 323 : i32
        %lt3A_131 = arith.cmpi slt, %add3A_129, %lt3A_130 : i32
        %convert_element_type3A_132 = arith.extui %lt3A_131 : i1 to i32
        %cond3A_133 = arith.constant 0 : i32
        %cond3A_134 = arith.cmpi ne, %convert_element_type3A_132, %cond3A_133 : i32
        scf.if %cond3A_134 {
          %add3A_200 = arith.constant 1 : i32
          %add3A_201 = arith.addi %add3A_122, %add3A_200 : i32
          %mul3A_202 = arith.constant 32 : i32
          %mul3A_203 = arith.muli %add3A_201, %mul3A_202 : i32
          %add3A_204 = arith.addi %mul3A_39, %mul3A_203 : i32
          %dma_wait3A_205 = arith.constant 0 : i32
          %dma_wait3A_206 = tpu.memref_slice %arg3[%dma_wait3A_205, %add3A_204] : memref<2x330752xi32, #tpu.memory_space<hbm>> -> memref<2x32xi32, #tpu.memory_space<hbm>>
          %dma_wait3A_207 = arith.constant 0 : i32
          %dma_wait3A_208 = tpu.memref_slice %arg3[%dma_wait3A_207, %add3A_204] : memref<2x330752xi32, #tpu.memory_space<hbm>> -> memref<2x32xi32, #tpu.memory_space<hbm>>
          tpu.wait_dma2 semaphore(%arg27 : memref<!tpu.dma_semaphore, #tpu.memory_space<semaphore_mem>>) src(%dma_wait3A_208 : memref<2x32xi32, #tpu.memory_space<hbm>>) dst(%arg7 : memref<2x32xi32, #tpu.memory_space<vmem>>)
          %get3A_209 = arith.constant 0 : i32
          %get3A_210 = arith.index_cast %get3A_209 : i32 to index
          %get3A_211 = arith.constant 0 : index
          %get3A_212 = tpu.vector_load %arg7[%get3A_210, %get3A_211] {strides = array<i32>} : memref<2x32xi32, #tpu.memory_space<vmem>>, vector<16xi32>,
          %swap3A_213 = arith.constant 0 : index
          %swap3A_214 = tpu.vector_load %arg9[%swap3A_213] {strides = array<i32>} : memref<64xi32, #tpu.memory_space<vmem>>, vector<16xi32>,
          tpu.vector_store %arg9[%swap3A_213], %get3A_212 {strides = array<i32>} : memref<64xi32, #tpu.memory_space<vmem>>, vector<16xi32>,
          %get3A_215 = arith.constant 1 : i32
          %get3A_216 = arith.index_cast %get3A_215 : i32 to index
          %get3A_217 = arith.constant 0 : index
          %get3A_218 = tpu.vector_load %arg7[%get3A_216, %get3A_217] {strides = array<i32>} : memref<2x32xi32, #tpu.memory_space<vmem>>, vector<16xi32>,
          %add3A_219 = arith.constant 10240 : i32
          %add3A_220 = vector.broadcast %add3A_219 : i32 to vector<16xi32>
          %add3A_221 = arith.addi %get3A_218, %add3A_220 : vector<16xi32>
          %swap3A_222 = arith.constant 32 : index
          %swap3A_223 = tpu.vector_load %arg9[%swap3A_222] {strides = array<i32>} : memref<64xi32, #tpu.memory_space<vmem>>, vector<16xi32>,
          tpu.vector_store %arg9[%swap3A_222], %add3A_221 {strides = array<i32>} : memref<64xi32, #tpu.memory_space<vmem>>, vector<16xi32>,
          %get3A_224 = arith.constant 0 : i32
          %get3A_225 = arith.index_cast %get3A_224 : i32 to index
          %get3A_226 = arith.constant 16 : index
          %get3A_227 = tpu.vector_load %arg7[%get3A_225, %get3A_226] {strides = array<i32>} : memref<2x32xi32, #tpu.memory_space<vmem>>, vector<16xi32>,
          %swap3A_228 = arith.constant 16 : index
          %swap3A_229 = tpu.vector_load %arg9[%swap3A_228] {strides = array<i32>} : memref<64xi32, #tpu.memory_space<vmem>>, vector<16xi32>,
          tpu.vector_store %arg9[%swap3A_228], %get3A_227 {strides = array<i32>} : memref<64xi32, #tpu.memory_space<vmem>>, vector<16xi32>,
          %get3A_230 = arith.constant 1 : i32
          %get3A_231 = arith.index_cast %get3A_230 : i32 to index
          %get3A_232 = arith.constant 16 : index
          %get3A_233 = tpu.vector_load %arg7[%get3A_231, %get3A_232] {strides = array<i32>} : memref<2x32xi32, #tpu.memory_space<vmem>>, vector<16xi32>,
          %add3A_234 = arith.constant 10240 : i32
          %add3A_235 = vector.broadcast %add3A_234 : i32 to vector<16xi32>
          %add3A_236 = arith.addi %get3A_233, %add3A_235 : vector<16xi32>
          %swap3A_237 = arith.constant 48 : index
          %swap3A_238 = tpu.vector_load %arg9[%swap3A_237] {strides = array<i32>} : memref<64xi32, #tpu.memory_space<vmem>>, vector<16xi32>,
          tpu.vector_store %arg9[%swap3A_237], %add3A_236 {strides = array<i32>} : memref<64xi32, #tpu.memory_space<vmem>>, vector<16xi32>,
          %dma_start3A_239 = arith.constant 0 : i32
          %dma_start3A_240 = arith.constant 0 : i32
          %dma_start3A_241 = tpu.memref_slice %arg2[%dma_start3A_239, %dma_start3A_240] : memref<20480x128xf32, #tpu.memory_space<hbm>> -> memref<20480x128xf32, #tpu.memory_space<hbm>>
          tpu.enqueue_indirect_dma source(%dma_start3A_241 : memref<20480x128xf32, #tpu.memory_space<hbm>>) target(%arg17 : memref<64x128xf32, #tpu.memory_space<vmem>>) offsets(%arg9 : memref<64xi32, #tpu.memory_space<vmem>>) semaphore(%arg29 : memref<!tpu.dma_semaphore, #tpu.memory_space<semaphore_mem>>)
        } else {
        }
        %dma_wait3A_135 = arith.constant 0 : i32
        %dma_wait3A_136 = arith.constant 0 : i32
        %dma_wait3A_137 = tpu.memref_slice %arg2[%dma_wait3A_135, %dma_wait3A_136] : memref<20480x128xf32, #tpu.memory_space<hbm>> -> memref<20480x128xf32, #tpu.memory_space<hbm>>
        tpu.wait_indirect_dma semaphore(%arg30 : memref<!tpu.dma_semaphore, #tpu.memory_space<semaphore_mem>>) src(%dma_wait3A_137 : memref<20480x128xf32, #tpu.memory_space<hbm>>) dst(%arg18 : memref<64x128xf32, #tpu.memory_space<vmem>>)
        %ge3A = arith.constant 2 : i32
        %ge3A_138 = arith.cmpi sge, %add3A_122, %ge3A : i32
        %convert_element_type3A_139 = arith.extui %ge3A_138 : i1 to i32
        %cond3A_140 = arith.constant 0 : i32
        %cond3A_141 = arith.cmpi ne, %convert_element_type3A_139, %cond3A_140 : i32
        scf.if %cond3A_141 {
          %dma_wait3A_200 = arith.constant 0 : i32
          %dma_wait3A_201 = arith.constant 0 : i32
          %dma_wait3A_202 = tpu.memref_slice %arg25[%dma_wait3A_200, %dma_wait3A_201] : memref<10240x128xf32, #tpu.memory_space<vmem_shared>> -> memref<10240x128xf32, #tpu.memory_space<vmem_shared>>
          tpu.wait_indirect_dma semaphore(%arg32 : memref<!tpu.dma_semaphore, #tpu.memory_space<semaphore_mem>>) src(%arg20 : memref<32x128xf32, #tpu.memory_space<vmem>>) dst(%dma_wait3A_202 : memref<10240x128xf32, #tpu.memory_space<vmem_shared>>)
          %dma_wait3A_203 = arith.constant 0 : i32
          %dma_wait3A_204 = arith.constant 0 : i32
          %dma_wait3A_205 = tpu.memref_slice %arg26[%dma_wait3A_203, %dma_wait3A_204] : memref<1280x128xf32, #tpu.memory_space<vmem_shared>> -> memref<1280x128xf32, #tpu.memory_space<vmem_shared>>
          tpu.wait_indirect_dma semaphore(%arg32 : memref<!tpu.dma_semaphore, #tpu.memory_space<semaphore_mem>>) src(%arg22 : memref<32x128xf32, #tpu.memory_space<vmem>>) dst(%dma_wait3A_205 : memref<1280x128xf32, #tpu.memory_space<vmem_shared>>)
          %add3A_206 = arith.constant 0 : i32
          %add3A_207 = vector.broadcast %add3A_206 : i32 to vector<16xi32>
          %add3A_208 = arith.addi %iota3A, %add3A_207 : vector<16xi32>
          %get3A_209 = arith.constant 0 : index
          %get3A_210 = tpu.vector_load %arg16[%get3A_209] {strides = array<i32>} : memref<32xi32, #tpu.memory_space<vmem>>, vector<16xi32>,
          tpu.vector_store_idx %arg22[%add3A_208, %get3A_210], %broadcast_in_dim3A_1 : memref<32x128xf32, #tpu.memory_space<vmem>>[vector<16xi32>, vector<16xi32>], vector<16xf32>,
          %add3A_211 = arith.constant 16 : i32
          %add3A_212 = vector.broadcast %add3A_211 : i32 to vector<16xi32>
          %add3A_213 = arith.addi %iota3A, %add3A_212 : vector<16xi32>
          %get3A_214 = arith.constant 16 : index
          %get3A_215 = tpu.vector_load %arg16[%get3A_214] {strides = array<i32>} : memref<32xi32, #tpu.memory_space<vmem>>, vector<16xi32>,
          tpu.vector_store_idx %arg22[%add3A_213, %get3A_215], %broadcast_in_dim3A_1 : memref<32x128xf32, #tpu.memory_space<vmem>>[vector<16xi32>, vector<16xi32>], vector<16xf32>,
        } else {
        }
        %parallel_loop3A = arith.constant 0 : i32
        %parallel_loop3A_142 = arith.constant 32 : i32
        %parallel_loop3A_143 = arith.constant 1 : i32
        scf.for %parallel_loop3A_200 = %parallel_loop3A to %parallel_loop3A_142 step %parallel_loop3A_143  : i32 {
          %parallel_loop3A_201 = arith.index_cast %parallel_loop3A_200 : i32 to index
          %parallel_loop3A_202 = arith.constant 0 : index
          %parallel_loop3A_203 = tpu.vector_load %arg18[%parallel_loop3A_201, %parallel_loop3A_202] {strides = array<i32>} : memref<64x128xf32, #tpu.memory_space<vmem>>, vector<16xf32>,
          %parallel_loop3A_204 = arith.index_cast %parallel_loop3A_200 : i32 to index
          %parallel_loop3A_205 = arith.constant 16 : index
          %parallel_loop3A_206 = tpu.vector_load %arg18[%parallel_loop3A_204, %parallel_loop3A_205] {strides = array<i32>} : memref<64x128xf32, #tpu.memory_space<vmem>>, vector<16xf32>,
          %parallel_loop3A_207 = arith.index_cast %parallel_loop3A_200 : i32 to index
          %parallel_loop3A_208 = arith.constant 32 : index
          %parallel_loop3A_209 = tpu.vector_load %arg18[%parallel_loop3A_207, %parallel_loop3A_208] {strides = array<i32>} : memref<64x128xf32, #tpu.memory_space<vmem>>, vector<16xf32>,
          %parallel_loop3A_210 = arith.index_cast %parallel_loop3A_200 : i32 to index
          %parallel_loop3A_211 = arith.constant 48 : index
          %parallel_loop3A_212 = tpu.vector_load %arg18[%parallel_loop3A_210, %parallel_loop3A_211] {strides = array<i32>} : memref<64x128xf32, #tpu.memory_space<vmem>>, vector<16xf32>,
          %parallel_loop3A_213 = arith.index_cast %parallel_loop3A_200 : i32 to index
          %parallel_loop3A_214 = arith.constant 64 : index
          %parallel_loop3A_215 = tpu.vector_load %arg18[%parallel_loop3A_213, %parallel_loop3A_214] {strides = array<i32>} : memref<64x128xf32, #tpu.memory_space<vmem>>, vector<16xf32>,
          %parallel_loop3A_216 = arith.index_cast %parallel_loop3A_200 : i32 to index
          %parallel_loop3A_217 = arith.constant 80 : index
          %parallel_loop3A_218 = tpu.vector_load %arg18[%parallel_loop3A_216, %parallel_loop3A_217] {strides = array<i32>} : memref<64x128xf32, #tpu.memory_space<vmem>>, vector<16xf32>,
          %parallel_loop3A_219 = arith.index_cast %parallel_loop3A_200 : i32 to index
          %parallel_loop3A_220 = arith.constant 96 : index
          %parallel_loop3A_221 = tpu.vector_load %arg18[%parallel_loop3A_219, %parallel_loop3A_220] {strides = array<i32>} : memref<64x128xf32, #tpu.memory_space<vmem>>, vector<16xf32>,
          %parallel_loop3A_222 = arith.index_cast %parallel_loop3A_200 : i32 to index
          %parallel_loop3A_223 = arith.constant 112 : index
          %parallel_loop3A_224 = tpu.vector_load %arg18[%parallel_loop3A_222, %parallel_loop3A_223] {strides = array<i32>} : memref<64x128xf32, #tpu.memory_space<vmem>>, vector<16xf32>,
          %parallel_loop3A_225 = arith.constant 32 : i32
          %parallel_loop3A_226 = arith.addi %parallel_loop3A_225, %parallel_loop3A_200 : i32
          %parallel_loop3A_227 = arith.index_cast %parallel_loop3A_226 : i32 to index
          %parallel_loop3A_228 = arith.constant 0 : index
          %parallel_loop3A_229 = tpu.vector_load %arg18[%parallel_loop3A_227, %parallel_loop3A_228] {strides = array<i32>} : memref<64x128xf32, #tpu.memory_space<vmem>>, vector<16xf32>,
          %parallel_loop3A_230 = arith.addf %parallel_loop3A_203, %parallel_loop3A_229 : vector<16xf32>
          %parallel_loop3A_231 = arith.constant 2.000000e-01 : f32
          %parallel_loop3A_232 = vector.broadcast %parallel_loop3A_231 : f32 to vector<16xf32>
          %parallel_loop3A_233 = arith.mulf %parallel_loop3A_230, %parallel_loop3A_232 : vector<16xf32>
          %parallel_loop3A_234 = arith.maximumf %parallel_loop3A_230, %parallel_loop3A_233 : vector<16xf32>
          %parallel_loop3A_235 = arith.mulf %parallel_loop3A_234, %get3A_23 : vector<16xf32>
          %parallel_loop3A_236 = arith.constant 32 : i32
          %parallel_loop3A_237 = arith.addi %parallel_loop3A_236, %parallel_loop3A_200 : i32
          %parallel_loop3A_238 = arith.index_cast %parallel_loop3A_237 : i32 to index
          %parallel_loop3A_239 = arith.constant 16 : index
          %parallel_loop3A_240 = tpu.vector_load %arg18[%parallel_loop3A_238, %parallel_loop3A_239] {strides = array<i32>} : memref<64x128xf32, #tpu.memory_space<vmem>>, vector<16xf32>,
          %parallel_loop3A_241 = arith.addf %parallel_loop3A_206, %parallel_loop3A_240 : vector<16xf32>
          %parallel_loop3A_242 = arith.constant 2.000000e-01 : f32
          %parallel_loop3A_243 = vector.broadcast %parallel_loop3A_242 : f32 to vector<16xf32>
          %parallel_loop3A_244 = arith.mulf %parallel_loop3A_241, %parallel_loop3A_243 : vector<16xf32>
          %parallel_loop3A_245 = arith.maximumf %parallel_loop3A_241, %parallel_loop3A_244 : vector<16xf32>
          %parallel_loop3A_246 = arith.mulf %parallel_loop3A_245, %get3A_25 : vector<16xf32>
          %parallel_loop3A_247 = arith.constant 32 : i32
          %parallel_loop3A_248 = arith.addi %parallel_loop3A_247, %parallel_loop3A_200 : i32
          %parallel_loop3A_249 = arith.index_cast %parallel_loop3A_248 : i32 to index
          %parallel_loop3A_250 = arith.constant 32 : index
          %parallel_loop3A_251 = tpu.vector_load %arg18[%parallel_loop3A_249, %parallel_loop3A_250] {strides = array<i32>} : memref<64x128xf32, #tpu.memory_space<vmem>>, vector<16xf32>,
          %parallel_loop3A_252 = arith.addf %parallel_loop3A_209, %parallel_loop3A_251 : vector<16xf32>
          %parallel_loop3A_253 = arith.constant 2.000000e-01 : f32
          %parallel_loop3A_254 = vector.broadcast %parallel_loop3A_253 : f32 to vector<16xf32>
          %parallel_loop3A_255 = arith.mulf %parallel_loop3A_252, %parallel_loop3A_254 : vector<16xf32>
          %parallel_loop3A_256 = arith.maximumf %parallel_loop3A_252, %parallel_loop3A_255 : vector<16xf32>
          %parallel_loop3A_257 = arith.mulf %parallel_loop3A_256, %get3A_27 : vector<16xf32>
          %parallel_loop3A_258 = arith.constant 32 : i32
          %parallel_loop3A_259 = arith.addi %parallel_loop3A_258, %parallel_loop3A_200 : i32
          %parallel_loop3A_260 = arith.index_cast %parallel_loop3A_259 : i32 to index
          %parallel_loop3A_261 = arith.constant 48 : index
          %parallel_loop3A_262 = tpu.vector_load %arg18[%parallel_loop3A_260, %parallel_loop3A_261] {strides = array<i32>} : memref<64x128xf32, #tpu.memory_space<vmem>>, vector<16xf32>,
          %parallel_loop3A_263 = arith.addf %parallel_loop3A_212, %parallel_loop3A_262 : vector<16xf32>
          %parallel_loop3A_264 = arith.constant 2.000000e-01 : f32
          %parallel_loop3A_265 = vector.broadcast %parallel_loop3A_264 : f32 to vector<16xf32>
          %parallel_loop3A_266 = arith.mulf %parallel_loop3A_263, %parallel_loop3A_265 : vector<16xf32>
          %parallel_loop3A_267 = arith.maximumf %parallel_loop3A_263, %parallel_loop3A_266 : vector<16xf32>
          %parallel_loop3A_268 = arith.mulf %parallel_loop3A_267, %get3A_29 : vector<16xf32>
          %parallel_loop3A_269 = arith.constant 32 : i32
          %parallel_loop3A_270 = arith.addi %parallel_loop3A_269, %parallel_loop3A_200 : i32
          %parallel_loop3A_271 = arith.index_cast %parallel_loop3A_270 : i32 to index
          %parallel_loop3A_272 = arith.constant 64 : index
          %parallel_loop3A_273 = tpu.vector_load %arg18[%parallel_loop3A_271, %parallel_loop3A_272] {strides = array<i32>} : memref<64x128xf32, #tpu.memory_space<vmem>>, vector<16xf32>,
          %parallel_loop3A_274 = arith.addf %parallel_loop3A_215, %parallel_loop3A_273 : vector<16xf32>
          %parallel_loop3A_275 = arith.constant 2.000000e-01 : f32
          %parallel_loop3A_276 = vector.broadcast %parallel_loop3A_275 : f32 to vector<16xf32>
          %parallel_loop3A_277 = arith.mulf %parallel_loop3A_274, %parallel_loop3A_276 : vector<16xf32>
          %parallel_loop3A_278 = arith.maximumf %parallel_loop3A_274, %parallel_loop3A_277 : vector<16xf32>
          %parallel_loop3A_279 = arith.mulf %parallel_loop3A_278, %get3A_31 : vector<16xf32>
          %parallel_loop3A_280 = arith.constant 32 : i32
          %parallel_loop3A_281 = arith.addi %parallel_loop3A_280, %parallel_loop3A_200 : i32
          %parallel_loop3A_282 = arith.index_cast %parallel_loop3A_281 : i32 to index
          %parallel_loop3A_283 = arith.constant 80 : index
          %parallel_loop3A_284 = tpu.vector_load %arg18[%parallel_loop3A_282, %parallel_loop3A_283] {strides = array<i32>} : memref<64x128xf32, #tpu.memory_space<vmem>>, vector<16xf32>,
          %parallel_loop3A_285 = arith.addf %parallel_loop3A_218, %parallel_loop3A_284 : vector<16xf32>
          %parallel_loop3A_286 = arith.constant 2.000000e-01 : f32
          %parallel_loop3A_287 = vector.broadcast %parallel_loop3A_286 : f32 to vector<16xf32>
          %parallel_loop3A_288 = arith.mulf %parallel_loop3A_285, %parallel_loop3A_287 : vector<16xf32>
          %parallel_loop3A_289 = arith.maximumf %parallel_loop3A_285, %parallel_loop3A_288 : vector<16xf32>
          %parallel_loop3A_290 = arith.mulf %parallel_loop3A_289, %get3A_33 : vector<16xf32>
          %parallel_loop3A_291 = arith.constant 32 : i32
          %parallel_loop3A_292 = arith.addi %parallel_loop3A_291, %parallel_loop3A_200 : i32
          %parallel_loop3A_293 = arith.index_cast %parallel_loop3A_292 : i32 to index
          %parallel_loop3A_294 = arith.constant 96 : index
          %parallel_loop3A_295 = tpu.vector_load %arg18[%parallel_loop3A_293, %parallel_loop3A_294] {strides = array<i32>} : memref<64x128xf32, #tpu.memory_space<vmem>>, vector<16xf32>,
          %parallel_loop3A_296 = arith.addf %parallel_loop3A_221, %parallel_loop3A_295 : vector<16xf32>
          %parallel_loop3A_297 = arith.constant 2.000000e-01 : f32
          %parallel_loop3A_298 = vector.broadcast %parallel_loop3A_297 : f32 to vector<16xf32>
          %parallel_loop3A_299 = arith.mulf %parallel_loop3A_296, %parallel_loop3A_298 : vector<16xf32>
          %parallel_loop3A_300 = arith.maximumf %parallel_loop3A_296, %parallel_loop3A_299 : vector<16xf32>
          %parallel_loop3A_301 = arith.mulf %parallel_loop3A_300, %get3A_35 : vector<16xf32>
          %parallel_loop3A_302 = arith.constant 32 : i32
          %parallel_loop3A_303 = arith.addi %parallel_loop3A_302, %parallel_loop3A_200 : i32
          %parallel_loop3A_304 = arith.index_cast %parallel_loop3A_303 : i32 to index
          %parallel_loop3A_305 = arith.constant 112 : index
          %parallel_loop3A_306 = tpu.vector_load %arg18[%parallel_loop3A_304, %parallel_loop3A_305] {strides = array<i32>} : memref<64x128xf32, #tpu.memory_space<vmem>>, vector<16xf32>,
          %parallel_loop3A_307 = arith.addf %parallel_loop3A_224, %parallel_loop3A_306 : vector<16xf32>
          %parallel_loop3A_308 = arith.constant 2.000000e-01 : f32
          %parallel_loop3A_309 = vector.broadcast %parallel_loop3A_308 : f32 to vector<16xf32>
          %parallel_loop3A_310 = arith.mulf %parallel_loop3A_307, %parallel_loop3A_309 : vector<16xf32>
          %parallel_loop3A_311 = arith.maximumf %parallel_loop3A_307, %parallel_loop3A_310 : vector<16xf32>
          %parallel_loop3A_312 = arith.mulf %parallel_loop3A_311, %get3A_37 : vector<16xf32>
          %parallel_loop3A_313 = arith.addf %parallel_loop3A_235, %parallel_loop3A_246 : vector<16xf32>
          %parallel_loop3A_314 = arith.addf %parallel_loop3A_257, %parallel_loop3A_268 : vector<16xf32>
          %parallel_loop3A_315 = arith.addf %parallel_loop3A_279, %parallel_loop3A_290 : vector<16xf32>
          %parallel_loop3A_316 = arith.addf %parallel_loop3A_301, %parallel_loop3A_312 : vector<16xf32>
          %parallel_loop3A_317 = arith.addf %parallel_loop3A_313, %parallel_loop3A_314 : vector<16xf32>
          %parallel_loop3A_318 = arith.addf %parallel_loop3A_315, %parallel_loop3A_316 : vector<16xf32>
          %parallel_loop3A_319 = arith.addf %parallel_loop3A_317, %parallel_loop3A_318 : vector<16xf32>
          %parallel_loop3A_320 = arith.constant true
          %parallel_loop3A_321 = vector.broadcast %parallel_loop3A_320 : i1 to vector<16xi1>
          %parallel_loop3A_322 = tpu.scan <sum>, %parallel_loop3A_319 masked %parallel_loop3A_321 : vector<16xf32>, vector<16xi1> -> vector<16xf32>
          %parallel_loop3A_323 = vector.extract %parallel_loop3A_322[15] : f32 from vector<16xf32>
          %parallel_loop3A_324 = vector.broadcast %parallel_loop3A_323 : f32 to vector<16xf32>
          %parallel_loop3A_325 = math.exp %parallel_loop3A_324 : vector<16xf32>
          %parallel_loop3A_326 = arith.index_cast %parallel_loop3A_200 : i32 to index
          %parallel_loop3A_327 = arith.constant 0 : index
          %parallel_loop3A_328 = tpu.vector_load %arg23[%parallel_loop3A_326, %parallel_loop3A_327] {strides = array<i32>} : memref<32x16xf32, #tpu.memory_space<vmem>>, vector<16xf32>,
          tpu.vector_store %arg23[%parallel_loop3A_326, %parallel_loop3A_327], %parallel_loop3A_325 {strides = array<i32>} : memref<32x16xf32, #tpu.memory_space<vmem>>, vector<16xf32>,
          %parallel_loop3A_329 = arith.mulf %parallel_loop3A_325, %parallel_loop3A_203 : vector<16xf32>
          %parallel_loop3A_330 = arith.index_cast %parallel_loop3A_200 : i32 to index
          %parallel_loop3A_331 = arith.constant 0 : index
          %parallel_loop3A_332 = tpu.vector_load %arg20[%parallel_loop3A_330, %parallel_loop3A_331] {strides = array<i32>} : memref<32x128xf32, #tpu.memory_space<vmem>>, vector<16xf32>,
          tpu.vector_store %arg20[%parallel_loop3A_330, %parallel_loop3A_331], %parallel_loop3A_329 {strides = array<i32>} : memref<32x128xf32, #tpu.memory_space<vmem>>, vector<16xf32>,
          %parallel_loop3A_333 = arith.mulf %parallel_loop3A_325, %parallel_loop3A_206 : vector<16xf32>
          %parallel_loop3A_334 = arith.index_cast %parallel_loop3A_200 : i32 to index
          %parallel_loop3A_335 = arith.constant 16 : index
          %parallel_loop3A_336 = tpu.vector_load %arg20[%parallel_loop3A_334, %parallel_loop3A_335] {strides = array<i32>} : memref<32x128xf32, #tpu.memory_space<vmem>>, vector<16xf32>,
          tpu.vector_store %arg20[%parallel_loop3A_334, %parallel_loop3A_335], %parallel_loop3A_333 {strides = array<i32>} : memref<32x128xf32, #tpu.memory_space<vmem>>, vector<16xf32>,
          %parallel_loop3A_337 = arith.mulf %parallel_loop3A_325, %parallel_loop3A_209 : vector<16xf32>
          %parallel_loop3A_338 = arith.index_cast %parallel_loop3A_200 : i32 to index
          %parallel_loop3A_339 = arith.constant 32 : index
          %parallel_loop3A_340 = tpu.vector_load %arg20[%parallel_loop3A_338, %parallel_loop3A_339] {strides = array<i32>} : memref<32x128xf32, #tpu.memory_space<vmem>>, vector<16xf32>,
          tpu.vector_store %arg20[%parallel_loop3A_338, %parallel_loop3A_339], %parallel_loop3A_337 {strides = array<i32>} : memref<32x128xf32, #tpu.memory_space<vmem>>, vector<16xf32>,
          %parallel_loop3A_341 = arith.mulf %parallel_loop3A_325, %parallel_loop3A_212 : vector<16xf32>
          %parallel_loop3A_342 = arith.index_cast %parallel_loop3A_200 : i32 to index
          %parallel_loop3A_343 = arith.constant 48 : index
          %parallel_loop3A_344 = tpu.vector_load %arg20[%parallel_loop3A_342, %parallel_loop3A_343] {strides = array<i32>} : memref<32x128xf32, #tpu.memory_space<vmem>>, vector<16xf32>,
          tpu.vector_store %arg20[%parallel_loop3A_342, %parallel_loop3A_343], %parallel_loop3A_341 {strides = array<i32>} : memref<32x128xf32, #tpu.memory_space<vmem>>, vector<16xf32>,
          %parallel_loop3A_345 = arith.mulf %parallel_loop3A_325, %parallel_loop3A_215 : vector<16xf32>
          %parallel_loop3A_346 = arith.index_cast %parallel_loop3A_200 : i32 to index
          %parallel_loop3A_347 = arith.constant 64 : index
          %parallel_loop3A_348 = tpu.vector_load %arg20[%parallel_loop3A_346, %parallel_loop3A_347] {strides = array<i32>} : memref<32x128xf32, #tpu.memory_space<vmem>>, vector<16xf32>,
          tpu.vector_store %arg20[%parallel_loop3A_346, %parallel_loop3A_347], %parallel_loop3A_345 {strides = array<i32>} : memref<32x128xf32, #tpu.memory_space<vmem>>, vector<16xf32>,
          %parallel_loop3A_349 = arith.mulf %parallel_loop3A_325, %parallel_loop3A_218 : vector<16xf32>
          %parallel_loop3A_350 = arith.index_cast %parallel_loop3A_200 : i32 to index
          %parallel_loop3A_351 = arith.constant 80 : index
          %parallel_loop3A_352 = tpu.vector_load %arg20[%parallel_loop3A_350, %parallel_loop3A_351] {strides = array<i32>} : memref<32x128xf32, #tpu.memory_space<vmem>>, vector<16xf32>,
          tpu.vector_store %arg20[%parallel_loop3A_350, %parallel_loop3A_351], %parallel_loop3A_349 {strides = array<i32>} : memref<32x128xf32, #tpu.memory_space<vmem>>, vector<16xf32>,
          %parallel_loop3A_353 = arith.mulf %parallel_loop3A_325, %parallel_loop3A_221 : vector<16xf32>
          %parallel_loop3A_354 = arith.index_cast %parallel_loop3A_200 : i32 to index
          %parallel_loop3A_355 = arith.constant 96 : index
          %parallel_loop3A_356 = tpu.vector_load %arg20[%parallel_loop3A_354, %parallel_loop3A_355] {strides = array<i32>} : memref<32x128xf32, #tpu.memory_space<vmem>>, vector<16xf32>,
          tpu.vector_store %arg20[%parallel_loop3A_354, %parallel_loop3A_355], %parallel_loop3A_353 {strides = array<i32>} : memref<32x128xf32, #tpu.memory_space<vmem>>, vector<16xf32>,
          %parallel_loop3A_357 = arith.mulf %parallel_loop3A_325, %parallel_loop3A_224 : vector<16xf32>
          %parallel_loop3A_358 = arith.index_cast %parallel_loop3A_200 : i32 to index
          %parallel_loop3A_359 = arith.constant 112 : index
          %parallel_loop3A_360 = tpu.vector_load %arg20[%parallel_loop3A_358, %parallel_loop3A_359] {strides = array<i32>} : memref<32x128xf32, #tpu.memory_space<vmem>>, vector<16xf32>,
          tpu.vector_store %arg20[%parallel_loop3A_358, %parallel_loop3A_359], %parallel_loop3A_357 {strides = array<i32>} : memref<32x128xf32, #tpu.memory_space<vmem>>, vector<16xf32>,
        } {sc.loop_unroll_factor = 4 : i64, sc.parallel_access}
        %add3A_144 = arith.constant 0 : i32
        %add3A_145 = vector.broadcast %add3A_144 : i32 to vector<16xi32>
        %add3A_146 = arith.addi %iota3A, %add3A_145 : vector<16xi32>
        %get3A_147 = arith.constant 1 : i32
        %get3A_148 = arith.index_cast %get3A_147 : i32 to index
        %get3A_149 = arith.constant 0 : index
        %get3A_150 = tpu.vector_load %arg8[%get3A_148, %get3A_149] {strides = array<i32>} : memref<2x32xi32, #tpu.memory_space<vmem>>, vector<16xi32>,
        %gather3A = tpu.vector_load_idx %arg23[%add3A_146, %iota3A] : memref<32x16xf32, #tpu.memory_space<vmem>>[vector<16xi32>, vector<16xi32>], vector<16xf32>,
        %and3A = arith.constant 7 : i32
        %and3A_151 = vector.broadcast %and3A : i32 to vector<16xi32>
        %and3A_152 = arith.andi %get3A_150, %and3A_151 : vector<16xi32>
        %mul3A_153 = arith.constant 16 : i32
        %mul3A_154 = vector.broadcast %mul3A_153 : i32 to vector<16xi32>
        %mul3A_155 = arith.muli %and3A_152, %mul3A_154 : vector<16xi32>
        tpu.vector_store_idx %arg22[%add3A_146, %mul3A_155], %gather3A : memref<32x128xf32, #tpu.memory_space<vmem>>[vector<16xi32>, vector<16xi32>], vector<16xf32>,
        %swap3A_156 = arith.constant 0 : index
        %swap3A_157 = tpu.vector_load %arg16[%swap3A_156] {strides = array<i32>} : memref<32xi32, #tpu.memory_space<vmem>>, vector<16xi32>,
        tpu.vector_store %arg16[%swap3A_156], %mul3A_155 {strides = array<i32>} : memref<32xi32, #tpu.memory_space<vmem>>, vector<16xi32>,
        %swap3A_158 = arith.constant 0 : index
        %swap3A_159 = tpu.vector_load %arg12[%swap3A_158] {strides = array<i32>} : memref<32xi32, #tpu.memory_space<vmem>>, vector<16xi32>,
        tpu.vector_store %arg12[%swap3A_158], %get3A_150 {strides = array<i32>} : memref<32xi32, #tpu.memory_space<vmem>>, vector<16xi32>,
        %shift_right_arithmetic3A = arith.constant 3 : i32
        %shift_right_arithmetic3A_160 = vector.broadcast %shift_right_arithmetic3A : i32 to vector<16xi32>
        %shift_right_arithmetic3A_161 = arith.shrsi %get3A_150, %shift_right_arithmetic3A_160 : vector<16xi32>
        %swap3A_162 = arith.constant 0 : index
        %swap3A_163 = tpu.vector_load %arg14[%swap3A_162] {strides = array<i32>} : memref<32xi32, #tpu.memory_space<vmem>>, vector<16xi32>,
        tpu.vector_store %arg14[%swap3A_162], %shift_right_arithmetic3A_161 {strides = array<i32>} : memref<32xi32, #tpu.memory_space<vmem>>, vector<16xi32>,
        %add3A_164 = arith.constant 16 : i32
        %add3A_165 = vector.broadcast %add3A_164 : i32 to vector<16xi32>
        %add3A_166 = arith.addi %iota3A, %add3A_165 : vector<16xi32>
        %get3A_167 = arith.constant 1 : i32
        %get3A_168 = arith.index_cast %get3A_167 : i32 to index
        %get3A_169 = arith.constant 16 : index
        %get3A_170 = tpu.vector_load %arg8[%get3A_168, %get3A_169] {strides = array<i32>} : memref<2x32xi32, #tpu.memory_space<vmem>>, vector<16xi32>,
        %gather3A_171 = tpu.vector_load_idx %arg23[%add3A_166, %iota3A] : memref<32x16xf32, #tpu.memory_space<vmem>>[vector<16xi32>, vector<16xi32>], vector<16xf32>,
        %and3A_172 = arith.constant 7 : i32
        %and3A_173 = vector.broadcast %and3A_172 : i32 to vector<16xi32>
        %and3A_174 = arith.andi %get3A_170, %and3A_173 : vector<16xi32>
        %mul3A_175 = arith.constant 16 : i32
        %mul3A_176 = vector.broadcast %mul3A_175 : i32 to vector<16xi32>
        %mul3A_177 = arith.muli %and3A_174, %mul3A_176 : vector<16xi32>
        tpu.vector_store_idx %arg22[%add3A_166, %mul3A_177], %gather3A_171 : memref<32x128xf32, #tpu.memory_space<vmem>>[vector<16xi32>, vector<16xi32>], vector<16xf32>,
        %swap3A_178 = arith.constant 16 : index
        %swap3A_179 = tpu.vector_load %arg16[%swap3A_178] {strides = array<i32>} : memref<32xi32, #tpu.memory_space<vmem>>, vector<16xi32>,
        tpu.vector_store %arg16[%swap3A_178], %mul3A_177 {strides = array<i32>} : memref<32xi32, #tpu.memory_space<vmem>>, vector<16xi32>,
        %swap3A_180 = arith.constant 16 : index
        %swap3A_181 = tpu.vector_load %arg12[%swap3A_180] {strides = array<i32>} : memref<32xi32, #tpu.memory_space<vmem>>, vector<16xi32>,
        tpu.vector_store %arg12[%swap3A_180], %get3A_170 {strides = array<i32>} : memref<32xi32, #tpu.memory_space<vmem>>, vector<16xi32>,
        %shift_right_arithmetic3A_182 = arith.constant 3 : i32
        %shift_right_arithmetic3A_183 = vector.broadcast %shift_right_arithmetic3A_182 : i32 to vector<16xi32>
        %shift_right_arithmetic3A_184 = arith.shrsi %get3A_170, %shift_right_arithmetic3A_183 : vector<16xi32>
        %swap3A_185 = arith.constant 16 : index
        %swap3A_186 = tpu.vector_load %arg14[%swap3A_185] {strides = array<i32>} : memref<32xi32, #tpu.memory_space<vmem>>, vector<16xi32>,
        tpu.vector_store %arg14[%swap3A_185], %shift_right_arithmetic3A_184 {strides = array<i32>} : memref<32xi32, #tpu.memory_space<vmem>>, vector<16xi32>,
        %add3A_187 = arith.constant 2 : i32
        %add3A_188 = arith.addi %add3A_122, %add3A_187 : i32
        %lt3A_189 = arith.constant 323 : i32
        %lt3A_190 = arith.cmpi slt, %add3A_188, %lt3A_189 : i32
        %convert_element_type3A_191 = arith.extui %lt3A_190 : i1 to i32
        %cond3A_192 = arith.constant 0 : i32
        %cond3A_193 = arith.cmpi ne, %convert_element_type3A_191, %cond3A_192 : i32
        scf.if %cond3A_193 {
          %add3A_200 = arith.constant 2 : i32
          %add3A_201 = arith.addi %add3A_122, %add3A_200 : i32
          %mul3A_202 = arith.constant 32 : i32
          %mul3A_203 = arith.muli %add3A_201, %mul3A_202 : i32
          %add3A_204 = arith.addi %mul3A_39, %mul3A_203 : i32
          %dma_start3A_205 = arith.constant 0 : i32
          %dma_start3A_206 = tpu.memref_slice %arg3[%dma_start3A_205, %add3A_204] : memref<2x330752xi32, #tpu.memory_space<hbm>> -> memref<2x32xi32, #tpu.memory_space<hbm>>
          %dma_start3A_207 = arith.constant 0 : i32
          %dma_start3A_208 = tpu.memref_slice %arg3[%dma_start3A_207, %add3A_204] : memref<2x330752xi32, #tpu.memory_space<hbm>> -> memref<2x32xi32, #tpu.memory_space<hbm>>
          tpu.enqueue_dma source(%dma_start3A_208 : memref<2x32xi32, #tpu.memory_space<hbm>>) target(%arg8 : memref<2x32xi32, #tpu.memory_space<vmem>>) target_semaphore(%arg28 : memref<!tpu.dma_semaphore, #tpu.memory_space<semaphore_mem>>)
        } else {
        }
        %dma_start3A_194 = arith.constant 0 : i32
        %dma_start3A_195 = arith.constant 0 : i32
        %dma_start3A_196 = tpu.memref_slice %arg25[%dma_start3A_194, %dma_start3A_195] : memref<10240x128xf32, #tpu.memory_space<vmem_shared>> -> memref<10240x128xf32, #tpu.memory_space<vmem_shared>>
        tpu.enqueue_indirect_dma source(%arg20 : memref<32x128xf32, #tpu.memory_space<vmem>>) target(%dma_start3A_196 : memref<10240x128xf32, #tpu.memory_space<vmem_shared>>) offsets(%arg12 : memref<32xi32, #tpu.memory_space<vmem>>) semaphore(%arg32 : memref<!tpu.dma_semaphore, #tpu.memory_space<semaphore_mem>>) {add = true}
        %dma_start3A_197 = arith.constant 0 : i32
        %dma_start3A_198 = arith.constant 0 : i32
        %dma_start3A_199 = tpu.memref_slice %arg26[%dma_start3A_197, %dma_start3A_198] : memref<1280x128xf32, #tpu.memory_space<vmem_shared>> -> memref<1280x128xf32, #tpu.memory_space<vmem_shared>>
        tpu.enqueue_indirect_dma source(%arg22 : memref<32x128xf32, #tpu.memory_space<vmem>>) target(%dma_start3A_199 : memref<1280x128xf32, #tpu.memory_space<vmem_shared>>) offsets(%arg14 : memref<32xi32, #tpu.memory_space<vmem>>) semaphore(%arg32 : memref<!tpu.dma_semaphore, #tpu.memory_space<semaphore_mem>>) {add = true}
      } else {
      }
    }
    %scan3A_90 = arith.constant 162 : i32
    %dma_wait3A_91 = arith.constant 0 : i32
    %dma_wait3A_92 = arith.constant 0 : i32
    %dma_wait3A_93 = tpu.memref_slice %arg25[%dma_wait3A_91, %dma_wait3A_92] : memref<10240x128xf32, #tpu.memory_space<vmem_shared>> -> memref<10240x128xf32, #tpu.memory_space<vmem_shared>>
    tpu.wait_indirect_dma semaphore(%arg32 : memref<!tpu.dma_semaphore, #tpu.memory_space<semaphore_mem>>) src(%arg20 : memref<32x128xf32, #tpu.memory_space<vmem>>) dst(%dma_wait3A_93 : memref<10240x128xf32, #tpu.memory_space<vmem_shared>>)
    %dma_wait3A_94 = arith.constant 0 : i32
    %dma_wait3A_95 = arith.constant 0 : i32
    %dma_wait3A_96 = tpu.memref_slice %arg26[%dma_wait3A_94, %dma_wait3A_95] : memref<1280x128xf32, #tpu.memory_space<vmem_shared>> -> memref<1280x128xf32, #tpu.memory_space<vmem_shared>>
    tpu.wait_indirect_dma semaphore(%arg32 : memref<!tpu.dma_semaphore, #tpu.memory_space<semaphore_mem>>) src(%arg22 : memref<32x128xf32, #tpu.memory_space<vmem>>) dst(%dma_wait3A_96 : memref<1280x128xf32, #tpu.memory_space<vmem_shared>>)
    %dma_wait3A_97 = arith.constant 0 : i32
    %dma_wait3A_98 = arith.constant 0 : i32
    %dma_wait3A_99 = tpu.memref_slice %arg25[%dma_wait3A_97, %dma_wait3A_98] : memref<10240x128xf32, #tpu.memory_space<vmem_shared>> -> memref<10240x128xf32, #tpu.memory_space<vmem_shared>>
    tpu.wait_indirect_dma semaphore(%arg31 : memref<!tpu.dma_semaphore, #tpu.memory_space<semaphore_mem>>) src(%arg19 : memref<32x128xf32, #tpu.memory_space<vmem>>) dst(%dma_wait3A_99 : memref<10240x128xf32, #tpu.memory_space<vmem_shared>>)
    %dma_wait3A_100 = arith.constant 0 : i32
    %dma_wait3A_101 = arith.constant 0 : i32
    %dma_wait3A_102 = tpu.memref_slice %arg26[%dma_wait3A_100, %dma_wait3A_101] : memref<1280x128xf32, #tpu.memory_space<vmem_shared>> -> memref<1280x128xf32, #tpu.memory_space<vmem_shared>>
    tpu.wait_indirect_dma semaphore(%arg31 : memref<!tpu.dma_semaphore, #tpu.memory_space<semaphore_mem>>) src(%arg21 : memref<32x128xf32, #tpu.memory_space<vmem>>) dst(%dma_wait3A_102 : memref<1280x128xf32, #tpu.memory_space<vmem_shared>>)
    %barrier3A_103 = arith.constant 0 : index
    tpu.barrier barrier_id(%barrier3A_103)
    %mul3A_104 = arith.constant 640 : i32
    %mul3A_105 = arith.muli %arg1, %mul3A_104 : i32
    "tpu.region"() ({
      %run_scoped3A = tpu.sem_alloc : memref<!tpu.dma_semaphore, #tpu.memory_space<semaphore_mem>>
      %dma_start3A_108 = arith.constant 0 : i32
      %dma_start3A_109 = tpu.memref_slice %arg5[%arg0, %mul3A_105, %dma_start3A_108] : memref<2x10240x128xf32, #tpu.memory_space<hbm>> -> memref<1x640x128xf32, #tpu.memory_space<hbm>>
      %dma_start3A_110 = tpu.memref_squeeze %dma_start3A_109 : memref<1x640x128xf32, #tpu.memory_space<hbm>> -> memref<640x128xf32, #tpu.memory_space<hbm>>
      %dma_start3A_111 = arith.constant 0 : i32
      %dma_start3A_112 = tpu.memref_slice %arg25[%mul3A_105, %dma_start3A_111] : memref<10240x128xf32, #tpu.memory_space<vmem_shared>> -> memref<640x128xf32, #tpu.memory_space<vmem_shared>>
      tpu.enqueue_dma source(%dma_start3A_112 : memref<640x128xf32, #tpu.memory_space<vmem_shared>>) target(%dma_start3A_110 : memref<640x128xf32, #tpu.memory_space<hbm>>) target_semaphore(%run_scoped3A : memref<!tpu.dma_semaphore, #tpu.memory_space<semaphore_mem>>)
      %dma_wait3A_113 = arith.constant 0 : i32
      %dma_wait3A_114 = tpu.memref_slice %arg5[%arg0, %mul3A_105, %dma_wait3A_113] : memref<2x10240x128xf32, #tpu.memory_space<hbm>> -> memref<1x640x128xf32, #tpu.memory_space<hbm>>
      %dma_wait3A_115 = tpu.memref_squeeze %dma_wait3A_114 : memref<1x640x128xf32, #tpu.memory_space<hbm>> -> memref<640x128xf32, #tpu.memory_space<hbm>>
      %dma_wait3A_116 = arith.constant 0 : i32
      %dma_wait3A_117 = tpu.memref_slice %arg25[%mul3A_105, %dma_wait3A_116] : memref<10240x128xf32, #tpu.memory_space<vmem_shared>> -> memref<640x128xf32, #tpu.memory_space<vmem_shared>>
      tpu.wait_dma2 semaphore(%run_scoped3A : memref<!tpu.dma_semaphore, #tpu.memory_space<semaphore_mem>>) src(%dma_wait3A_117 : memref<640x128xf32, #tpu.memory_space<vmem_shared>>) dst(%dma_wait3A_115 : memref<640x128xf32, #tpu.memory_space<hbm>>)
      tpu.yield
    }) : () -> ()
    %mul3A_106 = arith.constant 80 : i32
    %mul3A_107 = arith.muli %arg1, %mul3A_106 : i32
    "tpu.region"() ({
      %run_scoped3A = tpu.sem_alloc : memref<!tpu.dma_semaphore, #tpu.memory_space<semaphore_mem>>
      %dma_start3A_108 = arith.constant 0 : i32
      %dma_start3A_109 = tpu.memref_slice %arg6[%arg0, %mul3A_107, %dma_start3A_108] : memref<2x1280x128xf32, #tpu.memory_space<hbm>> -> memref<1x80x128xf32, #tpu.memory_space<hbm>>
      %dma_start3A_110 = tpu.memref_squeeze %dma_start3A_109 : memref<1x80x128xf32, #tpu.memory_space<hbm>> -> memref<80x128xf32, #tpu.memory_space<hbm>>
      %dma_start3A_111 = arith.constant 0 : i32
      %dma_start3A_112 = tpu.memref_slice %arg26[%mul3A_107, %dma_start3A_111] : memref<1280x128xf32, #tpu.memory_space<vmem_shared>> -> memref<80x128xf32, #tpu.memory_space<vmem_shared>>
      tpu.enqueue_dma source(%dma_start3A_112 : memref<80x128xf32, #tpu.memory_space<vmem_shared>>) target(%dma_start3A_110 : memref<80x128xf32, #tpu.memory_space<hbm>>) target_semaphore(%run_scoped3A : memref<!tpu.dma_semaphore, #tpu.memory_space<semaphore_mem>>)
      %dma_wait3A_113 = arith.constant 0 : i32
      %dma_wait3A_114 = tpu.memref_slice %arg6[%arg0, %mul3A_107, %dma_wait3A_113] : memref<2x1280x128xf32, #tpu.memory_space<hbm>> -> memref<1x80x128xf32, #tpu.memory_space<hbm>>
      %dma_wait3A_115 = tpu.memref_squeeze %dma_wait3A_114 : memref<1x80x128xf32, #tpu.memory_space<hbm>> -> memref<80x128xf32, #tpu.memory_space<hbm>>
      %dma_wait3A_116 = arith.constant 0 : i32
      %dma_wait3A_117 = tpu.memref_slice %arg26[%mul3A_107, %dma_wait3A_116] : memref<1280x128xf32, #tpu.memory_space<vmem_shared>> -> memref<80x128xf32, #tpu.memory_space<vmem_shared>>
      tpu.wait_dma2 semaphore(%run_scoped3A : memref<!tpu.dma_semaphore, #tpu.memory_space<semaphore_mem>>) src(%dma_wait3A_117 : memref<80x128xf32, #tpu.memory_space<vmem_shared>>) dst(%dma_wait3A_115 : memref<80x128xf32, #tpu.memory_space<hbm>>)
      tpu.yield
    }) : () -> ()
    return
  }
}

module attributes {stable_mosaic.version = 14 : i64} {
  func.func @_mm_body(%arg0: i32, %arg1: memref<1024x128xf32, #tpu.memory_space<vmem>>, %arg2: memref<128x128xf32, #tpu.memory_space<vmem>>, %arg3: memref<128x128xf32, #tpu.memory_space<vmem>>, %arg4: memref<2x1024x128xf32, #tpu.memory_space<vmem>>) attributes {dimension_semantics = [#tpu.dimension_semantics<arbitrary>], iteration_bounds = array<i64: 10>, scalar_prefetch = 0 : i64, scratch_operands = 0 : i64, tpu.core_type = #tpu.core_type<tc>, window_params = [{transform_indices = @transform_0, window_bounds = array<i64: 1024, 128>}, {pipeline_mode = #tpu.pipeline_mode<synchronous>, transform_indices = @transform_1, window_bounds = array<i64: 128, 128>}, {pipeline_mode = #tpu.pipeline_mode<synchronous>, transform_indices = @transform_2, window_bounds = array<i64: 128, 128>}, {transform_indices = @transform_3, window_bounds = array<i64: 2, 1024, 128>}]} {
    %get3A = arith.constant 0 : index
    %get3A_0 = arith.constant 0 : index
    %get3A_1 = vector.load %arg1[%get3A, %get3A_0] : memref<1024x128xf32, #tpu.memory_space<vmem>>, vector<1024x128xf32>
    %get3A_2 = arith.constant 0 : index
    %get3A_3 = arith.constant 0 : index
    %get3A_4 = vector.load %arg2[%get3A_2, %get3A_3] : memref<128x128xf32, #tpu.memory_space<vmem>>, vector<128x128xf32>
    %dot_general3A = arith.constant dense<0.000000e+00> : vector<1024x128xf32>
    %dot_general3A_5 = tpu.matmul %get3A_1, %get3A_4, %dot_general3A {dimension_numbers = #tpu.dot_dimension_numbers<[1], [0], [0], [1], [0, 0, 1, 1], [], []>, transpose_lhs_hint = false} : vector<1024x128xf32>, vector<128x128xf32>, vector<1024x128xf32> -> vector<1024x128xf32>
    %swap3A = arith.constant 0 : index
    %swap3A_6 = arith.constant 0 : index
    %swap3A_7 = arith.constant 0 : index
    %swap3A_8 = vector.load %arg4[%swap3A, %swap3A_6, %swap3A_7] : memref<2x1024x128xf32, #tpu.memory_space<vmem>>, vector<1x1024x128xf32>
    %swap3A_9 = vector.shape_cast %swap3A_8 : vector<1x1024x128xf32> to vector<1024x128xf32>
    %swap3A_10 = vector.shape_cast %dot_general3A_5 : vector<1024x128xf32> to vector<1x1024x128xf32>
    tpu.vector_store %arg4[%swap3A, %swap3A_6, %swap3A_7], %swap3A_10 {strides = array<i32>} : memref<2x1024x128xf32, #tpu.memory_space<vmem>>, vector<1x1024x128xf32>,
    %get3A_11 = arith.constant 0 : index
    %get3A_12 = arith.constant 0 : index
    %get3A_13 = vector.load %arg3[%get3A_11, %get3A_12] : memref<128x128xf32, #tpu.memory_space<vmem>>, vector<128x128xf32>
    %dot_general3A_14 = arith.constant dense<0.000000e+00> : vector<1024x128xf32>
    %dot_general3A_15 = tpu.matmul %get3A_1, %get3A_13, %dot_general3A_14 {dimension_numbers = #tpu.dot_dimension_numbers<[1], [0], [0], [1], [0, 0, 1, 1], [], []>, transpose_lhs_hint = false} : vector<1024x128xf32>, vector<128x128xf32>, vector<1024x128xf32> -> vector<1024x128xf32>
    %swap3A_16 = arith.constant 1 : index
    %swap3A_17 = arith.constant 0 : index
    %swap3A_18 = arith.constant 0 : index
    %swap3A_19 = vector.load %arg4[%swap3A_16, %swap3A_17, %swap3A_18] : memref<2x1024x128xf32, #tpu.memory_space<vmem>>, vector<1x1024x128xf32>
    %swap3A_20 = vector.shape_cast %swap3A_19 : vector<1x1024x128xf32> to vector<1024x128xf32>
    %swap3A_21 = vector.shape_cast %dot_general3A_15 : vector<1024x128xf32> to vector<1x1024x128xf32>
    tpu.vector_store %arg4[%swap3A_16, %swap3A_17, %swap3A_18], %swap3A_21 {strides = array<i32>} : memref<2x1024x128xf32, #tpu.memory_space<vmem>>, vector<1x1024x128xf32>,
    return
  }
  func.func @transform_0(%arg0: i32) -> (i32, i32) {
    %c0_i32 = arith.constant 0 : i32
    %c0_i32_0 = arith.constant 0 : i32
    return %arg0, %c0_i32 : i32, i32
  }
  func.func @transform_1(%arg0: i32) -> (i32, i32) {
    %c0_i32 = arith.constant 0 : i32
    %c0_i32_0 = arith.constant 0 : i32
    %c0_i32_1 = arith.constant 0 : i32
    return %c0_i32, %c0_i32_0 : i32, i32
  }
  func.func @transform_2(%arg0: i32) -> (i32, i32) {
    %c0_i32 = arith.constant 0 : i32
    %c0_i32_0 = arith.constant 0 : i32
    %c0_i32_1 = arith.constant 0 : i32
    return %c0_i32, %c0_i32_0 : i32, i32
  }
  func.func @transform_3(%arg0: i32) -> (i32, i32, i32) {
    %c0_i32 = arith.constant 0 : i32
    %c0_i32_0 = arith.constant 0 : i32
    %c0_i32_1 = arith.constant 0 : i32
    return %c0_i32, %arg0, %c0_i32_0 : i32, i32, i32
  }
}

module attributes {stable_mosaic.version = 14 : i64} {
  func.func @_comb_body(%arg0: i32, %arg1: memref<2x1000x128xf32, #tpu.memory_space<vmem>>, %arg2: memref<2x1000x16xf32, #tpu.memory_space<vmem>>, %arg3: memref<1x128xf32, #tpu.memory_space<vmem>>, %arg4: memref<1000x128xf32, #tpu.memory_space<vmem>>) attributes {dimension_semantics = [#tpu.dimension_semantics<arbitrary>], iteration_bounds = array<i64: 10>, scalar_prefetch = 0 : i64, scratch_operands = 0 : i64, tpu.core_type = #tpu.core_type<tc>, window_params = [{transform_indices = @transform_0, window_bounds = array<i64: 2, 1000, 128>}, {transform_indices = @transform_1, window_bounds = array<i64: 2, 1000, 16>}, {pipeline_mode = #tpu.pipeline_mode<synchronous>, transform_indices = @transform_2, window_bounds = array<i64: 1, 128>}, {transform_indices = @transform_3, window_bounds = array<i64: 1000, 128>}]} {
    %get3A = arith.constant 0 : index
    %get3A_0 = arith.constant 0 : index
    %get3A_1 = arith.constant 0 : index
    %get3A_2 = vector.load %arg1[%get3A, %get3A_0, %get3A_1] : memref<2x1000x128xf32, #tpu.memory_space<vmem>>, vector<1x1000x128xf32>
    %get3A_3 = vector.shape_cast %get3A_2 : vector<1x1000x128xf32> to vector<1000x128xf32>
    %get3A_4 = arith.constant 1 : index
    %get3A_5 = arith.constant 0 : index
    %get3A_6 = arith.constant 0 : index
    %get3A_7 = vector.load %arg1[%get3A_4, %get3A_5, %get3A_6] : memref<2x1000x128xf32, #tpu.memory_space<vmem>>, vector<1x1000x128xf32>
    %get3A_8 = vector.shape_cast %get3A_7 : vector<1x1000x128xf32> to vector<1000x128xf32>
    %add3A = arith.addf %get3A_3, %get3A_8 : vector<1000x128xf32>
    %get3A_9 = arith.constant 0 : index
    %get3A_10 = arith.constant 0 : index
    %get3A_11 = arith.constant 0 : index
    %get3A_12 = vector.load %arg2[%get3A_9, %get3A_10, %get3A_11] : memref<2x1000x16xf32, #tpu.memory_space<vmem>>, vector<1x1000x1xf32>
    %get3A_13 = vector.shape_cast %get3A_12 : vector<1x1000x1xf32> to vector<1000x1xf32>
    %get3A_14 = arith.constant 1 : index
    %get3A_15 = arith.constant 0 : index
    %get3A_16 = arith.constant 0 : index
    %get3A_17 = vector.load %arg2[%get3A_14, %get3A_15, %get3A_16] : memref<2x1000x16xf32, #tpu.memory_space<vmem>>, vector<1x1000x1xf32>
    %get3A_18 = vector.shape_cast %get3A_17 : vector<1x1000x1xf32> to vector<1000x1xf32>
    %add3A_19 = arith.addf %get3A_13, %get3A_18 : vector<1000x1xf32>
    %div3A = vector.broadcast %add3A_19 : vector<1000x1xf32> to vector<1000x128xf32>
    %div3A_20 = arith.divf %add3A, %div3A : vector<1000x128xf32>
    %get3A_21 = arith.constant 0 : index
    %get3A_22 = arith.constant 0 : index
    %get3A_23 = vector.load %arg3[%get3A_21, %get3A_22] : memref<1x128xf32, #tpu.memory_space<vmem>>, vector<1x128xf32>
    %add3A_24 = vector.broadcast %get3A_23 : vector<1x128xf32> to vector<1000x128xf32>
    %add3A_25 = arith.addf %div3A_20, %add3A_24 : vector<1000x128xf32>
    %swap3A = arith.constant 0 : index
    %swap3A_26 = arith.constant 0 : index
    %swap3A_27 = vector.load %arg4[%swap3A, %swap3A_26] : memref<1000x128xf32, #tpu.memory_space<vmem>>, vector<1000x128xf32>
    tpu.vector_store %arg4[%swap3A, %swap3A_26], %add3A_25 {strides = array<i32>} : memref<1000x128xf32, #tpu.memory_space<vmem>>, vector<1000x128xf32>,
    return
  }
  func.func @transform_0(%arg0: i32) -> (i32, i32, i32) {
    %c0_i32 = arith.constant 0 : i32
    %c0_i32_0 = arith.constant 0 : i32
    %c0_i32_1 = arith.constant 0 : i32
    return %c0_i32, %arg0, %c0_i32_0 : i32, i32, i32
  }
  func.func @transform_1(%arg0: i32) -> (i32, i32, i32) {
    %c0_i32 = arith.constant 0 : i32
    %c0_i32_0 = arith.constant 0 : i32
    %c0_i32_1 = arith.constant 0 : i32
    return %c0_i32, %arg0, %c0_i32_0 : i32, i32, i32
  }
  func.func @transform_2(%arg0: i32) -> (i32, i32) {
    %c0_i32 = arith.constant 0 : i32
    %c0_i32_0 = arith.constant 0 : i32
    %c0_i32_1 = arith.constant 0 : i32
    return %c0_i32, %c0_i32_0 : i32, i32
  }
  func.func @transform_3(%arg0: i32) -> (i32, i32) {
    %c0_i32 = arith.constant 0 : i32
    %c0_i32_0 = arith.constant 0 : i32
    return %arg0, %c0_i32 : i32, i32
  }
}

</mosaic_0001>

<sc_bundles>
// kernel: kernel.5.cloned.1.call-start
scs
__scs_entry_jumppad:
0x0: {  	(pc) =	sbr.rel $0x88, $3  }
0x1: {  	(tag) =	ssettag $0x0;
	lr =	simm.s32 $0x1  }
0x2: {  	[smem:$0x3F9B] =	sst lr;
	_ =	strace $0xD0000000  }
0x3: {  	_ = 	snop  }
0x4: {  	_ = 	snop  }
0x5: {  	_ = 	snop  }
0x6: {  	_ = 	snop  }
0x7: {  	_ = 	snop  }
__scs_overlays_trampoline_lowered:
0x8: {  	[smem:$0x3FAA] =	sst s0  }
0x9: {  	[smem:$0x3FAB] =	sst s1  }
0xa: {  	[smem:$0x3FAC] =	sst s2  }
0xb: {  	[smem:$0x3FAD] =	sst s3  }
0xc: {  	[smem:$0x3FAE] =	sst s4  }
0xd: {  	[smem:$0x3FAF] =	sst s5  }
0xe: {  	[smem:$0x3FB0] =	sst s6  }
0xf: {  	[smem:$0x3FB1] =	sst s7  }
0x10: {  	[smem:$0x3FB2] =	sst s8  }
0x11: {  	[smem:$0x3FB3] =	sst s9;
	s0 =	simm.s32 @!p0 $0x0  }
0x12: {  	s1 =	sld [smem:$0x3F99];
	s0 =	simm.s32 @p0 $0x1  }
0x13: {  	[smem:$0x3FB4] =	sst s0;
	s0 =	simm.s32 @!p1 $0x0  }
0x14: {  	s2 =	sld [smem:$0x3F98];
	s0 =	simm.s32 @p1 $0x1  }
0x15: {  	[smem:$0x3FB5] =	sst s0;
	s0 =	simm.s32 @!p2 $0x0  }
0x16: {  	s3 =	sld [smem:$0x3FDB];
	s0 =	simm.s32 @p2 $0x1  }
0x17: {  	s4 =	simm.s32 $0x1BF5;
	[smem:$0x3FB7] =	sst s0  }
0x18: {  	s0 =	sld [smem:$0x3F9A];
	_ =	swait.ge [sflag:s4], $0x0  }
0x19: {  	s7 =	sld [smem:$0x3F9B]  }
0x1a: {  	s8 =	sadd.s32 $0xFFFFE003, lr  }
0x1b: {  	s9 =	sadd.s32 $0xFFFFFEF7, lr;
	s5 =	simm.s32 $0xFFFFFFFF;
	p2 =	slt.u32 s8, $0xFFFFF086  }
0x1c: {  	p1 =	slt.u32 s9, $0xF7A;
	s5 =	simm.s32 @!p2 $0x0  }
0x1d: {  	s5 =	simm.s32 @p1 $0x1;
	p0 =	seq.s32 s7, s2  }
0x1e: {  	s7 =	smul.u32 @!p0 $0xF7A, s2;
	p2 =	seq.s32 @!p0 s5, $0x0  }
0x1f: {  	s9 =	smul.u32 $0xF7A, s1;
	s8 =	simm.s32 @!p0 $0x1BF5;
	p2 =	por !p2, p0  }
0x20: {  	[sflag:s8] =	ssyncset.s32 @!p0 $0xFFFFF086;
	s6 =	sadd.s32 @!p0 s3, s7;
	s7 =	simm.s32 @!p0 $0x108  }
0x21: {  	s3 =	sadd.s32 s3, s9;
	s6 =	sadd.s32 @!p0 $0x88, s6;
	s7 =	simm.s32 @p2 $0x1082  }
0x22: {  	[simem:s7], [sflag:s8] =	dma.local @!p0 [hbm:s6], $0xF7A  }
0x23: {  	s9 =	sor.u32 $0xD0000000, s2;
	s6 =	simm.s32 $0x108;
	_ =	swait.ge @!p0 [sflag:s8], $0x0  }
0x24: {  	s3 =	sadd.s32 $0x88, s3;
	s6 =	simm.s32 @!p1 $0x1082;
	[sflag:s4] =	ssyncset.s32 $0xFFFFF086  }
0x25: {  	[simem:s6], [sflag:s4] =	dma.local [hbm:s3], $0xF7A  }
0x26: {  	[smem:$0x3F9B] =	sst s1;
	(tag) =	ssettag s2;
	_ =	strace s9  }
0x27: {  	s1 =	sld [smem:$0x3FAB]  }
0x28: {  	s2 =	sld [smem:$0x3FAC]  }
0x29: {  	s4 =	sld [smem:$0x3FAE]  }
0x2a: {  	p0 =	seq.s32 s5, $0x0;
	s5 =	sld [smem:$0x3FAF]  }
0x2b: {  	s6 =	sld [smem:$0x3FB0]  }
0x2c: {  	s7 =	sld [smem:$0x3FB1]  }
0x2d: {  	s3 =	simm.s32 $0x108;
	s8 =	sld [smem:$0x3FB2]  }
0x2e: {  	s3 =	simm.s32 @!p0 $0x1082;
	s9 =	sld [smem:$0x3FB3]  }
0x2f: {  	lr =	sadd.s32 s0, s3;
	s0 =	sld [smem:$0x3FAA]  }
0x30: {  	s3 =	sld [smem:$0x3FAD]  }
0x31: {  	[smem:$0x3FB6] =	sst s10  }
0x32: {  	s10 =	sld [smem:$0x3FB4];
	_ =	sdelay $0x3  }
0x33: {  	p0 =	seq.s32 s10, $0x1;
	s10 =	sld [smem:$0x3FB6];
	_ =	sdelay $0x3  }
0x34: {  	[smem:$0x3FB6] =	sst s10  }
0x35: {  	s10 =	sld [smem:$0x3FB5];
	_ =	sdelay $0x3  }
0x36: {  	p1 =	seq.s32 s10, $0x1;
	s10 =	sld [smem:$0x3FB6];
	_ =	sdelay $0x3  }
0x37: {  	[smem:$0x3FB6] =	sst s10  }
0x38: {  	s10 =	sld [smem:$0x3FB7]  }
0x39: {  	_ = 	snop;
	(pc) =	sbr.ind lr, $3  }
0x3a: {  	_ = 	snop  }
0x3b: {  	_ = 	snop  }
0x3c: {  	p2 =	seq.s32 s10, $0x1;
	s10 =	sld [smem:$0x3FB6]  }
0x3d: {  	_ =	shalt  }
0x3e: {  	_ =	shalt  }
0x3f: {  	_ =	shalt  }
0x40: {  	_ =	shalt  }
0x41: {  	_ =	shalt  }
0x42: {  	_ =	shalt  }
0x43: {  	_ =	shalt  }
0x44: {  	_ =	shalt  }
0x45: {  	_ =	shalt  }
0x46: {  	_ =	shalt  }
0x47: {  	_ =	shalt  }
0x48: {  	_ =	shalt  }
0x49: {  	_ =	shalt  }
0x4a: {  	_ =	shalt  }
0x4b: {  	_ =	shalt  }
0x4c: {  	_ =	shalt  }
0x4d: {  	_ =	shalt  }
0x4e: {  	_ =	shalt  }
0x4f: {  	_ =	shalt  }
0x50: {  	_ =	shalt  }
0x51: {  	_ =	shalt  }
0x52: {  	_ =	shalt  }
0x53: {  	_ =	shalt  }
0x54: {  	_ =	shalt  }
0x55: {  	_ =	shalt  }
0x56: {  	_ =	shalt  }
0x57: {  	_ =	shalt  }
0x58: {  	_ =	shalt  }
0x59: {  	_ =	shalt  }
0x5a: {  	_ =	shalt  }
0x5b: {  	_ =	shalt  }
0x5c: {  	_ =	shalt  }
0x5d: {  	_ =	shalt  }
0x5e: {  	_ =	shalt  }
0x5f: {  	_ =	shalt  }
0x60: {  	_ =	shalt  }
0x61: {  	_ =	shalt  }
0x62: {  	_ =	shalt  }
0x63: {  	_ =	shalt  }
0x64: {  	_ =	shalt  }
0x65: {  	_ =	shalt  }
0x66: {  	_ =	shalt  }
0x67: {  	_ =	shalt  }
0x68: {  	_ =	shalt  }
0x69: {  	_ =	shalt  }
0x6a: {  	_ =	shalt  }
0x6b: {  	_ =	shalt  }
0x6c: {  	_ =	shalt  }
0x6d: {  	_ =	shalt  }
0x6e: {  	_ =	shalt  }
0x6f: {  	_ =	shalt  }
0x70: {  	_ =	shalt  }
0x71: {  	_ =	shalt  }
0x72: {  	_ =	shalt  }
0x73: {  	_ =	shalt  }
0x74: {  	_ =	shalt  }
0x75: {  	_ =	shalt  }
0x76: {  	_ =	shalt  }
0x77: {  	_ =	shalt  }
0x78: {  	_ =	shalt  }
0x79: {  	_ =	shalt  }
0x7a: {  	_ =	shalt  }
0x7b: {  	_ =	shalt  }
0x7c: {  	_ =	shalt  }
0x7d: {  	_ =	shalt  }
0x7e: {  	_ =	shalt  }
0x7f: {  	_ =	shalt  }
0x80: {  	_ =	shalt  }
0x81: {  	_ =	shalt  }
0x82: {  	_ =	shalt  }
0x83: {  	_ =	shalt  }
0x84: {  	_ =	shalt  }
0x85: {  	_ =	shalt  }
0x86: {  	_ =	shalt  }
0x87: {  	_ =	shalt  }
.Lfunc_end0:
.L_simem_size_0:
called_computation_lowered:
.L_overlay_start_0:
0x88: {  	s2 =	sld [smem:$0x3FD9]  }
0x89: {  	s3 =	sld [smem:$0x3FFE];
	_ =	sdelay $0x1  }
0x8a: {  	s1 =	srdreg.scid  }
0x8b: {  	s0 =	sand.u32 $0x1, s1  }
0x8c: {  	s17 =	sshll.u32 s0, $0xA;
	s2 =	sadd.s32 s3, s2  }
0x8d: {  	s2 =	sadd.s32 s2, s17  }
0x8e: {  	[smem:$0x3FC2] =	sst s2  }
0x8f: {  	_ = 	snop  }
0x90: {  	s2 =	sld [smem:$0x3FC5]  }
0x91: {  	s18 =	sld [smem:$0x3FD0];
	(tm) =	ssettm $0x1  }
0x92: {  	s4 =	sld [smem:$0x3FFB];
	_ =	sdelay $0x3  }
0x93: {  	_ =	strace s4  }
0x94: {  	s4 =	sld [smem:$0x3FFC];
	_ =	sdelay $0x3  }
0x95: {  	_ =	strace s4  }
0x96: {  	s4 =	sld [smem:$0x3FFD];
	_ =	sdelay $0x3  }
0x97: {  	_ =	strace s4  }
0x98: {  	_ =	strace $0x8FFFFFFF  }
0x99: {  	s19 =	sld [smem:$0x3FDB];
	_ =	sdelay $0x1  }
0x9a: {  	s5 =	simm.s32 $_scs_section_size  }
0x9b: {  	s6 =	simm.s32 $_size__tile_overlayer_lowered;
	s7 =	simm.s32 $_tile_overlayer_lowered  }
0x9c: {  	s22 =	simm.s32 $0x1BFF;
	s21 =	sshll.u32 s7, $0x1;
	s4 =	sadd.s32 s5, s19  }
0x9d: {  	s8 =	simm.s32 $0x0;
	s20 =	sshll.u32 s6, $0x1;
	s6 =	sadd.s32 s21, s4  }
0x9e: {  	[timem:s8], [sflag:s22] =	dma.local [hbm:s6], s20  }
0x9f: {  	_ =	swait.ge [sflag:s22], s20  }
0xa0: {  	s5 =	ssub.s32 $0x0, s20;
	[sflag:s22] =	ssyncset.done $0x0  }
0xa1: {  	[sflag:s22] =	ssyncadd.s32 s5;
	_ =	sdelay $0x1  }
0xa2: {  	s23 =	simm.s32 $0x1B8B  }
0xa3: {  	_ =	swait.ge [sflag:s23], $0x1  }
0xa4: {  	[sflag:s23] =	ssyncset.done $0x0  }
0xa5: {  	s25 =	simm.s32 $0x1B8E;
	s24 =	sld [smem:$0x3FFE];
	[sflag:s23] =	ssyncadd.s32 $0xFFFFFFFF  }
0xa6: {  	s26 =	simm.s32 $execute0_lowered;
	[smem:$0x3FD2] =	sst s25  }
0xa7: {  	s6 =	sshll.u32 s26, $0x1;
	_ =	strace $0x80000046;
	[dreg:$0x1] =	wrdreg $0xFFFFFFFF  }
0xa8: {  	s28 =	simm.s32 $_size_execute0_lowered;
	s4 =	sadd.s32 s4, s6;
	[dreg:$0x0] =	wrdreg $0x0  }
0xa9: {  	s6 =	sshll.u32 s28, $0x1;
	[dreg:$0x2] =	wrdreg s4  }
0xaa: {  	[dreg:$0x3] =	wrdreg s6  }
0xab: {  	[dreg:$0x4] =	wrdreg $0xC0  }
0xac: {  	_ =	task [dreg:s8], $0x5FFFF  }
0xad: {  	[dreg:$0x1] =	wrdreg $0xFFFFFFFF  }
0xae: {  	[dreg:$0x0] =	wrdreg $0x60  }
0xaf: {  	[dreg:$0x2] =	wrdreg s24  }
0xb0: {  	[dreg:$0x3] =	wrdreg s18  }
0xb1: {  	[dreg:$0x4] =	wrdreg s2  }
0xb2: {  	[dreg:$0x5] =	wrdreg $0x84400  }
0xb3: {  	[dreg:$0x6] =	wrdreg $0x1C4400  }
0xb4: {  	[dreg:$0x7] =	wrdreg $0x9  }
0xb5: {  	_ =	task.clear_ibuf [dreg:s8], $0x8FFFF;
	_ =	strace $0x90000046  }
0xb6: {  	s29 =	simm.s32 $0x9;
	_ =	strace $0x80000048  }
0xb7: {  	_ =	swait.ge [sflag:s29], $0x1  }
0xb8: {  	[sflag:s29] =	ssyncadd.s32 $0xFFFFFFFF  }
0xb9: {  	_ =	strace $0x90000048  }
0xba: {  	_ =	sfence  }
0xbb: {  	s30 =	sld [smem:$0x0];
	_ =	sdelay $0x2  }
0xbc: {  	s31 =	sshll.u32 s1, $0xD;
	s1 =	sshrl.u32 s1, $0x2  }
0xbd: {  	s3 =	sand.u32 $0x4000, s31;
	s1 =	sadd.s32 s1, s30  }
0xbe: {  	s0 =	sor.u32 s3, s0;
	s1 =	sshll.u32 s1, $0x11  }
0xbf: {  	s0 =	sor.u32 s1, s0  }
0xc0: {  	s0 =	sadd.s32 $0x8F2B, s0  }
0xc1: {  	[sflag:s0] =	ssyncadd.remote.s32 $0x1  }
0xc2: {  	_ =	sfence.sel $0xFFFF  }
0xc3: {  	[dreg:$0x0] =	wrdreg $0xFFFFFFFF;
	(pc) =	sbr.abs _section_cstart, $3  }
0xc4: {  	[dreg:$0x1] =	wrdreg $0xFFFFFFFF  }
0xc5: {  	_ =	task.clear_ibuf [dreg:s8], $0x2FFFF;
	_ =	strace $0x9FFFFFFF  }
0xc6: {  	(tm) =	ssettm $0x7FFFFFFF  }
0xc7: {  	_ =	shalt  }
tec
execute0_lowered:
.L_overlay_start_1:
0x0: {  	(tag) =	ssettag $0x1  }
0x1: {  	s1 =	rddreg [dreg:$0x0]  }
0x2: {  	s0 =	rddreg [dreg:$0x1]  }
0x3: {  	s2 =	srdreg.scid;
	s14 =	stileid.u32  }
0x4: {  	s4 =	rddreg [dreg:$0x3];
	s9 =	smul.u32 $0x2800, s14  }
0x5: {  	s5 =	rddreg [dreg:$0x4];
	s12 =	smul.u32 $0x50000, s14  }
0x6: {  	s6 =	simm.s32 $0x0;
	s2 =	sand.u32 $0x1, s2;
	s24 =	smul.u32 $0xA000, s14  }
0x7: {  	[smem:$0x7FF] =	sst s6;
	s11 =	sshll.u32 s14, $0x1;
	s3 =	smul.u32 $0x140000, s2  }
0x8: {  	s10 =	smul.u32 $0x28000, s2;
	_ =	strace $0x80000047;
	s13 =	ssub.s32 $0x2, s2  }
0x9: {  	s2 =	sor.u32 s2, s11;
	s25 =	sshrl.u32 s13, $0x1;
	s12 =	sshrl.u32 s12, $0x2  }
0xa: {  	s11 =	sshrl.u32 s24, $0x2;
	s17 =	sadd.s32 s9, s5;
	s26 =	ssub.s32 s13, s25  }
0xb: {  	s13 =	sadd.s32 s12, s4;
	s15 =	sadd.s32 s11, s5;
	[dreg:$0x7] =	wrdreg s17  }
0xc: {  	s28 =	simm.s32 $0x3;
	s18 =	sadd.s32 $0x1000, s15;
	[dreg:$0x6] =	wrdreg s13  }
0xd: {  	s10 =	sadd.s32 s9, s10;
	s9 =	sadd.s32 $0x2000, s15;
	[dreg:$0x9] =	wrdreg s18  }
0xe: {  	s29 =	simm.s32 $0x81C0;
	s22 =	smax.u32 s26, $0x1;
	[dreg:$0xa] =	wrdreg s9  }
0xf: {  	s8 =	smul.u32 $0x14000, s14;
	s23 =	sadd.s32 $0x1000, s13;
	[dreg:$0xe] =	wrdreg s22  }
0x10: {  	s7 =	sadd.s32 $0x1200, s1;
	s24 =	sadd.s32 $0x2000, s13;
	[dreg:$0xf] =	wrdreg s23  }
0x11: {  	s2 =	smul.u32 $0x2860, s2;
	s25 =	sadd.s32 $0x3000, s13;
	[dreg:$0x10] =	wrdreg s24  }
0x12: {  	s21 =	sadd.s32 s8, s4;
	s26 =	sadd.s32 $0x4000, s13;
	[dreg:$0x11] =	wrdreg s25  }
0x13: {  	s3 =	sadd.s32 s8, s3;
	s8 =	sadd.s32 $0x6000, s13;
	[dreg:$0x12] =	wrdreg s26  }
0x14: {  	s3 =	sshrl.u32 s3, $0x3;
	s11 =	sadd.s32 $0x8000, s13;
	[dreg:$0x14] =	wrdreg s8  }
0x15: {  	s14 =	sshrl.u32 s2, $0x3;
	s12 =	sadd.s32 $0x9000, s13;
	[dreg:$0x17] =	wrdreg s11  }
0x16: {  	s10 =	sshrl.u32 s10, $0x3;
	s16 =	sadd.s32 s0, s14;
	[dreg:$0x18] =	wrdreg s12  }
0x17: {  	s3 =	sadd.s32 s3, s1;
	s9 =	sshrl.u32 s21, $0x3;
	[dreg:$0x8] =	wrdreg s16  }
0x18: {  	s1 =	sadd.s32 s10, s1;
	s10 =	sadd.s32 $0x7000, s13;
	[dreg:$0x15] =	wrdreg s9  }
0x19: {  	s30 =	simm.s32 $0x100;
	s18 =	sadd.s32 $0xB000, s13;
	[dreg:$0x16] =	wrdreg s10  }
0x1a: {  	s31 =	simm.s32 $0x140;
	s21 =	sadd.s32 $0xE000, s13;
	[dreg:$0x1a] =	wrdreg s18  }
0x1b: {  	s15 =	sadd.s32 $0x60, s2;
	s22 =	sadd.s32 $0xF000, s13;
	[dreg:$0x1d] =	wrdreg s21  }
0x1c: {  	s14 =	sadd.s32 $0x40, s2;
	s23 =	sadd.s32 $0x10000, s13;
	[dreg:$0x1e] =	wrdreg s22  }
0x1d: {  	s24 =	sadd.s32 $0x11000, s13;
	s25 =	sadd.s32 $0x12000, s13;
	[dreg:$0x1f] =	wrdreg s23  }
0x1e: {  	s26 =	sadd.s32 $0x13000, s13;
	s11 =	simm.s32 $0x71C0;
	[smem:$0x7FB] =	sst s24  }
0x1f: {  	s19 =	sadd.s32 $0x4, s16;
	s20 =	sadd.s32 $0x5B200, s3;
	[smem:$0x7FC] =	sst s25  }
0x20: {  	s1 =	sadd.s32 $0x51200, s1;
	s3 =	sadd.s32 $0x5000, s13;
	[smem:$0x7FD] =	sst s26  }
0x21: {  	s16 =	sadd.s32 $0xA000, s13;
	s18 =	simm.s32 $0x41C0;
	[dreg:$0xb] =	wrdreg s19  }
0x22: {  	s21 =	simm.s32 $0x20;
	s22 =	simm.s32 $0x50C00;
	[dreg:$0xc] =	wrdreg s20  }
0x23: {  	s23 =	simm.s32 $0x1;
	s24 =	simm.s32 $0x40;
	[dreg:$0xd] =	wrdreg s1  }
.Ltmp0:
0x24: {  	s25 =	simm.s32 $0x80;
	[dreg:$0x13] =	wrdreg s3;
	(pc) =	sbr.rel .LBB2_1-.Ltmp0, $4  }
0x25: {  	s26 =	simm.s32 $0x1C0;
	[dreg:$0x19] =	wrdreg s16;
	s19 =	sadd.s32 $0xC000, s13  }
0x26: {  	s20 =	sadd.s32 $0xD000, s13;
	s1 =	simm.s32 $0x4;
	s13 =	simm.s32 $0x51C0  }
0x27: {  	s16 =	simm.s32 $0x160;
	s3 =	simm.s32 $0x0;
	[dreg:$0x1b] =	wrdreg s19  }
0x28: {  	v0 =	vimm.f32 $0.0e+00;
	[dreg:$0x1c] =	wrdreg s20;
	s19 =	simm.s32 $0x7;
	s20 =	simm.s32 $0x61C0  }
.LBB2_12:
0x29: {  	[spmem:s4] =	stream.indirect.scatter.add.f32 [tilespmem:s18], [sflag:$0x5], $0x80, s30, s21, $0xb8;
	[tilespmem:$0x1EC40] =	vst v63  }
0x2a: {  	s2 =	simm.s32 $0x6  }
0x2b: {  	[spmem:s5] =	stream.indirect.scatter.add.f32 [tilespmem:s20], [sflag:$0x5], $0x80, s31, s21, $0xb8;
	[tilespmem:$0x1EC40] =	vst v63  }
0x2c: {  	_ =	swait.ge [sflag:s2], $0x1000  }
0x2d: {  	[sflag:s2] =	ssyncset.done $0x0  }
0x2e: {  	[sflag:s2] =	ssyncadd.s32 $0xFFFFF000  }
0x2f: {  	_ =	swait.ge [sflag:s2], $0x1000  }
0x30: {  	[sflag:s2] =	ssyncset.done $0x0  }
0x31: {  	s17 =	simm.s32 $0x5;
	[sflag:s2] =	ssyncadd.s32 $0xFFFFF000  }
0x32: {  	_ =	swait.ge [sflag:s17], $0x1000  }
0x33: {  	[sflag:s17] =	ssyncset.done $0x0  }
0x34: {  	[sflag:s17] =	ssyncadd.s32 $0xFFFFF000  }
0x35: {  	_ =	swait.ge [sflag:s17], $0x1000  }
0x36: {  	[sflag:s17] =	ssyncset.done $0x0  }
0x37: {  	[sflag:s17] =	ssyncadd.s32 $0xFFFFF000  }
0x38: {  	s3 =	stileid.u32;
	[bflag:$0x0] =	sbarrier.arrive $0xFFFF  }
0x39: {  	s2 =	sshll.u32 s3, $0x6;
	s3 =	rddreg [dreg:$0xc]  }
0x3a: {  	s2 =	sor.u32 $0x1C07, s2;
	s8 =	rddreg [dreg:$0x15]  }
0x3b: {  	[hbm:s3], [sflag:s2] =	dma.local [spmem:s8], $0x2800  }
0x3c: {  	_ =	swait.ge [sflag:s19], $0x2800  }
0x3d: {  	[sflag:s19] =	ssyncset.done $0x0;
	s17 =	rddreg [dreg:$0x7]  }
0x3e: {  	s9 =	rddreg [dreg:$0xd];
	[sflag:s19] =	ssyncadd.s32 $0xFFFFD800;
	s8 =	sshrl.u32 s17, $0x3  }
0x3f: {  	[hbm:s9], [sflag:s2] =	dma.local [spmem:s8], $0x500  }
0x40: {  	_ =	swait.ge [sflag:s19], $0x500  }
0x41: {  	s10 =	sld [smem:$0x7FA];
	_ =	sdelay $0x2  }
0x42: {  	s12 =	rddreg [dreg:$0xe];
	s3 =	sadd.s32 $0x1, s10  }
0x43: {  	p0 =	sne.s32 s3, s12  }
.Ltmp1:
0x44: {  	_ = 	snop;
	(pc) =	sbr.rel @!p0 .LBB2_13-.Ltmp1, $3  }
0x45: {  	_ =	sdelay $0x1  }
0x46: {  	[sflag:s19] =	ssyncset.done $0x0  }
0x47: {  	v0 =	vimm.f32 $0.0e+00;
	[sflag:s19] =	ssyncadd.s32 $0xFFFFFB00  }
.LBB2_1:
0x48: {  	[smem:$0x7FA] =	sst s3;
	s2 =	simm.s32 $0x0;
	s3 =	simm.s32 $0x200  }
.LBB2_2:
0x49: {  	p0 =	sne.s32 s3, $0x3E00;
	[tilespmem:s2+$0x7230] =	vst v0  }
0x4a: {  	[tilespmem:s2+$0x41C0] =	vst v0  }
0x4b: {  	[tilespmem:s2+$0x61C0] =	vst v0  }
0x4c: {  	[tilespmem:s2+$0x71C0] =	vst v0  }
0x4d: {  	[tilespmem:s2+$0x41D0] =	vst v0  }
0x4e: {  	[tilespmem:s2+$0x61D0] =	vst v0  }
0x4f: {  	[tilespmem:s2+$0x71D0] =	vst v0  }
0x50: {  	[tilespmem:s2+$0x41E0] =	vst v0  }
0x51: {  	[tilespmem:s2+$0x61E0] =	vst v0  }
0x52: {  	[tilespmem:s2+$0x71E0] =	vst v0  }
0x53: {  	[tilespmem:s2+$0x41F0] =	vst v0  }
0x54: {  	[tilespmem:s2+$0x61F0] =	vst v0  }
0x55: {  	[tilespmem:s2+$0x71F0] =	vst v0  }
0x56: {  	[tilespmem:s2+$0x4200] =	vst v0  }
0x57: {  	[tilespmem:s2+$0x6200] =	vst v0  }
0x58: {  	[tilespmem:s2+$0x7200] =	vst v0  }
0x59: {  	[tilespmem:s2+$0x4210] =	vst v0  }
0x5a: {  	[tilespmem:s2+$0x6210] =	vst v0  }
0x5b: {  	[tilespmem:s2+$0x7210] =	vst v0  }
.Ltmp2:
0x5c: {  	[tilespmem:s2+$0x4220] =	vst v0;
	(pc) =	sbr.rel @p0 .LBB2_2-.Ltmp2, $4  }
0x5d: {  	[tilespmem:s2+$0x6220] =	vst v0  }
0x5e: {  	[tilespmem:s2+$0x7220] =	vst v0  }
0x5f: {  	[tilespmem:s2+$0x4230] =	vst v0  }
0x60: {  	[tilespmem:s2+$0x6230] =	vst v0;
	s2 =	sshra.s32 s3, $0x2;
	s3 =	sadd.s32 $0x200, s3  }
0x61: {  	[tilespmem:s2+$0x7230] =	vst v0  }
0x62: {  	[tilespmem:s2+$0x41C0] =	vst v0  }
0x63: {  	[tilespmem:s2+$0x61C0] =	vst v0  }
0x64: {  	[tilespmem:s2+$0x71C0] =	vst v0  }
0x65: {  	[tilespmem:s2+$0x41D0] =	vst v0  }
0x66: {  	[tilespmem:s2+$0x61D0] =	vst v0  }
0x67: {  	[tilespmem:s2+$0x71D0] =	vst v0  }
0x68: {  	[tilespmem:s2+$0x41E0] =	vst v0  }
0x69: {  	[tilespmem:s2+$0x61E0] =	vst v0  }
0x6a: {  	[tilespmem:s2+$0x71E0] =	vst v0  }
0x6b: {  	[tilespmem:s2+$0x41F0] =	vst v0  }
0x6c: {  	[tilespmem:s2+$0x61F0] =	vst v0  }
0x6d: {  	[tilespmem:s2+$0x71F0] =	vst v0  }
0x6e: {  	[tilespmem:s2+$0x4200] =	vst v0  }
0x6f: {  	[tilespmem:s2+$0x6200] =	vst v0  }
0x70: {  	[tilespmem:s2+$0x7200] =	vst v0  }
0x71: {  	[tilespmem:s2+$0x4210] =	vst v0  }
0x72: {  	[tilespmem:s2+$0x6210] =	vst v0  }
0x73: {  	[tilespmem:s2+$0x7210] =	vst v0  }
0x74: {  	[tilespmem:s2+$0x4220] =	vst v0  }
0x75: {  	[tilespmem:s2+$0x6220] =	vst v0  }
0x76: {  	[tilespmem:s2+$0x7220] =	vst v0  }
0x77: {  	[tilespmem:s2+$0x4230] =	vst v0  }
0x78: {  	[tilespmem:s2+$0x6230] =	vst v0;
	s3 =	rddreg [dreg:$0x6]  }
0x79: {  	[spmem:s3] =	stream.linear.scatter [tilespmem:s18], [sflag:$0x7], $0x1000, $0x38;
	[tilespmem:$0x1EC40] =	vst v63  }
0x7a: {  	_ =	swait.ge [sflag:s19], $0x1000  }
0x7b: {  	[sflag:s19] =	ssyncset.done $0x0  }
0x7c: {  	s8 =	rddreg [dreg:$0xf];
	[sflag:s19] =	ssyncadd.s32 $0xFFFFF000  }
0x7d: {  	[spmem:s8] =	stream.linear.scatter [tilespmem:s18], [sflag:$0x7], $0x1000, $0x38;
	[tilespmem:$0x1EC40] =	vst v63  }
0x7e: {  	_ =	swait.ge [sflag:s19], $0x1000  }
0x7f: {  	[sflag:s19] =	ssyncset.done $0x0  }
0x80: {  	s9 =	rddreg [dreg:$0x10];
	[sflag:s19] =	ssyncadd.s32 $0xFFFFF000  }
0x81: {  	[spmem:s9] =	stream.linear.scatter [tilespmem:s18], [sflag:$0x7], $0x1000, $0x38;
	[tilespmem:$0x1EC40] =	vst v63  }
0x82: {  	_ =	swait.ge [sflag:s19], $0x1000  }
0x83: {  	[sflag:s19] =	ssyncset.done $0x0  }
0x84: {  	s10 =	rddreg [dreg:$0x11];
	[sflag:s19] =	ssyncadd.s32 $0xFFFFF000  }
0x85: {  	[spmem:s10] =	stream.linear.scatter [tilespmem:s18], [sflag:$0x7], $0x1000, $0x38;
	[tilespmem:$0x1EC40] =	vst v63  }
0x86: {  	_ =	swait.ge [sflag:s19], $0x1000  }
0x87: {  	[sflag:s19] =	ssyncset.done $0x0  }
0x88: {  	s12 =	rddreg [dreg:$0x12];
	[sflag:s19] =	ssyncadd.s32 $0xFFFFF000  }
0x89: {  	[spmem:s12] =	stream.linear.scatter [tilespmem:s18], [sflag:$0x7], $0x1000, $0x38;
	[tilespmem:$0x1EC40] =	vst v63  }
0x8a: {  	_ =	swait.ge [sflag:s19], $0x1000  }
0x8b: {  	[sflag:s19] =	ssyncset.done $0x0  }
0x8c: {  	s3 =	rddreg [dreg:$0x13];
	[sflag:s19] =	ssyncadd.s32 $0xFFFFF000  }
0x8d: {  	[spmem:s3] =	stream.linear.scatter [tilespmem:s18], [sflag:$0x7], $0x1000, $0x38;
	[tilespmem:$0x1EC40] =	vst v63  }
0x8e: {  	_ =	swait.ge [sflag:s19], $0x1000  }
0x8f: {  	[sflag:s19] =	ssyncset.done $0x0  }
0x90: {  	s8 =	rddreg [dreg:$0x14];
	[sflag:s19] =	ssyncadd.s32 $0xFFFFF000  }
0x91: {  	[spmem:s8] =	stream.linear.scatter [tilespmem:s18], [sflag:$0x7], $0x1000, $0x38;
	[tilespmem:$0x1EC40] =	vst v63  }
0x92: {  	_ =	swait.ge [sflag:s19], $0x1000  }
0x93: {  	[sflag:s19] =	ssyncset.done $0x0  }
0x94: {  	s9 =	rddreg [dreg:$0x16];
	[sflag:s19] =	ssyncadd.s32 $0xFFFFF000  }
0x95: {  	[spmem:s9] =	stream.linear.scatter [tilespmem:s18], [sflag:$0x7], $0x1000, $0x38;
	[tilespmem:$0x1EC40] =	vst v63  }
0x96: {  	_ =	swait.ge [sflag:s19], $0x1000  }
0x97: {  	[sflag:s19] =	ssyncset.done $0x0  }
0x98: {  	s10 =	rddreg [dreg:$0x17];
	[sflag:s19] =	ssyncadd.s32 $0xFFFFF000  }
0x99: {  	[spmem:s10] =	stream.linear.scatter [tilespmem:s18], [sflag:$0x7], $0x1000, $0x38;
	[tilespmem:$0x1EC40] =	vst v63  }
0x9a: {  	_ =	swait.ge [sflag:s19], $0x1000  }
0x9b: {  	[sflag:s19] =	ssyncset.done $0x0  }
0x9c: {  	s12 =	rddreg [dreg:$0x18];
	[sflag:s19] =	ssyncadd.s32 $0xFFFFF000  }
0x9d: {  	[spmem:s12] =	stream.linear.scatter [tilespmem:s18], [sflag:$0x7], $0x1000, $0x38;
	[tilespmem:$0x1EC40] =	vst v63  }
0x9e: {  	_ =	swait.ge [sflag:s19], $0x1000  }
0x9f: {  	[sflag:s19] =	ssyncset.done $0x0  }
0xa0: {  	s3 =	rddreg [dreg:$0x19];
	[sflag:s19] =	ssyncadd.s32 $0xFFFFF000  }
0xa1: {  	[spmem:s3] =	stream.linear.scatter [tilespmem:s18], [sflag:$0x7], $0x1000, $0x38;
	[tilespmem:$0x1EC40] =	vst v63  }
0xa2: {  	_ =	swait.ge [sflag:s19], $0x1000  }
0xa3: {  	[sflag:s19] =	ssyncset.done $0x0  }
0xa4: {  	s8 =	rddreg [dreg:$0x1a];
	[sflag:s19] =	ssyncadd.s32 $0xFFFFF000  }
0xa5: {  	[spmem:s8] =	stream.linear.scatter [tilespmem:s18], [sflag:$0x7], $0x1000, $0x38;
	[tilespmem:$0x1EC40] =	vst v63  }
0xa6: {  	_ =	swait.ge [sflag:s19], $0x1000  }
0xa7: {  	[sflag:s19] =	ssyncset.done $0x0  }
0xa8: {  	s9 =	rddreg [dreg:$0x1b];
	[sflag:s19] =	ssyncadd.s32 $0xFFFFF000  }
0xa9: {  	[spmem:s9] =	stream.linear.scatter [tilespmem:s18], [sflag:$0x7], $0x1000, $0x38;
	[tilespmem:$0x1EC40] =	vst v63  }
0xaa: {  	_ =	swait.ge [sflag:s19], $0x1000  }
0xab: {  	[sflag:s19] =	ssyncset.done $0x0  }
0xac: {  	s10 =	rddreg [dreg:$0x1c];
	[sflag:s19] =	ssyncadd.s32 $0xFFFFF000  }
0xad: {  	[spmem:s10] =	stream.linear.scatter [tilespmem:s18], [sflag:$0x7], $0x1000, $0x38;
	[tilespmem:$0x1EC40] =	vst v63  }
0xae: {  	_ =	swait.ge [sflag:s19], $0x1000  }
0xaf: {  	[sflag:s19] =	ssyncset.done $0x0  }
0xb0: {  	s12 =	rddreg [dreg:$0x1d];
	[sflag:s19] =	ssyncadd.s32 $0xFFFFF000  }
0xb1: {  	[spmem:s12] =	stream.linear.scatter [tilespmem:s18], [sflag:$0x7], $0x1000, $0x38;
	[tilespmem:$0x1EC40] =	vst v63  }
0xb2: {  	_ =	swait.ge [sflag:s19], $0x1000  }
0xb3: {  	[sflag:s19] =	ssyncset.done $0x0  }
0xb4: {  	s3 =	rddreg [dreg:$0x1e];
	[sflag:s19] =	ssyncadd.s32 $0xFFFFF000  }
0xb5: {  	[spmem:s3] =	stream.linear.scatter [tilespmem:s18], [sflag:$0x7], $0x1000, $0x38;
	[tilespmem:$0x1EC40] =	vst v63  }
0xb6: {  	_ =	swait.ge [sflag:s19], $0x1000  }
0xb7: {  	[sflag:s19] =	ssyncset.done $0x0  }
0xb8: {  	s8 =	rddreg [dreg:$0x1f];
	[sflag:s19] =	ssyncadd.s32 $0xFFFFF000  }
0xb9: {  	[spmem:s8] =	stream.linear.scatter [tilespmem:s18], [sflag:$0x7], $0x1000, $0x38;
	[tilespmem:$0x1EC40] =	vst v63  }
0xba: {  	_ =	swait.ge [sflag:s19], $0x1000  }
0xbb: {  	s9 =	sld [smem:$0x7FB]  }
0xbc: {  	[sflag:s19] =	ssyncset.done $0x0  }
0xbd: {  	[sflag:s19] =	ssyncadd.s32 $0xFFFFF000  }
0xbe: {  	[spmem:s9] =	stream.linear.scatter [tilespmem:s18], [sflag:$0x7], $0x1000, $0x38;
	[tilespmem:$0x1EC40] =	vst v63  }
0xbf: {  	_ =	swait.ge [sflag:s19], $0x1000  }
0xc0: {  	s10 =	sld [smem:$0x7FC]  }
0xc1: {  	[sflag:s19] =	ssyncset.done $0x0  }
0xc2: {  	[sflag:s19] =	ssyncadd.s32 $0xFFFFF000  }
0xc3: {  	[spmem:s10] =	stream.linear.scatter [tilespmem:s18], [sflag:$0x7], $0x1000, $0x38;
	[tilespmem:$0x1EC40] =	vst v63  }
0xc4: {  	_ =	swait.ge [sflag:s19], $0x1000  }
0xc5: {  	s12 =	sld [smem:$0x7FD]  }
0xc6: {  	[sflag:s19] =	ssyncset.done $0x0  }
0xc7: {  	[sflag:s19] =	ssyncadd.s32 $0xFFFFF000  }
0xc8: {  	[spmem:s12] =	stream.linear.scatter [tilespmem:s18], [sflag:$0x7], $0x1000, $0x38;
	[tilespmem:$0x1EC40] =	vst v63  }
0xc9: {  	_ =	swait.ge [sflag:s19], $0x1000  }
0xca: {  	[sflag:s19] =	ssyncset.done $0x0  }
0xcb: {  	[sflag:s19] =	ssyncadd.s32 $0xFFFFF000  }
0xcc: {  	[spmem:s17] =	stream.linear.scatter [tilespmem:s20], [sflag:$0x7], $0x1000, $0x38;
	[tilespmem:$0x1EC40] =	vst v63  }
0xcd: {  	_ =	swait.ge [sflag:s19], $0x1000  }
0xce: {  	[sflag:s19] =	ssyncset.done $0x0  }
0xcf: {  	s3 =	rddreg [dreg:$0x9];
	[sflag:s19] =	ssyncadd.s32 $0xFFFFF000  }
0xd0: {  	[spmem:s3] =	stream.linear.scatter [tilespmem:s20], [sflag:$0x7], $0x1000, $0x38;
	[tilespmem:$0x1EC40] =	vst v63  }
0xd1: {  	_ =	swait.ge [sflag:s19], $0x1000  }
0xd2: {  	[sflag:s19] =	ssyncset.done $0x0  }
0xd3: {  	s8 =	rddreg [dreg:$0xa];
	[sflag:s19] =	ssyncadd.s32 $0xFFFFF000  }
0xd4: {  	[spmem:s8] =	stream.linear.scatter [tilespmem:s20], [sflag:$0x7], $0x800, $0x38;
	[tilespmem:$0x1EC40] =	vst v63  }
0xd5: {  	_ =	swait.ge [sflag:s19], $0x800  }
0xd6: {  	[sflag:s19] =	ssyncset.done $0x0  }
0xd7: {  	[sflag:s19] =	ssyncadd.s32 $0xFFFFF800  }
0xd8: {  	[bflag:$0x0] =	sbarrier.arrive $0xFFFF  }
0xd9: {  	s10 =	simm.s32 $0x0;
	s3 =	simm.s32 $0x83C0;
	s9 =	rddreg [dreg:$0x2]  }
0xda: {  	[tilespmem:s3], [sflag:$0x7] =	stream.linear.gather [hbm4b:s9+s10], $0x80, $0x38;
	[tilespmem:$0x1EC40] =	vst v63  }
0xdb: {  	_ =	swait.ge [sflag:s19], $0x80  }
0xdc: {  	[sflag:s19] =	ssyncset.done $0x0  }
0xdd: {  	[sflag:s19] =	ssyncadd.s32 $0xFFFFFF80  }
0xde: {  	v58 =	vld [tilespmem:$0x83C0]  }
0xdf: {  	v50 =	vld [tilespmem:$0x83D0]  }
0xe0: {  	v33 =	vld [tilespmem:$0x83E0]  }
0xe1: {  	v43 =	vld [tilespmem:$0x83F0]  }
0xe2: {  	v59 =	vld [tilespmem:$0x8430]  }
0xe3: {  	v46 =	vld [tilespmem:$0x8400]  }
0xe4: {  	s12 =	rddreg [dreg:$0x8];
	v56 =	vld [tilespmem:$0x8410]  }
0xe5: {  	v62 =	vld [tilespmem:$0x8420];
	[tilespmem:s10], [sflag:$0x1] =	stream.strided.gather [hbm4b:s12+s21], $0x40, s22, s21, $0x38  }
0xe6: {  	[tilespmem:$0x1FF80] =	vst v58  }
0xe7: {  	[tilespmem:$0x1FF90] =	vst v59  }
0xe8: {  	_ =	swait.ge [sflag:s23], $0x40  }
0xe9: {  	[sflag:s23] =	ssyncset.done $0x0  }
0xea: {  	[sflag:s23] =	ssyncadd.s32 $0xFFFFFFC0  }
0xeb: {  	v60 =	vld [tilespmem:$0x0]  }
0xec: {  	[tilespmem:$0x1FFA0] =	vst v43;
	v1 =	vld [tilespmem:$0x20]  }
0xed: {  	[tilespmem:$0x1FFB0] =	vst v56;
	v2 =	vld [tilespmem:$0x10]  }
0xee: {  	[tilespmem:$0x1FFC0] =	vst v33;
	v3 =	vld [tilespmem:$0x30]  }
0xef: {  	[tilespmem:$0x1FFD0] =	vst v46  }
0xf0: {  	[tilespmem:$0x1FFE0] =	vst v62  }
0xf1: {  	[tilespmem:$0x80] =	vst v60  }
0xf2: {  	v61 =	vadd.s32 $0x2800, v1;
	[tilespmem:$0x90] =	vst v2  }
.Ltmp3:
0xf3: {  	v63 =	vadd.s32 $0x2800, v3;
	[tilespmem:$0xA0] =	vst v61;
	(pc) =	sbr.rel .LBB2_4-.Ltmp3, $4  }
0xf4: {  	s17 =	rddreg [dreg:$0xb];
	[tilespmem:$0xB0] =	vst v63  }
0xf5: {  	[tilespmem:s24], [sflag:$0x2] =	stream.strided.gather [hbm4b:s17+s21], $0x40, s22, s21, $0x38;
	[tilespmem:$0x1EC40] =	vst v63  }
0xf6: {  	[tilespmem:$0x1FFF0] =	vst v50  }
0xf7: {  	[tilespmem:s26], [sflag:$0x3] =	stream.indirect.gather [hbm4b:s7+s24], $0x80, s25, s24, $0xb8;
	[tilespmem:$0x1EC40] =	vst v63  }
.LBB2_11:
0xf8: {  	s10 =	sadd.s32 $0x1, s10  }
.LBB2_4:
0xf9: {  	p1 =	sgt.u32 s10, $0xA0  }
0xfa: {  	s2 =	simm.s32 @!p1 $0x2  }
0xfb: {  	_ =	swait.ge @!p1 [sflag:s2], $0x40  }
0xfc: {  	[sflag:s2] =	ssyncset.done @!p1 $0x0  }
0xfd: {  	[sflag:s2] =	ssyncadd.s32 @!p1 $0xFFFFFFC0  }
0xfe: {  	v0 =	vld @!p1 [tilespmem:$0x40]  }
0xff: {  	v1 =	vld @!p1 [tilespmem:$0x60]  }
0x100: {  	v2 =	vld @!p1 [tilespmem:$0x50]  }
0x101: {  	v3 =	vld @!p1 [tilespmem:$0x70];
	_ =	sdelay $0x2  }
0x102: {  	[tilespmem:$0xC0] =	vst @!p1 v0  }
0x103: {  	v0 =	vadd.s32 @!p1 $0x2800, v1;
	[tilespmem:$0xD0] =	vst @!p1 v2  }
0x104: {  	[tilespmem:$0xE0] =	vst @!p1 v0;
	v0 =	vadd.s32 @!p1 $0x2800, v3  }
0x105: {  	s3 =	simm.s32 @!p1 $0xC0;
	s8 =	simm.s32 @!p1 $0x21C0;
	s2 =	simm.s32 @!p1 $0x40;
	[tilespmem:$0xF0] =	vst @!p1 v0  }
0x106: {  	[tilespmem:s8], [sflag:$0x4] =	stream.indirect.gather @!p1 [hbm4b:s7+s2], $0x80, s3, s2, $0xb8;
	[tilespmem:$0x1EC40] =	vst v63  }
0x107: {  	_ =	swait.ge [sflag:s28], $0x2000  }
0x108: {  	p0 =	seq.s32 s10, $0x0;
	[sflag:s28] =	ssyncset.done $0x0  }
0x109: {  	s2 =	simm.s32 @!p0 $0x5;
	[sflag:s28] =	ssyncadd.s32 $0xFFFFE000  }
0x10a: {  	_ =	swait.ge @!p0 [sflag:s2], $0x1000  }
0x10b: {  	[sflag:s2] =	ssyncset.done @!p0 $0x0  }
0x10c: {  	[sflag:s2] =	ssyncadd.s32 @!p0 $0xFFFFF000  }
0x10d: {  	_ =	swait.ge @!p0 [sflag:s2], $0x1000  }
0x10e: {  	[sflag:s2] =	ssyncset.done @!p0 $0x0  }
0x10f: {  	[sflag:s2] =	ssyncadd.s32 @!p0 $0xFFFFF000  }
0x110: {  	v0 =	vld @!p0 [tilespmem:$0x180];
	_ =	sdelay $0x1  }
0x111: {  	v1 =	vlaneseq.u32 @!p0  }
0x112: {  	v1 =	vmul.u32 @!p0 $0x80, v1;
	_ =	sdelay $0x1  }
0x113: {  	v0 =	vadd.s32 @!p0 v1, v0;
	_ =	sdelay $0x3  }
0x114: {  	v2 =	vimm.f32 @!p0 $0.0e+00;
	s2 =	simm.s32 @!p0 $0x61C0  }
0x115: {  	[tilespmem:v0+s2+$0x0] =	vst.idx.msk @!p0 $0xffff, v2  }
0x116: {  	v0 =	vld @!p0 [tilespmem:$0x190];
	_ =	sdelay $0x3  }
0x117: {  	v1 =	vor.u32 @!p0 $0x800, v1  }
0x118: {  	v0 =	vadd.s32 @!p0 v1, v0;
	_ =	sdelay $0x4  }
0x119: {  	s12 =	simm.s32 $0x11C0;
	[tilespmem:v0+s2+$0x0] =	vst.idx.msk @!p0 $0xffff, v2  }
0x11a: {  	v38 =	vld [tilespmem:s12+$0xFFFFF180]  }
0x11b: {  	v35 =	vld [tilespmem:s12+$0xFFFFF190]  }
0x11c: {  	v37 =	vld [tilespmem:s12+$0xFFFFF1A0]  }
0x11d: {  	v34 =	vld [tilespmem:s12+$0xFFFFF1B0]  }
0x11e: {  	v41 =	vld [tilespmem:s12+$0xFFFFF1C0]  }
0x11f: {  	v44 =	vld [tilespmem:s12+$0xFFFFF1D0]  }
0x120: {  	v52 =	vld [tilespmem:s12+$0xFFFFF1E0]  }
0x121: {  	v40 =	vld [tilespmem:s12+$0xFFFFF1F0]  }
0x122: {  	v1 =	vld [tilespmem:s12+$0x180]  }
0x123: {  	v2 =	vld [tilespmem:s12+$0x190]  }
0x124: {  	v3 =	vld [tilespmem:s12+$0x1A0]  }
0x125: {  	v32 =	vld [tilespmem:s12+$0xFFFFF010]  }
0x126: {  	v4 =	vld [tilespmem:s12+$0x1B0]  }
0x127: {  	v5 =	vld [tilespmem:s12+$0x1C0]  }
0x128: {  	v12 =	vld [tilespmem:s12+$0x1D0]  }
0x129: {  	v13 =	vld [tilespmem:s12+$0x1E0]  }
0x12a: {  	v14 =	vld [tilespmem:s12+$0x1F0];
	[tilespmem:$0x1FF10] =	vst v32  }
0x12b: {  	v31 =	vld [tilespmem:s12+$0xFFFFF020];
	_ =	sdelay $0x4  }
0x12c: {  	[tilespmem:$0x1FF20] =	vst v31  }
0x12d: {  	v30 =	vld [tilespmem:s12+$0xFFFFF030];
	_ =	sdelay $0x4  }
0x12e: {  	[tilespmem:$0x1FF40] =	vst v30  }
0x12f: {  	v29 =	vld [tilespmem:s12+$0xFFFFF040];
	_ =	sdelay $0x4  }
0x130: {  	[tilespmem:$0x1FF50] =	vst v29  }
0x131: {  	v9 =	vld [tilespmem:s12+$0xFFFFF050];
	_ =	sdelay $0x3  }
0x132: {  	v7 =	vld [tilespmem:$0x1FF80]  }
0x133: {  	v6 =	vld [tilespmem:$0x1FF90];
	[tilespmem:$0x1FF60] =	vst v9  }
0x134: {  	v10 =	vld [tilespmem:s12+$0xFFFFF060]  }
0x135: {  	v11 =	vld [tilespmem:s12+$0xFFFFF070]  }
0x136: {  	v0 =	vld [tilespmem:s12+$0x0]  }
0x137: {  	v15 =	vld [tilespmem:s12+$0x10]  }
0x138: {  	v16 =	vld [tilespmem:s12+$0x20]  }
0x139: {  	v17 =	vld [tilespmem:s12+$0x30]  }
0x13a: {  	v19 =	vld [tilespmem:s12+$0x40]  }
0x13b: {  	v1 =	vadd.f32 v1, v38;
	v2 =	vadd.f32 v2, v35;
	v22 =	vld [tilespmem:s12+$0x50]  }
0x13c: {  	v3 =	vadd.f32 v3, v37;
	v4 =	vadd.f32 v4, v34;
	v25 =	vld [tilespmem:s12+$0x60]  }
0x13d: {  	v5 =	vadd.f32 v5, v41;
	v12 =	vadd.f32 v12, v44;
	v18 =	vmul.f32 $2.000000030e-01, v1;
	v36 =	vld [tilespmem:s12+$0xFFFFF0C0]  }
0x13e: {  	v13 =	vadd.f32 v13, v52;
	v20 =	vmul.f32 $2.000000030e-01, v2;
	v21 =	vmul.f32 $2.000000030e-01, v3;
	v28 =	vld [tilespmem:s12+$0x70]  }
0x13f: {  	v14 =	vadd.f32 v14, v40;
	v23 =	vmul.f32 $2.000000030e-01, v4;
	v24 =	vmul.f32 $2.000000030e-01, v5;
	v49 =	vld [tilespmem:s12+$0xFFFFF080]  }
0x140: {  	v26 =	vmul.f32 $2.000000030e-01, v12;
	v27 =	vmul.f32 $2.000000030e-01, v13;
	v53 =	vld [tilespmem:s12+$0xFFFFF090]  }
0x141: {  	v1 =	vmax.f32 v1, v18;
	v2 =	vmax.f32 v2, v20;
	v18 =	vmul.f32 $2.000000030e-01, v14;
	v51 =	vld [tilespmem:s12+$0xFFFFF0A0]  }
0x142: {  	v3 =	vmax.f32 v3, v21;
	v4 =	vmax.f32 v4, v23;
	v5 =	vmax.f32 v5, v24;
	v54 =	vld [tilespmem:s12+$0xFFFFF0B0];
	[tilespmem:$0x1FEF0] =	vst v36  }
0x143: {  	v12 =	vmax.f32 v12, v26;
	v1 =	vmul.f32 v1, v7;
	v2 =	vmul.f32 v2, v50;
	v39 =	vld [tilespmem:s12+$0xFFFFF0E0]  }
0x144: {  	v13 =	vmax.f32 v13, v27;
	v3 =	vmul.f32 v3, v33;
	v4 =	vmul.f32 v4, v43  }
0x145: {  	v5 =	vmul.f32 v5, v46;
	v12 =	vmul.f32 v12, v56;
	v14 =	vmax.f32 v14, v18  }
0x146: {  	v13 =	vmul.f32 v13, v62;
	v14 =	vmul.f32 v14, v6  }
0x147: {  	v1 =	vadd.f32 v2, v1;
	v2 =	vadd.f32 v4, v3  }
0x148: {  	v3 =	vadd.f32 v12, v5;
	v4 =	vadd.f32 v14, v13;
	v57 =	vld [tilespmem:s12+$0xFFFFF0D0];
	[tilespmem:$0x1FF00] =	vst v39  }
0x149: {  	v1 =	vadd.f32 v2, v1;
	v8 =	vld [tilespmem:s12+$0xFFFFF0F0]  }
0x14a: {  	v3 =	vadd.f32 v4, v3;
	v5 =	vadd.f32 v16, v31;
	v2 =	vld [tilespmem:s12+$0x80]  }
0x14b: {  	v4 =	vadd.f32 v17, v30;
	v13 =	vadd.f32 v19, v29;
	v16 =	vld [tilespmem:s12+$0x90]  }
0x14c: {  	v1 =	vadd.f32 v3, v1;
	v17 =	vadd.f32 v15, v32;
	v15 =	vld [tilespmem:s12+$0xA0]  }
0x14d: {  	v18 =	vadd.f32 v22, v9;
	v3 =	vmul.f32 $2.000000030e-01, v4;
	v20 =	vmul.f32 $2.000000030e-01, v13;
	v19 =	vld [tilespmem:s12+$0xB0]  }
0x14e: {  	v14 =	vmul.f32 $2.000000030e-01, v5;
	v23 =	vld [tilespmem:s12+$0xC0]  }
0x14f: {  	v24 =	vmul.f32 $2.000000030e-01, v18;
	v3 =	vmax.f32 v4, v3;
	v13 =	vmax.f32 v13, v20;
	v4 =	vld [tilespmem:s12+$0xD0]  }
0x150: {  	v22 =	vadd.f32 v28, v11;
	v5 =	vmax.f32 v5, v14;
	v26 =	vld [tilespmem:s12+$0xE0]  }
0x151: {  	v18 =	vmax.f32 v18, v24;
	v5 =	vmul.f32 v5, v33;
	v3 =	vmul.f32 v3, v43;
	v27 =	vld [tilespmem:s12+$0xF0]  }
0x152: {  	v21 =	vadd.f32 v25, v10;
	v29 =	vmul.f32 v13, v46;
	v18 =	vmul.f32 v18, v56;
	v13 =	vmovc v6;
	v6 =	vld [tilespmem:s12+$0xFFFFF100]  }
0x153: {  	v20 =	vmul.f32 $2.000000030e-01, v22;
	v3 =	vadd.f32 v3, v5;
	v9 =	vld [tilespmem:s12+$0xFFFFF110]  }
0x154: {  	v14 =	vmul.f32 $2.000000030e-01, v21;
	v25 =	vld [tilespmem:s12+$0xFFFFF130];
	v18 =	vadd.f32 v18, v29;
	v2 =	vadd.f32 v2, v49  }
0x155: {  	v22 =	vmax.f32 v22, v20;
	v24 =	vld [tilespmem:s12+$0xFFFFF140];
	v5 =	vadd.f32 v16, v53;
	v28 =	vadd.f32 v15, v51  }
0x156: {  	v20 =	vld [tilespmem:s12+$0xFFFFF150];
	v19 =	vadd.f32 v19, v54;
	v23 =	vadd.f32 v23, v36;
	v16 =	vmul.f32 $2.000000030e-01, v2  }
0x157: {  	v15 =	vld [tilespmem:s12+$0xFFFFF120];
	v4 =	vadd.f32 v4, v57;
	v26 =	vadd.f32 v26, v39;
	[tilespmem:$0x1FE90] =	vst v8;
	v30 =	vmul.f32 $2.000000030e-01, v5  }
0x158: {  	v31 =	vld [tilespmem:s12+$0xFFFFF160];
	v55 =	vmul.f32 $2.000000030e-01, v28;
	v36 =	vmul.f32 $2.000000030e-01, v23;
	v2 =	vmax.f32 v2, v16  }
0x159: {  	v59 =	vld [tilespmem:s12+$0x100];
	v16 =	vmul.f32 $2.000000030e-01, v19;
	v5 =	vmax.f32 v5, v30;
	v30 =	vmul.f32 $2.000000030e-01, v4  }
0x15a: {  	v60 =	vld [tilespmem:s12+$0x120];
	v32 =	vmax.f32 v28, v55;
	v23 =	vmax.f32 v23, v36;
	v2 =	vmul.f32 v2, v7  }
0x15b: {  	v61 =	vld [tilespmem:s12+$0x130];
	v5 =	vmul.f32 v5, v50;
	v16 =	vmax.f32 v19, v16;
	v19 =	vmul.f32 $2.000000030e-01, v26  }
0x15c: {  	v29 =	vld [tilespmem:s12+$0x140];
	v23 =	vmul.f32 v23, v46;
	v4 =	vmax.f32 v4, v30;
	v16 =	vmul.f32 v16, v43  }
0x15d: {  	v28 =	vld [tilespmem:s12+$0xFFFFF170];
	v4 =	vmul.f32 v4, v56;
	v19 =	vmax.f32 v26, v19;
	v26 =	vmul.f32 v32, v33  }
0x15e: {  	v27 =	vadd.f32 v27, v8;
	v30 =	vld [tilespmem:s12+$0x110];
	v2 =	vadd.f32 v5, v2  }
0x15f: {  	v21 =	vmax.f32 v21, v14;
	v4 =	vadd.f32 v4, v23;
	v23 =	vld [tilespmem:s12+$0x160];
	v5 =	vadd.f32 v16, v26  }
0x160: {  	(xrf2) =	vadd.scan.msk.f32 $0xffff, v1;
	v21 =	vmul.f32 v21, v62;
	v22 =	vmul.f32 v22, v13;
	v26 =	vld [tilespmem:s12+$0x150]  }
0x161: {  	v58 =	vmul.f32 $2.000000030e-01, v27;
	v2 =	vadd.f32 v5, v2;
	v5 =	vld [tilespmem:s12+$0x170];
	[tilespmem:$0x1FEA0] =	vst v6  }
0x162: {  	v21 =	vadd.f32 v22, v21;
	v22 =	vadd.f32 v59, v6;
	v6 =	vld [tilespmem:s12+$0xFFFFF000]  }
0x163: {  	v27 =	vmax.f32 v27, v58  }
0x164: {  	v27 =	vmul.f32 v27, v13;
	v30 =	vadd.f32 v30, v9  }
0x165: {  	v19 =	vmul.f32 v19, v62;
	v16 =	vmul.f32 $2.000000030e-01, v17  }
0x166: {  	v39 =	vadd.f32 v21, v18;
	v29 =	vadd.f32 v29, v24;
	[tilespmem:$0x1FEB0] =	vst v9;
	v1 =	vmul.f32 $2.000000030e-01, v30  }
0x167: {  	s17 =	simm.s32 $0x13C0;
	v21 =	vadd.f32 v61, v25;
	v19 =	vadd.f32 v27, v19;
	v16 =	vmax.f32 v17, v16;
	[tilespmem:$0x1FF70] =	vst v6  }
0x168: {  	v27 =	vmul.f32 v16, v50;
	v30 =	vmax.f32 v30, v1;
	v1 =	vmul.f32 $2.000000030e-01, v29;
	v16 =	vld [tilespmem:s17+$0xFFFFF180]  }
0x169: {  	v45 =	vmul.f32 $2.000000030e-01, v21;
	v17 =	vld [tilespmem:s17+$0xFFFFF190]  }
0x16a: {  	v61, _, _ =	vpop (xrf2);
	v4 =	vadd.f32 v19, v4;
	v19 =	vmul.f32 $2.000000030e-01, v22;
	v29 =	vmax.f32 v29, v1;
	v1 =	vld [tilespmem:s17+$0xFFFFF1F0]  }
0x16b: {  	v61 =	vmul.f32 $1.442695020e+00, v61;
	v18 =	vld [tilespmem:s17+$0xFFFFF1A0]  }
0x16c: {  	v32 =	vadd.f32 v60, v15;
	v45 =	vmax.f32 v21, v45;
	v63 =	vmax.f32 v22, v19;
	v19 =	vld [tilespmem:s17+$0xFFFFF1B0]  }
0x16d: {  	v45 =	vmul.f32 v45, v43;
	v42 =	vadd.f32 v23, v31;
	v2 =	vadd.f32 v4, v2;
	v22 =	vld [tilespmem:s17+$0xFFFFF1C0]  }
0x16e: {  	v4 =	vmul.f32 $2.000000030e-01, v32;
	v26 =	vadd.f32 v26, v20;
	v0 =	vadd.f32 v0, v6;
	v23 =	vld [tilespmem:s17+$0xFFFFF1D0]  }
0x16f: {  	v47 =	vmul.f32 $2.000000030e-01, v42;
	v36 =	vmul.f32 v63, v7;
	v5 =	vadd.f32 v5, v28;
	v14 =	vld [tilespmem:s17+$0xFFFFF1E0];
	[tilespmem:$0x1FF30] =	vst v1  }
0x170: {  	v30 =	vmul.f32 v30, v50;
	v4 =	vmax.f32 v32, v4;
	v59 =	vmul.f32 $2.000000030e-01, v0;
	v60 =	vld [tilespmem:s17+$0x180]  }
0x171: {  	v8 =	vmovc v56;
	v55 =	vmul.f32 $2.000000030e-01, v26;
	v32 =	vmax.f32 v42, v47;
	v48 =	vmul.f32 $2.000000030e-01, v5;
	v56 =	vld [tilespmem:s17+$0x190]  }
0x172: {  	v4 =	vmul.f32 v4, v33;
	v29 =	vmul.f32 v29, v46;
	v0 =	vmax.f32 v0, v59;
	v42 =	vld [tilespmem:s17+$0x1A0]  }
0x173: {  	v26 =	vmax.f32 v26, v55;
	v5 =	vmax.f32 v5, v48;
	v0 =	vmul.f32 v0, v7;
	v48 =	vld [tilespmem:s17+$0x1B0]  }
0x174: {  	v30 =	vadd.f32 v30, v36;
	v26 =	vmul.f32 v26, v8;
	v4 =	vadd.f32 v45, v4;
	v58 =	vld [tilespmem:s17+$0x1C0]  }
0x175: {  	v32 =	vmul.f32 v32, v62;
	v5 =	vmul.f32 v5, v13;
	v0 =	vadd.f32 v27, v0;
	v27 =	vld [tilespmem:s17+$0x1D0]  }
0x176: {  	v9 =	vmov v33;
	v45 =	vadd.f32 v26, v29;
	v33 =	vadd.f32 v4, v30;
	v26 =	vld [tilespmem:s17+$0x1E0]  }
0x177: {  	v29 =	vbroadcast v61, $0xF;
	v5 =	vadd.f32 v5, v32;
	v0 =	vadd.f32 v3, v0;
	v3 =	vld [tilespmem:s17+$0x1F0]  }
0x178: {  	v30 =	vadd.f32 v60, v16;
	v21 =	vadd.f32 v56, v17  }
0x179: {  	(xrf2) =	vadd.scan.msk.f32 $0xffff, v2;
	(erf) = vpow2.f32 v29;
	v2 =	vadd.f32 v42, v18;
	v55 =	vadd.f32 v48, v19  }
0x17a: {  	v36 =	vadd.f32 v58, v22;
	v56 =	vadd.f32 v27, v23;
	v29 =	vmul.f32 $2.000000030e-01, v30  }
0x17b: {  	v61 =	vadd.f32 v26, v14;
	v42 =	vmul.f32 $2.000000030e-01, v21;
	v47 =	vmul.f32 $2.000000030e-01, v2  }
0x17c: {  	[tilespmem:$0x1FEC0] =	vst v22;
	v48 =	vmul.f32 $2.000000030e-01, v55;
	v63 =	vmul.f32 $2.000000030e-01, v36;
	v3 =	vadd.f32 v3, v1  }
0x17d: {  	[tilespmem:$0x1FED0] =	vst v23;
	v0 =	vadd.f32 v39, v0;
	v32 =	vmul.f32 $2.000000030e-01, v56;
	v4 =	vmul.f32 $2.000000030e-01, v61  }
0x17e: {  	[tilespmem:$0x1FEE0] =	vst v14;
	v1 =	vmax.f32 v30, v29;
	v21 =	vmax.f32 v21, v42;
	v42 =	vmul.f32 $2.000000030e-01, v3  }
0x17f: {  	(xrf2) =	vadd.scan.msk.f32 $0xffff, v0;
	v0 =	vmax.f32 v2, v47;
	v2 =	vmax.f32 v55, v48;
	v47 =	vmax.f32 v36, v63  }
0x180: {  	v59 =	vld [tilespmem:s17+$0x20];
	v39 =	vmax.f32 v56, v32;
	v1 =	vmul.f32 v1, v7;
	v48 =	vmul.f32 v21, v50  }
0x181: {  	v23 =	vld [tilespmem:s17+$0xFFFFF020];
	v4 =	vmax.f32 v61, v4;
	v0 =	vmul.f32 v0, v9;
	v2 =	vmul.f32 v2, v43  }
0x182: {  	v14 =	vmovc v62;
	v26 =	vld [tilespmem:s17+$0xFFFFF030];
	v55 =	vmul.f32 v47, v46;
	v56 =	vmul.f32 v39, v8;
	v3 =	vmax.f32 v3, v42  }
0x183: {  	v5 =	vadd.f32 v5, v45;
	v27 =	vld [tilespmem:s17+$0xFFFFF040];
	v4 =	vmul.f32 v4, v14;
	v3 =	vmul.f32 v3, v13  }
0x184: {  	v36 =	vld [tilespmem:s17+$0xFFFFF060];
	v1 =	vadd.f32 v48, v1;
	v0 =	vadd.f32 v2, v0  }
0x185: {  	v21 =	vld [tilespmem:s17+$0xFFFFF050];
	v32, _, _ =	vpop (xrf2);
	v55 =	vadd.f32 v56, v55;
	v3 =	vadd.f32 v3, v4  }
0x186: {  	v5 =	vadd.f32 v5, v33;
	v39 =	vld [tilespmem:s17+$0xFFFFF070];
	v42 =	vmul.f32 $1.442695020e+00, v32  }
0x187: {  	v2 =	vld [tilespmem:s17+$0x30];
	v0 =	vadd.f32 v0, v1;
	v1 =	vadd.f32 v3, v55  }
0x188: {  	v56 =	vld [tilespmem:s17+$0x40];
	v4 =	vpop (erf);
	v45 =	vbroadcast v42, $0xF  }
0x189: {  	(xrf2) =	vadd.scan.msk.f32 $0xffff, v5;
	v5 =	vld [tilespmem:s17+$0x60];
	v60 =	vmul.f32 v4, v40;
	v47 =	vmul.f32 v4, v35;
	v0 =	vadd.f32 v1, v0  }
0x18a: {  	v6 =	vmov v43;
	v40 =	vld [tilespmem:s17+$0x50];
	v48 =	vmul.f32 v4, v34;
	(erf) = vpow2.f32 v45  }
0x18b: {  	v45 =	vmul.f32 v4, v38;
	v55 =	vmul.f32 v4, v37;
	v43, _, _ =	vpop (xrf2);
	v38 =	vld [tilespmem:s17+$0x70];
	v37 =	vadd.f32 v59, v23;
	(xrf2) =	vadd.scan.msk.f32 $0xffff, v0  }
0x18c: {  	v62 =	vmul.f32 v4, v41;
	v58 =	vmul.f32 $1.442695020e+00, v43;
	v2 =	vadd.f32 v2, v26  }
0x18d: {  	v44 =	vmul.f32 v4, v44;
	v56 =	vadd.f32 v56, v27;
	v59 =	vmul.f32 $2.000000030e-01, v37  }
0x18e: {  	v5 =	vadd.f32 v5, v36;
	v43 =	vbroadcast v58, $0xF;
	v58 =	vmul.f32 $2.000000030e-01, v2  }
0x18f: {  	s12 =	simm.s32 $0x81E0;
	v33 =	vld [tilespmem:s17+$0xFFFFF080];
	v3 =	vmul.f32 $2.000000030e-01, v56;
	v40 =	vadd.f32 v40, v21;
	v41 =	vmax.f32 v37, v59  }
0x190: {  	s8 =	simm.s32 $0x42C0;
	[tilespmem:s12+$0x10] =	vst v4;
	v59 =	vmul.f32 $2.000000030e-01, v5;
	v37 =	vld [tilespmem:s17+$0x80];
	v0 =	vadd.f32 v38, v39;
	v2 =	vmax.f32 v2, v58  }
0x191: {  	v32 =	vld [tilespmem:s17+$0xFFFFF0A0];
	[tilespmem:s8+$0xF0] =	vst v60;
	v3 =	vmax.f32 v56, v3;
	v41 =	vmul.f32 v41, v9;
	v1 =	vmul.f32 $2.000000030e-01, v40  }
0x192: {  	v42 =	vld [tilespmem:s17+$0xA0];
	[tilespmem:s8+$0x90] =	vst v47;
	v5 =	vmax.f32 v5, v59;
	v2 =	vmul.f32 v2, v6;
	v3 =	vmul.f32 v3, v46  }
0x193: {  	v12 =	vmovc v46;
	v34 =	vld [tilespmem:s17+$0xFFFFF090];
	[tilespmem:s8+$0xB0] =	vst v48;
	v46 =	vmul.f32 v4, v52;
	v1 =	vmax.f32 v40, v1;
	v40 =	vmul.f32 $2.000000030e-01, v0  }
0x194: {  	v35 =	vld [tilespmem:s17+$0xFFFFF0B0];
	[tilespmem:s8+$0xC0] =	vst v62;
	v61, _, _ =	vpop (xrf2);
	v5 =	vmul.f32 v5, v14;
	v56 =	vadd.f32 v2, v41;
	v1 =	vmul.f32 v1, v8  }
0x195: {  	[tilespmem:s8+$0xD0] =	vst v44;
	v38 =	vld [tilespmem:s17+$0xFFFFF0C0];
	v2 =	vmul.f32 $1.442695020e+00, v61;
	v63 =	vadd.f32 v37, v33;
	v0 =	vmax.f32 v0, v40;
	v37, _, _ =	vpop (xrf2)  }
0x196: {  	[tilespmem:s8+$0x80] =	vst v45;
	v61 =	vadd.f32 v1, v3;
	v1 =	vld [tilespmem:s17+$0xC0];
	v0 =	vmul.f32 v0, v13;
	v52 =	vmul.f32 $1.442695020e+00, v37  }
0x197: {  	[tilespmem:s8+$0xA0] =	vst v55;
	v59 =	vld [tilespmem:s17+$0x90];
	v2 =	vbroadcast v2, $0xF  }
0x198: {  	(erf) = vpow2.f32 v43;
	v43 =	vld [tilespmem:s17+$0xFFFFF0F0];
	[tilespmem:s8+$0xE0] =	vst v46;
	v45 =	vpop (erf);
	v58 =	vadd.f32 v0, v5;
	v0 =	vbroadcast v52, $0xF  }
0x199: {  	v41 =	vld [tilespmem:s17+$0xFFFFF0E0];
	[tilespmem:s12+$0xFFFFFFF0] =	vst v45;
	(erf) = vpow2.f32 v2  }
0x19a: {  	(erf) = vpow2.f32 v0;
	v0 =	vld [tilespmem:$0x1FEF0]  }
0x19b: {  	v40 =	vld [tilespmem:s17+$0xFFFFF0D0];
	v60 =	vmul.f32 $2.000000030e-01, v63;
	v2 =	vadd.f32 v42, v32;
	v1 =	vadd.f32 v1, v38  }
0x19c: {  	v48 =	vmul.f32 v45, v49;
	v3 =	vld [tilespmem:s17+$0xB0];
	v4 =	vadd.f32 v59, v34  }
0x19d: {  	v29 =	vmovc v50;
	v59 =	vld [tilespmem:s17+$0xE0];
	v50 =	vmax.f32 v63, v60;
	v52 =	vmul.f32 $2.000000030e-01, v2;
	v63 =	vmul.f32 $2.000000030e-01, v1  }
0x19e: {  	v42 =	vld [tilespmem:s17+$0xD0];
	v37 =	vmul.f32 $2.000000030e-01, v4;
	[tilespmem:s8+$0xFFFFFF80] =	vst v48  }
0x19f: {  	v5 =	vmax.f32 v2, v52;
	v52 =	vmax.f32 v1, v63;
	v63 =	vmul.f32 v45, v0;
	v0 =	vld [tilespmem:$0x1FF00]  }
0x1a0: {  	v47 =	vmax.f32 v4, v37;
	v4 =	vld [tilespmem:s17+$0xF0]  }
0x1a1: {  	v62 =	vmul.f32 v45, v53;
	v3 =	vadd.f32 v3, v35  }
0x1a2: {  	v44 =	vmul.f32 v45, v51;
	v51 =	vmul.f32 v45, v54;
	v59 =	vadd.f32 v59, v41  }
0x1a3: {  	v57 =	vmul.f32 v45, v57;
	v42 =	vadd.f32 v42, v40;
	v37 =	vmul.f32 $2.000000030e-01, v3  }
0x1a4: {  	v2 =	vmul.f32 v45, v0;
	v0 =	vmul.f32 $2.000000030e-01, v59  }
0x1a5: {  	v3 =	vmax.f32 v3, v37;
	v37 =	vmul.f32 $2.000000030e-01, v42;
	v4 =	vadd.f32 v4, v43;
	[tilespmem:s8+$0xFFFFFF90] =	vst v62  }
0x1a6: {  	v5 =	vmul.f32 v5, v9;
	[tilespmem:s8+$0xFFFFFFA0] =	vst v44;
	v59 =	vmax.f32 v59, v0;
	v0 =	vmul.f32 v47, v29  }
0x1a7: {  	v22 =	vld [tilespmem:s17+$0xFFFFF010];
	v3 =	vmul.f32 v3, v6;
	v42 =	vmax.f32 v42, v37;
	v37 =	vmul.f32 $2.000000030e-01, v4;
	[tilespmem:s8+$0xFFFFFFB0] =	vst v51  }
0x1a8: {  	v60 =	vld [tilespmem:s17+$0x10];
	v50 =	vmul.f32 v50, v7;
	[tilespmem:s8+$0xFFFFFFD0] =	vst v57  }
0x1a9: {  	v3 =	vadd.f32 v3, v5;
	v4 =	vmax.f32 v4, v37;
	[tilespmem:s8+$0xFFFFFFC0] =	vst v63  }
0x1aa: {  	v4 =	vmul.f32 v4, v13;
	[tilespmem:s8+$0xFFFFFFE0] =	vst v2;
	v5 =	vmul.f32 v59, v14;
	v50 =	vadd.f32 v0, v50;
	v0 =	vpop (erf)  }
0x1ab: {  	v6 =	vld [tilespmem:$0x1FF10];
	[tilespmem:s12+$0xFFFFFFE0] =	vst v0  }
0x1ac: {  	v4 =	vadd.f32 v4, v5;
	v5 =	vld [tilespmem:$0x1FF20]  }
0x1ad: {  	v62 =	vadd.f32 v60, v22;
	_ =	sdelay $0x1  }
0x1ae: {  	v47 =	vmul.f32 $2.000000030e-01, v62  }
0x1af: {  	v60 =	vadd.f32 v58, v61  }
0x1b0: {  	v61 =	vmul.f32 v0, v6;
	v6 =	vmax.f32 v62, v47;
	v47 =	vmul.f32 v0, v5;
	v5 =	vld [tilespmem:$0x1FF30]  }
0x1b1: {  	v30 =	vld [tilespmem:s17+$0x0]  }
0x1b2: {  	v55 =	vld [tilespmem:s17+$0xFFFFF120]  }
0x1b3: {  	v54 =	vld [tilespmem:s17+$0xFFFFF110];
	v42 =	vmul.f32 v42, v8;
	v37 =	vmul.f32 v52, v12;
	v57 =	vpop (erf)  }
0x1b4: {  	v52 =	vld [tilespmem:s17+$0x110];
	v59 =	vpop (erf);
	[tilespmem:s8+$0xFFFFFF10] =	vst v61  }
0x1b5: {  	v2 =	vadd.f32 v42, v37;
	v37 =	vmul.f32 v59, v5;
	v5 =	vld [tilespmem:$0x1FF40]  }
0x1b6: {  	v46 =	vld [tilespmem:s17+$0xFFFFF130]  }
0x1b7: {  	v53 =	vld [tilespmem:s17+$0xFFFFF100]  }
0x1b8: {  	s3 =	simm.s32 $0x8220;
	v49 =	vld [tilespmem:s17+$0xFFFFF150]  }
0x1b9: {  	s9 =	simm.s32 $0x44C0;
	v7 =	vld [tilespmem:s17+$0x140];
	v4 =	vadd.f32 v4, v2;
	v2 =	vadd.f32 v52, v54;
	[tilespmem:s3+$0x10] =	vst v59  }
0x1ba: {  	v62 =	vmul.f32 v0, v5;
	v5 =	vld [tilespmem:$0x1FF50];
	[tilespmem:s9+$0xF0] =	vst v37  }
0x1bb: {  	v48 =	vld [tilespmem:s17+$0xFFFFF140];
	[tilespmem:s8+$0xFFFFFF20] =	vst v47;
	v47 =	vmul.f32 $2.000000030e-01, v2  }
0x1bc: {  	v42 =	vld [tilespmem:s17+$0x130];
	[tilespmem:s8+$0xFFFFFF30] =	vst v62  }
0x1bd: {  	v3 =	vadd.f32 v3, v50;
	v50 =	vmax.f32 v2, v47;
	v2 =	vld [tilespmem:$0x1FF60]  }
0x1be: {  	v1 =	vld [tilespmem:s17+$0x100]  }
0x1bf: {  	v9 =	vld [tilespmem:s17+$0x160]  }
0x1c0: {  	v63 =	vld [tilespmem:s17+$0x120]  }
0x1c1: {  	v8 =	vld [tilespmem:s17+$0x150];
	v52 =	vadd.f32 v4, v3;
	v3 =	vadd.f32 v42, v46;
	v58 =	vmul.f32 v0, v5  }
0x1c2: {  	v44 =	vld [tilespmem:s17+$0xFFFFF160];
	v5 =	vmul.f32 v0, v2  }
0x1c3: {  	v51 =	vld [tilespmem:s17+$0xFFFFF170];
	v1 =	vadd.f32 v1, v53;
	(xrf2) =	vadd.scan.msk.f32 $0xffff, v52;
	v52 =	vmul.f32 $2.000000030e-01, v3;
	[tilespmem:s8+$0xFFFFFF40] =	vst v58  }
0x1c4: {  	v42 =	vld [tilespmem:s17+$0xFFFFF000];
	[tilespmem:s8+$0xFFFFFF50] =	vst v5  }
0x1c5: {  	v63 =	vadd.f32 v63, v55;
	v52 =	vmax.f32 v3, v52;
	v37 =	vmul.f32 $2.000000030e-01, v1;
	v3 =	vld [tilespmem:$0x1FF70]  }
0x1c6: {  	v61 =	vld [tilespmem:s17+$0x170]  }
0x1c7: {  	v4 =	vadd.f32 v7, v48;
	v1 =	vmax.f32 v1, v37;
	v37 =	vmul.f32 $2.000000030e-01, v63;
	_ =	sdelay $0x1  }
0x1c8: {  	v47 =	vmax.f32 v63, v37;
	v37 =	vmul.f32 $2.000000030e-01, v4  }
0x1c9: {  	v2 =	vadd.f32 v8, v49;
	v7 =	vmul.f32 v0, v3;
	v3 =	vadd.f32 v9, v44  }
0x1ca: {  	v62 =	vadd.f32 v61, v51;
	v61 =	vadd.f32 v30, v42;
	v63 =	vmul.f32 v6, v29;
	[tilespmem:s12+$0x0] =	vst v57  }
0x1cb: {  	s2 =	simm.s32 $0x4;
	s17 =	simm.s32 $0x15C0;
	v58 =	vmax.f32 v4, v37;
	v5 =	vmul.f32 $2.000000030e-01, v2;
	[tilespmem:s8+$0xFFFFFF00] =	vst v7;
	v4 =	vmul.f32 $2.000000030e-01, v3  }
.LBB2_5:
0x1cc: {  	v6 =	vld [tilespmem:s17+$0xFFFFF180]  }
0x1cd: {  	v12 =	vld [tilespmem:$0x1FF80]  }
0x1ce: {  	v7 =	vld [tilespmem:s17+$0xFFFFF190]  }
0x1cf: {  	v37 =	vld [tilespmem:$0x1FFF0]  }
0x1d0: {  	[tilespmem:$0x1FE50] =	vst v27;
	v27 =	vld [tilespmem:$0x1FFC0]  }
0x1d1: {  	v14 =	vld [tilespmem:$0x1FFA0]  }
0x1d2: {  	v30 =	vmov v22;
	v22 =	vld [tilespmem:$0x1FFD0]  }
0x1d3: {  	[tilespmem:$0x1FE40] =	vst v23;
	v23 =	vld [tilespmem:$0x1FFB0]  }
0x1d4: {  	v29 =	vld [tilespmem:$0x1FFE0];
	v2 =	vmax.f32 v2, v5;
	v5 =	vmul.f32 $2.000000030e-01, v62  }
0x1d5: {  	v9 =	vld [tilespmem:s17+$0xFFFFF1D0];
	v8 =	vmul.f32 $2.000000030e-01, v61;
	v3 =	vmax.f32 v3, v4  }
0x1d6: {  	v4 =	vld [tilespmem:s17+$0xFFFFF1A0];
	v5 =	vmax.f32 v62, v5;
	v1 =	vmul.f32 v1, v12;
	v50 =	vmul.f32 v50, v37  }
0x1d7: {  	v62 =	vld [tilespmem:s17+$0xFFFFF1B0];
	v47 =	vmul.f32 v47, v27;
	v52 =	vmul.f32 v52, v14  }
0x1d8: {  	[tilespmem:$0x1FE60] =	vst v21;
	v8 =	vmax.f32 v61, v8;
	v61 =	vld [tilespmem:s17+$0xFFFFF1C0];
	v58 =	vmul.f32 v58, v22;
	v2 =	vmul.f32 v2, v23  }
0x1d9: {  	v21 =	vmul.f32 v5, v13;
	v8 =	vmul.f32 v8, v12;
	v5 =	vmovc v39;
	v39 =	vld [tilespmem:s17+$0x190];
	v1 =	vadd.f32 v50, v1  }
0x1da: {  	v3 =	vmul.f32 v3, v29;
	v50 =	vadd.f32 v52, v47;
	v2 =	vadd.f32 v2, v58;
	v58 =	vld [tilespmem:s17+$0xFFFFF1E0]  }
0x1db: {  	v8 =	vadd.f32 v63, v8;
	v63 =	vmul.f32 v0, v10;
	v47 =	vld [tilespmem:s17+$0xFFFFF1F0];
	v10 =	vmov v36;
	[tilespmem:$0x1FE80] =	vst v5  }
0x1dc: {  	v0 =	vmul.f32 v0, v11;
	[tilespmem:$0x1FE70] =	vst v10;
	v10 =	vld [tilespmem:$0x1FE90]  }
0x1dd: {  	v5 =	vld [tilespmem:s17+$0x180];
	[tilespmem:s8+$0xFFFFFF60] =	vst v63  }
0x1de: {  	v11 =	vadd.f32 v21, v3;
	[tilespmem:s8+$0xFFFFFF70] =	vst v0;
	v0 =	vld [tilespmem:$0x1FEB0];
	v3 =	vmov v43  }
0x1df: {  	v1 =	vadd.f32 v50, v1;
	[tilespmem:$0x1FE90] =	vst v3;
	v3 =	vld [tilespmem:s17+$0x1A0]  }
0x1e0: {  	v28 =	vmul.f32 v57, v28;
	v52, _, _ =	vpop (xrf2);
	v8 =	vadd.f32 v56, v8;
	v2 =	vadd.f32 v11, v2;
	v36 =	vld [tilespmem:s17+$0xFFFFF060]  }
0x1e1: {  	v52 =	vmul.f32 $1.442695020e+00, v52;
	v50 =	vmul.f32 v45, v10;
	v10 =	vld [tilespmem:$0x1FEA0]  }
0x1e2: {  	v8 =	vadd.f32 v60, v8;
	v1 =	vadd.f32 v2, v1;
	v2 =	vmul.f32 v57, v24;
	v24 =	vld [tilespmem:s17+$0x1C0]  }
0x1e3: {  	v11 =	vmov v53;
	v53 =	vmul.f32 v59, v18;
	v18 =	vmov v4;
	v4 =	vld [tilespmem:s17+$0x1F0]  }
0x1e4: {  	[tilespmem:s8+$0x70] =	vst v28;
	v21 =	vmovc v26;
	v56 =	vbroadcast v52, $0xF;
	v52 =	vld [tilespmem:s17+$0xFFFFF040];
	(xrf2) =	vadd.scan.msk.f32 $0xffff, v8;
	v8 =	vmul.f32 v57, v31  }
0x1e5: {  	v26 =	vmovc v13;
	v31 =	vmul.f32 v59, v16;
	v16 =	vmovc v6;
	v6 =	vld [tilespmem:s17+$0x1E0];
	v45 =	vmul.f32 v59, v17;
	v17 =	vmov v7  }
0x1e6: {  	v7 =	vmul.f32 v59, v19;
	[tilespmem:s8+$0x40] =	vst v2;
	v19 =	vmovc v62;
	v62 =	vld [tilespmem:s17+$0xFFFFF010];
	v13 =	vmul.f32 v57, v10;
	v10 =	vmov v54  }
0x1e7: {  	v0 =	vmul.f32 v57, v0;
	[tilespmem:$0x1FEB0] =	vst v10;
	v10 =	vld [tilespmem:$0x1FEC0]  }
0x1e8: {  	v25 =	vmul.f32 v57, v25;
	(xrf2) =	vadd.scan.msk.f32 $0xffff, v1;
	v2 =	vadd.f32 v5, v16;
	v1 =	vld [tilespmem:$0x1FED0];
	[tilespmem:s8+$0xFFFFFFF0] =	vst v50  }
0x1e9: {  	v63 =	vmul.f32 v57, v15;
	v5 =	vadd.f32 v39, v17;
	v39 =	vld [tilespmem:s17+$0xFFFFF070];
	[tilespmem:s8+$0x10] =	vst v0;
	v0 =	vmul.f32 v57, v20  }
0x1ea: {  	(erf) = vpow2.f32 v56;
	v50 =	vld [tilespmem:s17+$0x1B0];
	[tilespmem:s8+$0x60] =	vst v8;
	v8 =	vmul.f32 $2.000000030e-01, v2  }
0x1eb: {  	v20 =	vld [tilespmem:s17+$0x1D0];
	v28 =	vmul.f32 $2.000000030e-01, v5;
	v4 =	vadd.f32 v4, v47;
	[tilespmem:s8+$0x50] =	vst v0;
	v0 =	vadd.f32 v3, v18  }
0x1ec: {  	[tilespmem:$0x1FEA0] =	vst v11;
	v57 =	vadd.f32 v24, v61;
	v2 =	vmax.f32 v2, v8;
	v54 =	vmul.f32 v59, v10;
	v10 =	vld [tilespmem:$0x1FEE0]  }
0x1ed: {  	v15 =	vmovc v55;
	[tilespmem:s9+$0xB0] =	vst v7;
	v7 =	vld [tilespmem:s17+$0x10];
	v5 =	vmax.f32 v5, v28;
	v8 =	vmul.f32 $2.000000030e-01, v4;
	v55 =	vmul.f32 v59, v1  }
0x1ee: {  	v11 =	vmovc v61;
	v6 =	vadd.f32 v6, v58;
	v61 =	vld [tilespmem:s17+$0x0];
	v2 =	vmul.f32 v2, v12;
	v5 =	vmul.f32 v5, v37  }
0x1ef: {  	[tilespmem:s8+$0x20] =	vst v63;
	v1 =	vld [tilespmem:s17+$0xFFFFF020];
	v3 =	vadd.f32 v50, v19;
	v60 =	vmul.f32 $2.000000030e-01, v0;
	v4 =	vmax.f32 v4, v8  }
0x1f0: {  	[tilespmem:s9+$0x80] =	vst v31;
	v50 =	vld [tilespmem:s17+$0xFFFFF030];
	v63 =	vmul.f32 $2.000000030e-01, v6;
	v4 =	vmul.f32 v4, v26;
	v2 =	vadd.f32 v5, v2  }
0x1f1: {  	v31 =	vmul.f32 $2.000000030e-01, v57;
	v8 =	vld [tilespmem:s17+$0x40];
	v56 =	vmul.f32 v59, v10;
	v59 =	vadd.f32 v20, v9;
	v10 =	vmovc v9;
	v9 =	vmovc v58  }
0x1f2: {  	v5 =	vld [tilespmem:s17+$0x60];
	v7 =	vadd.f32 v7, v62;
	v6 =	vmax.f32 v6, v63;
	[tilespmem:$0x1FEE0] =	vst v9;
	v9 =	vmul.f32 $2.000000030e-01, v3  }
0x1f3: {  	[tilespmem:s8+$0x30] =	vst v25;
	v0 =	vmax.f32 v0, v60;
	v6 =	vmul.f32 v6, v29;
	v58 =	vld [tilespmem:s17+$0xFFFFF050];
	v43 =	vmul.f32 $2.000000030e-01, v59  }
0x1f4: {  	v25 =	vmovc v46;
	v0 =	vmul.f32 v0, v27;
	v3 =	vmax.f32 v3, v9;
	v9 =	vmax.f32 v57, v31;
	v57 =	vld [tilespmem:s17+$0x50]  }
0x1f5: {  	[tilespmem:s9+$0x90] =	vst v45;
	v45 =	vpop (erf);
	v4 =	vadd.f32 v4, v6;
	v28 =	vmax.f32 v59, v43;
	v43 =	vld [tilespmem:s17+$0x20];
	v3 =	vmul.f32 v3, v14  }
0x1f6: {  	v60 =	vld [tilespmem:s17+$0x30];
	v46, _, _ =	vpop (xrf2);
	[tilespmem:s3+$0xFFFFFFF0] =	vst v45;
	v8 =	vadd.f32 v8, v52;
	v9 =	vmul.f32 v9, v22;
	v63 =	vmul.f32 v28, v23  }
0x1f7: {  	v24 =	vmov v48;
	v48 =	vld [tilespmem:s17+$0xFFFFF080];
	v5 =	vadd.f32 v5, v36;
	v59, _, _ =	vpop (xrf2);
	v0 =	vadd.f32 v3, v0  }
0x1f8: {  	v6 =	vmul.f32 $1.442695020e+00, v59;
	v59 =	vld [tilespmem:s17+$0x70];
	v3 =	vmul.f32 $1.442695020e+00, v46;
	v9 =	vadd.f32 v63, v9  }
0x1f9: {  	[tilespmem:s9+$0xA0] =	vst v53;
	v53 =	vld [tilespmem:s17+$0xFFFFF0A0];
	v31 =	vmovc v44;
	v63 =	vmul.f32 $2.000000030e-01, v8;
	v0 =	vadd.f32 v0, v2;
	v44 =	vadd.f32 v57, v58  }
0x1fa: {  	[tilespmem:s9+$0xD0] =	vst v55;
	v55 =	vld [tilespmem:s17+$0xFFFFF0B0];
	v3 =	vbroadcast v3, $0xF;
	v43 =	vadd.f32 v43, v1;
	v2 =	vadd.f32 v4, v9  }
0x1fb: {  	v20 =	vmovc v49;
	v49 =	vld [tilespmem:s17+$0xFFFFF090];
	v4 =	vbroadcast v6, $0xF;
	v6 =	vmul.f32 $2.000000030e-01, v7;
	v9 =	vadd.f32 v60, v50  }
0x1fc: {  	v28 =	vmovc v51;
	v51 =	vld [tilespmem:s17+$0xFFFFF0D0];
	v8 =	vmax.f32 v8, v63;
	(erf) = vpow2.f32 v3;
	v0 =	vadd.f32 v2, v0  }
0x1fd: {  	v57 =	vld [tilespmem:s17+$0xFFFFF0C0];
	v46 =	vadd.f32 v59, v39;
	v60 =	vmul.f32 $2.000000030e-01, v43;
	v2 =	vmul.f32 $2.000000030e-01, v9  }
0x1fe: {  	v59 =	vld [tilespmem:s17+$0xFFFFF0E0];
	v6 =	vmax.f32 v7, v6;
	v7 =	vmul.f32 $2.000000030e-01, v44;
	(erf) = vpow2.f32 v4;
	(xrf2) =	vadd.scan.msk.f32 $0xffff, v0  }
0x1ff: {  	[tilespmem:s9+$0xC0] =	vst v54;
	v3 =	vld [tilespmem:s17+$0xB0];
	v54 =	vmul.f32 $2.000000030e-01, v46;
	v2 =	vmax.f32 v9, v2;
	v9 =	vmul.f32 $2.000000030e-01, v5  }
0x200: {  	v63 =	vmul.f32 v6, v37;
	v0 =	vmax.f32 v43, v60;
	v7 =	vmax.f32 v44, v7;
	v43 =	vld [tilespmem:s17+$0xFFFFF0F0]  }
0x201: {  	[tilespmem:$0x1FEC0] =	vst v11;
	v0 =	vmul.f32 v0, v27;
	v2 =	vmul.f32 v2, v14;
	v5 =	vmax.f32 v5, v9;
	v9 =	vld [tilespmem:s17+$0x80]  }
0x202: {  	[tilespmem:s8+$0x0] =	vst v13;
	v6 =	vmul.f32 v8, v22;
	v44 =	vld [tilespmem:s17+$0x90];
	v8 =	vmax.f32 v46, v54;
	v7 =	vmul.f32 v7, v23  }
0x203: {  	[tilespmem:s9+$0xE0] =	vst v56;
	v8 =	vmul.f32 v8, v26;
	v5 =	vmul.f32 v5, v29;
	v56 =	vadd.f32 v2, v0;
	v0 =	vld [tilespmem:s17+$0xA0]  }
0x204: {  	[tilespmem:$0x1FED0] =	vst v10;
	v46 =	vld [tilespmem:s17+$0xD0];
	v2 =	vadd.f32 v7, v6;
	v6 =	vmul.f32 v45, v33;
	v7 =	vmul.f32 v45, v34  }
0x205: {  	v33 =	vmovc v48;
	v48 =	vmul.f32 v45, v38;
	v4 =	vadd.f32 v8, v5;
	v5 =	vld [tilespmem:s17+$0xC0];
	v8 =	vmul.f32 v45, v32  }
0x206: {  	v34 =	vmovc v49;
	[tilespmem:s9+$0xFFFFFF80] =	vst v6;
	v6 =	vmul.f32 v45, v35;
	v35 =	vmov v55;
	v55 =	vld [tilespmem:s17+$0xFFFFF120];
	v9 =	vadd.f32 v9, v33  }
0x207: {  	v60 =	vadd.f32 v4, v2;
	v2 =	vadd.f32 v44, v34;
	v4 =	vld [tilespmem:s17+$0xE0];
	[tilespmem:s9+$0xFFFFFF90] =	vst v7;
	v7 =	vmul.f32 v45, v40  }
0x208: {  	v40 =	vmov v51;
	v49 =	vadd.f32 v0, v53;
	v10 =	vld [tilespmem:s17+$0xF0];
	[tilespmem:s9+$0xFFFFFFB0] =	vst v6;
	v6 =	vmul.f32 v45, v41;
	v54, _, _ =	vpop (xrf2)  }
0x209: {  	v38 =	vmovc v57;
	v32 =	vmovc v53;
	[tilespmem:s9+$0xFFFFFFA0] =	vst v8;
	v53 =	vld [tilespmem:s17+$0xFFFFF100];
	v51 =	vadd.f32 v46, v40;
	v44 =	vmul.f32 $2.000000030e-01, v9;
	v0 =	vmul.f32 $1.442695020e+00, v54  }
0x20a: {  	v3 =	vadd.f32 v3, v35;
	[tilespmem:s9+$0xFFFFFFC0] =	vst v48;
	v46 =	vld [tilespmem:s17+$0xFFFFF130];
	v8 =	vmul.f32 $2.000000030e-01, v2;
	v5 =	vadd.f32 v5, v38  }
0x20b: {  	v48 =	vld [tilespmem:s17+$0xFFFFF140];
	v11 =	vmul.f32 $2.000000030e-01, v49;
	[tilespmem:s9+$0xFFFFFFE0] =	vst v6;
	v6 =	vmul.f32 $2.000000030e-01, v51;
	v9 =	vmax.f32 v9, v44  }
0x20c: {  	v41 =	vmovc v59;
	[tilespmem:s9+$0xFFFFFFD0] =	vst v7;
	v54 =	vld [tilespmem:s17+$0xFFFFF110];
	v44 =	vmul.f32 $2.000000030e-01, v3;
	v2 =	vmax.f32 v2, v8;
	v7 =	vmul.f32 $2.000000030e-01, v5  }
0x20d: {  	v4 =	vadd.f32 v4, v41;
	v9 =	vmul.f32 v9, v12;
	v12 =	vld [tilespmem:$0x1FE50];
	v13 =	vbroadcast v0, $0xF;
	v0 =	vpop (erf)  }
0x20e: {  	v8 =	vadd.f32 v10, v43;
	v10 =	vmax.f32 v49, v11;
	v3 =	vmax.f32 v3, v44;
	v49 =	vld [tilespmem:s17+$0xFFFFF150];
	v57 =	vpop (erf)  }
0x20f: {  	v6 =	vmax.f32 v51, v6;
	v2 =	vmul.f32 v2, v37;
	v3 =	vmul.f32 v3, v14;
	v14 =	vld [tilespmem:$0x1FE60];
	[tilespmem:s3+$0x0] =	vst v57  }
0x210: {  	v6 =	vmul.f32 v6, v23;
	v5 =	vmax.f32 v5, v7;
	v7 =	vmul.f32 $2.000000030e-01, v8;
	v44 =	vld [tilespmem:s17+$0xFFFFF160]  }
0x211: {  	v11 =	vmul.f32 $2.000000030e-01, v4;
	v10 =	vmul.f32 v10, v27;
	v51 =	vld [tilespmem:s17+$0xFFFFF170]  }
0x212: {  	v2 =	vadd.f32 v2, v9;
	(erf) = vpow2.f32 v13;
	v7 =	vmax.f32 v8, v7;
	v8 =	vld [tilespmem:s17+$0x100]  }
0x213: {  	v5 =	vmul.f32 v5, v22;
	v4 =	vmax.f32 v4, v11;
	v37 =	vmul.f32 v0, v30;
	v9 =	vld [tilespmem:s17+$0x110]  }
0x214: {  	v3 =	vadd.f32 v3, v10;
	v4 =	vmul.f32 v4, v29;
	v7 =	vmul.f32 v7, v26;
	v10 =	vld [tilespmem:s17+$0x120]  }
0x215: {  	[tilespmem:s3+$0xFFFFFFE0] =	vst v0;
	v5 =	vadd.f32 v6, v5;
	v6 =	vld [tilespmem:s17+$0x130]  }
0x216: {  	[tilespmem:s9+$0xFFFFFF10] =	vst v37;
	v4 =	vadd.f32 v7, v4;
	v7 =	vld [tilespmem:$0x1FE40]  }
0x217: {  	v11 =	vmul.f32 v0, v42;
	v42 =	vld [tilespmem:s17+$0xFFFFF000]  }
0x218: {  	v12 =	vmul.f32 v0, v12;
	v2 =	vadd.f32 v3, v2;
	v3 =	vld [tilespmem:s17+$0x140];
	v4 =	vadd.f32 v4, v5  }
0x219: {  	s8 =	smov.u32 s9;
	v22 =	vmovc v62;
	v62 =	vld [tilespmem:s17+$0x150];
	v37 =	vmul.f32 v0, v21;
	v8 =	vadd.f32 v8, v53;
	v5 =	vadd.f32 v9, v54  }
0x21a: {  	v14 =	vmul.f32 v0, v14;
	[tilespmem:s8+$0xFFFFFF40] =	vst v12;
	v9 =	vld [tilespmem:s17+$0x160];
	v10 =	vadd.f32 v10, v55;
	v6 =	vadd.f32 v6, v46  }
0x21b: {  	s2 =	sadd.s32 $0x4, s2;
	v13 =	vld [tilespmem:s17+$0x170];
	[tilespmem:s8+$0xFFFFFF00] =	vst v11;
	v59 =	vpop (erf);
	v4 =	vadd.f32 v4, v2;
	v7 =	vmul.f32 v0, v7;
	v30 =	vmul.f32 $2.000000030e-01, v8  }
0x21c: {  	p2 =	slt.u32 s2, $0x1C;
	s3 =	sadd.s32 $0x40, s3;
	[tilespmem:s8+$0xFFFFFF30] =	vst v37;
	v61 =	vadd.f32 v61, v42;
	v27 =	vmul.f32 v59, v47;
	v2 =	vmul.f32 $2.000000030e-01, v5  }
.Ltmp4:
0x21d: {  	v23 =	vmovc v1;
	[tilespmem:s3+$0x10] =	vst v59;
	(xrf2) =	vadd.scan.msk.f32 $0xffff, v4;
	v1 =	vmax.f32 v8, v30;
	v8 =	vadd.f32 v3, v48;
	(pc) =	sbr.rel @p2 .LBB2_5-.Ltmp4, $4  }
0x21e: {  	s9 =	sadd.s32 $0x200, s9;
	v26 =	vmovc v50;
	[tilespmem:s8+$0xFFFFFF20] =	vst v7;
	v7 =	vmul.f32 $2.000000030e-01, v10;
	v50 =	vmax.f32 v5, v2;
	v5 =	vmul.f32 $2.000000030e-01, v6  }
0x21f: {  	v11 =	vld [tilespmem:$0x1FE80];
	[tilespmem:s9+$0xF0] =	vst v27;
	v2 =	vadd.f32 v62, v49;
	v3 =	vadd.f32 v9, v44;
	v4 =	vmul.f32 $2.000000030e-01, v8  }
0x220: {  	v62 =	vadd.f32 v13, v51;
	v13 =	vld [tilespmem:$0x1FF90];
	v27 =	vmovc v52;
	v47 =	vmax.f32 v10, v7;
	v52 =	vmax.f32 v6, v5  }
0x221: {  	v21 =	vmovc v58;
	[tilespmem:s8+$0xFFFFFF50] =	vst v14;
	s17 =	sadd.s32 $0x200, s17;
	v10 =	vld [tilespmem:$0x1FE70];
	v5 =	vmul.f32 $2.000000030e-01, v2;
	v58 =	vmax.f32 v8, v4;
	v4 =	vmul.f32 $2.000000030e-01, v3  }
0x222: {  	v8 =	vld [tilespmem:$0x1FF80];
	_ =	sdelay $0x1  }
0x223: {  	v6 =	vmul.f32 $2.000000030e-01, v61;
	_ =	sdelay $0x1  }
0x224: {  	v29 =	vld [tilespmem:$0x1FFF0];
	v6 =	vmax.f32 v61, v6  }
0x225: {  	v12 =	vld [tilespmem:$0x1FFC0];
	v7 =	vmul.f32 v0, v10;
	v6 =	vmul.f32 v6, v8  }
0x226: {  	v2 =	vmax.f32 v2, v5;
	v5 =	vld [tilespmem:$0x1FE90]  }
0x227: {  	v37 =	vmul.f32 v0, v11;
	v11 =	vld [tilespmem:$0x1FFA0];
	[tilespmem:s8+$0xFFFFFF60] =	vst v7;
	v6 =	vadd.f32 v63, v6  }
0x228: {  	v1 =	vmul.f32 v1, v8;
	v8 =	vmul.f32 $2.000000030e-01, v62;
	v14 =	vld [tilespmem:$0x1FFD0]  }
0x229: {  	v6 =	vadd.f32 v56, v6;
	v56 =	vld [tilespmem:$0x1FFB0];
	[tilespmem:s8+$0xFFFFFF70] =	vst v37  }
0x22a: {  	v7 =	vmax.f32 v62, v8;
	v62 =	vld [tilespmem:$0x1FFE0];
	_ =	sdelay $0x3  }
0x22b: {  	v3 =	vmax.f32 v3, v4  }
0x22c: {  	v4 =	vmul.f32 v47, v12;
	v47 =	vmul.f32 v3, v62;
	v3 =	vld [tilespmem:$0x1FEA0]  }
0x22d: {  	v5 =	vmul.f32 v45, v5  }
0x22e: {  	v9 =	vmul.f32 v50, v29;
	v50 =	vmul.f32 v57, v20;
	v6 =	vadd.f32 v60, v6  }
0x22f: {  	v10 =	vmul.f32 v52, v11;
	v52 =	vmul.f32 v57, v28;
	[tilespmem:s8+$0xFFFFFFF0] =	vst v5  }
0x230: {  	(xrf2) =	vadd.scan.msk.f32 $0xffff, v6;
	v6 =	vmul.f32 v58, v14;
	v58 =	vmul.f32 v59, v17;
	v8 =	vld [tilespmem:$0x1FEB0];
	[tilespmem:s8+$0x50] =	vst v50  }
0x231: {  	v2 =	vmul.f32 v2, v56;
	[tilespmem:s8+$0x70] =	vst v52;
	v3 =	vmul.f32 v57, v3  }
0x232: {  	v61 =	vmul.f32 v59, v18;
	v5, _, _ =	vpop (xrf2);
	[tilespmem:s9+$0x90] =	vst v58  }
0x233: {  	v2 =	vadd.f32 v2, v6;
	v6 =	vmul.f32 v57, v25;
	[tilespmem:s8+$0x0] =	vst v3;
	v3 =	vmul.f32 $1.442695020e+00, v5  }
0x234: {  	v7 =	vmul.f32 v7, v13;
	[tilespmem:s9+$0xA0] =	vst v61;
	v5 =	vmul.f32 v57, v15  }
0x235: {  	v1 =	vadd.f32 v9, v1;
	[tilespmem:s8+$0x30] =	vst v6;
	v8 =	vmul.f32 v57, v8;
	v3 =	vbroadcast v3, $0xF  }
0x236: {  	v4 =	vadd.f32 v10, v4;
	v0 =	vadd.f32 v7, v47;
	[tilespmem:s8+$0x20] =	vst v5;
	v5 =	vmul.f32 v57, v24  }
0x237: {  	[tilespmem:s8+$0x10] =	vst v8;
	(erf) = vpow2.f32 v3;
	v3 =	vmul.f32 v57, v31  }
0x238: {  	v1 =	vadd.f32 v4, v1;
	v0 =	vadd.f32 v0, v2;
	[tilespmem:s8+$0x40] =	vst v5;
	v57 =	vmul.f32 v59, v16  }
0x239: {  	[tilespmem:s8+$0x60] =	vst v3  }
0x23a: {  	v63 =	vmul.f32 v59, v19;
	v0 =	vadd.f32 v0, v1;
	[tilespmem:s9+$0x80] =	vst v57  }
0x23b: {  	v2 =	vld [tilespmem:$0x1FEC0]  }
0x23c: {  	(xrf2) =	vadd.scan.msk.f32 $0xffff, v0;
	[tilespmem:s9+$0xB0] =	vst v63  }
0x23d: {  	v0 =	vld [tilespmem:$0x1FED0]  }
0x23e: {  	v60, _, _ =	vpop (xrf2);
	v3 =	vld [tilespmem:$0x1FEE0]  }
0x23f: {  	v1 =	vmul.f32 $1.442695020e+00, v60  }
0x240: {  	v2 =	vmul.f32 v59, v2  }
0x241: {  	v1 =	vbroadcast v1, $0xF  }
0x242: {  	v0 =	vmul.f32 v59, v0;
	v16 =	vpop (erf);
	[tilespmem:s9+$0xC0] =	vst v2  }
0x243: {  	(erf) = vpow2.f32 v1;
	v3 =	vmul.f32 v59, v3;
	[tilespmem:s3+$0xFFFFFFF0] =	vst v16  }
0x244: {  	v17 =	vmul.f32 v16, v33;
	[tilespmem:s9+$0xD0] =	vst v0  }
0x245: {  	v18 =	vmul.f32 v16, v34;
	[tilespmem:s9+$0xE0] =	vst v3  }
0x246: {  	v20, _, _ =	vpop (xrf2);
	v3 =	vmul.f32 v16, v35;
	[tilespmem:s9+$0xFFFFFF80] =	vst v17  }
0x247: {  	v24 =	vmul.f32 $1.442695020e+00, v20;
	v19 =	vmul.f32 v16, v32;
	[tilespmem:s9+$0xFFFFFF90] =	vst v18  }
0x248: {  	v25 =	vmul.f32 v16, v38;
	[tilespmem:s9+$0xFFFFFFB0] =	vst v3;
	v3 =	vmul.f32 v16, v40  }
0x249: {  	v32 =	vmul.f32 v16, v41;
	[tilespmem:s9+$0xFFFFFFA0] =	vst v19  }
0x24a: {  	v1 =	vbroadcast v24, $0xF;
	[tilespmem:s9+$0xFFFFFFC0] =	vst v25  }
0x24b: {  	v0 =	vmul.f32 v16, v43;
	[tilespmem:s9+$0xFFFFFFE0] =	vst v32  }
0x24c: {  	(erf) = vpow2.f32 v1;
	[tilespmem:s9+$0xFFFFFFD0] =	vst v3;
	v3 =	vpop (erf)  }
0x24d: {  	[tilespmem:s9+$0xFFFFFFF0] =	vst v0;
	v33 =	vmul.f32 v3, v22  }
0x24e: {  	[tilespmem:s3+$0xFFFFFFE0] =	vst v3;
	v34 =	vmul.f32 v3, v23  }
0x24f: {  	v35 =	vmul.f32 v3, v26;
	[tilespmem:s9+$0xFFFFFF10] =	vst v33  }
0x250: {  	v37 =	vmul.f32 v3, v27;
	[tilespmem:s9+$0xFFFFFF20] =	vst v34  }
0x251: {  	v38 =	vmul.f32 v3, v21;
	[tilespmem:s9+$0xFFFFFF30] =	vst v35  }
0x252: {  	v40 =	vmul.f32 v3, v42;
	[tilespmem:s9+$0xFFFFFF40] =	vst v37  }
0x253: {  	v41 =	vmul.f32 v3, v36;
	[tilespmem:s9+$0xFFFFFF50] =	vst v38  }
0x254: {  	v42 =	vmul.f32 v3, v39;
	[tilespmem:s9+$0xFFFFFF00] =	vst v40  }
0x255: {  	[tilespmem:s9+$0xFFFFFF60] =	vst v41;
	v45 =	vpop (erf)  }
0x256: {  	[tilespmem:s9+$0xFFFFFF70] =	vst v42;
	v47 =	vmul.f32 v45, v53  }
0x257: {  	[tilespmem:s3+$0x0] =	vst v45;
	v50 =	vmul.f32 v45, v54  }
0x258: {  	v52 =	vmul.f32 v45, v55;
	[tilespmem:s9+$0x0] =	vst v47  }
0x259: {  	v3 =	vmul.f32 v45, v46;
	[tilespmem:s9+$0x10] =	vst v50  }
0x25a: {  	v53 =	vmul.f32 v45, v48;
	[tilespmem:s9+$0x20] =	vst v52  }
0x25b: {  	v54 =	vmul.f32 v45, v49;
	[tilespmem:s9+$0x30] =	vst v3  }
0x25c: {  	v1 =	vmul.f32 v45, v51;
	[tilespmem:s9+$0x40] =	vst v53  }
0x25d: {  	v3 =	vmul.f32 v45, v44;
	[tilespmem:s9+$0x50] =	vst v54  }
0x25e: {  	[tilespmem:s9+$0x70] =	vst v1  }
0x25f: {  	[tilespmem:s9+$0x60] =	vst v3  }
0x260: {  	v55 =	vlaneseq.u32;
	v0 =	vld [tilespmem:$0x20]  }
0x261: {  	v5 =	vmul.u32 $0x11, v55;
	_ =	sdelay $0x3  }
0x262: {  	v6 =	vmul.u32 $0x80, v55;
	v57 =	vshll.u32 v0, $0x4  }
0x263: {  	v1 =	vand.u32 $0x70, v57  }
0x264: {  	v58 =	vld.idx.msk [tilespmem:v5+s29+$0x0], $0xffff;
	v3 =	vor.u32 v6, v1;
	_ =	sdelay $0x4  }
0x265: {  	[tilespmem:v3+s20+$0x0] =	vst.idx.msk $0xffff, v58  }
0x266: {  	v2 =	vld [tilespmem:$0x30];
	_ =	sdelay $0x1  }
0x267: {  	v4 =	vor.u32 $0x100, v5;
	_ =	sdelay $0x1  }
0x268: {  	[tilespmem:$0x180] =	vst v1  }
0x269: {  	[tilespmem:$0x100] =	vst v0;
	v0 =	vshra.s32 v0, $0x3;
	v59 =	vshll.u32 v2, $0x4  }
0x26a: {  	v7 =	vor.u32 $0x800, v6;
	[tilespmem:$0x140] =	vst v0;
	v60 =	vand.u32 $0x70, v59  }
0x26b: {  	v61 =	vld.idx.msk [tilespmem:v4+s29+$0x0], $0xffff;
	v3 =	vor.u32 v7, v60;
	_ =	sdelay $0x2  }
0x26c: {  	p2 =	seq.s32 s10, $0xA1  }
.Ltmp5:
0x26d: {  	_ = 	snop;
	(pc) =	sbr.rel @p2 .LBB2_12-.Ltmp5, $4  }
0x26e: {  	[tilespmem:v3+s20+$0x0] =	vst.idx.msk $0xffff, v61  }
0x26f: {  	[tilespmem:$0x190] =	vst v60  }
0x270: {  	v63 =	vshra.s32 v2, $0x3;
	[tilespmem:$0x110] =	vst v2  }
0x271: {  	[tilespmem:$0x150] =	vst v63  }
0x272: {  	s8 =	sshll.u32 s10, $0x6  }
0x273: {  	s2 =	sadd.s32 s8, s14  }
0x274: {  	s2 =	sshrl.u32 s2, $0x3  }
0x275: {  	s2 =	sadd.s32 s0, s2  }
0x276: {  	[tilespmem:s6], [sflag:$0x1] =	stream.strided.gather [hbm4b:s2+s21], $0x40, s22, s21, $0x38;
	[tilespmem:$0x1EC40] =	vst v63  }
.Ltmp6:
0x277: {  	_ = 	snop;
	(pc) =	sbr.rel @p1 .LBB2_11-.Ltmp6, $4  }
0x278: {  	_ = 	snop  }
0x279: {  	[spmem:s4] =	stream.indirect.scatter.add.f32 [tilespmem:s18], [sflag:$0x5], $0x80, s30, s21, $0xb8;
	[tilespmem:$0x1EC40] =	vst v63  }
0x27a: {  	_ = 	snop  }
0x27b: {  	v50 =	vmovc v29;
	v33 =	vmov v12;
	v43 =	vmov v11;
	v46 =	vmov v14;
	[spmem:s5] =	stream.indirect.scatter.add.f32 [tilespmem:s20], [sflag:$0x5], $0x80, s31, s21, $0xb8;
	[tilespmem:$0x1EC40] =	vst v63  }
0x27c: {  	[tilespmem:$0x1FD30] =	vst v7  }
0x27d: {  	[tilespmem:$0x1FD40] =	vst v6  }
0x27e: {  	[tilespmem:$0x1FD50] =	vst v5  }
0x27f: {  	[tilespmem:$0x1FD60] =	vst v4  }
0x280: {  	_ =	swait.ge [sflag:s23], $0x40  }
0x281: {  	[sflag:s23] =	ssyncset.done $0x0  }
0x282: {  	[sflag:s23] =	ssyncadd.s32 $0xFFFFFFC0  }
0x283: {  	v0 =	vld [tilespmem:$0x0]  }
0x284: {  	v1 =	vld [tilespmem:$0x20]  }
0x285: {  	v2 =	vld [tilespmem:$0x10]  }
0x286: {  	v3 =	vld [tilespmem:$0x30];
	_ =	sdelay $0x2  }
0x287: {  	[tilespmem:$0x80] =	vst v0  }
0x288: {  	v0 =	vadd.s32 $0x2800, v1;
	[tilespmem:$0x90] =	vst v2  }
0x289: {  	[tilespmem:$0xA0] =	vst v0;
	v0 =	vadd.s32 $0x2800, v3  }
0x28a: {  	[tilespmem:$0xB0] =	vst v0  }
0x28b: {  	[tilespmem:s26], [sflag:$0x3] =	stream.indirect.gather [hbm4b:s7+s24], $0x80, s25, s24, $0xb8;
	[tilespmem:$0x1EC40] =	vst v63  }
0x28c: {  	_ =	swait.ge [sflag:s1], $0x2000  }
0x28d: {  	[sflag:s1] =	ssyncset.done $0x0  }
0x28e: {  	s2 =	simm.s32 @!p0 $0x6;
	[sflag:s1] =	ssyncadd.s32 $0xFFFFE000  }
0x28f: {  	_ =	swait.ge @!p0 [sflag:s2], $0x1000  }
0x290: {  	[sflag:s2] =	ssyncset.done @!p0 $0x0  }
0x291: {  	[sflag:s2] =	ssyncadd.s32 @!p0 $0xFFFFF000  }
0x292: {  	_ =	swait.ge @!p0 [sflag:s2], $0x1000  }
0x293: {  	[sflag:s2] =	ssyncset.done @!p0 $0x0  }
0x294: {  	[sflag:s2] =	ssyncadd.s32 @!p0 $0xFFFFF000  }
0x295: {  	v0 =	vld @!p0 [tilespmem:$0x1A0];
	_ =	sdelay $0x1  }
0x296: {  	v1 =	vlaneseq.u32 @!p0  }
0x297: {  	v1 =	vmul.u32 @!p0 $0x80, v1;
	_ =	sdelay $0x1  }
0x298: {  	v0 =	vadd.s32 @!p0 v1, v0;
	_ =	sdelay $0x3  }
0x299: {  	v2 =	vimm.f32 @!p0 $0.0e+00;
	s2 =	simm.s32 @!p0 $0x71C0  }
0x29a: {  	[tilespmem:v0+s2+$0x0] =	vst.idx.msk @!p0 $0xffff, v2  }
0x29b: {  	v0 =	vld @!p0 [tilespmem:$0x1B0];
	_ =	sdelay $0x3  }
0x29c: {  	v1 =	vor.u32 @!p0 $0x800, v1  }
0x29d: {  	v0 =	vadd.s32 @!p0 v1, v0;
	_ =	sdelay $0x4  }
0x29e: {  	s17 =	simm.s32 $0x31C0;
	[tilespmem:v0+s2+$0x0] =	vst.idx.msk @!p0 $0xffff, v2  }
0x29f: {  	v42 =	vld [tilespmem:s17+$0xFFFFF180]  }
0x2a0: {  	v39 =	vld [tilespmem:s17+$0xFFFFF190]  }
0x2a1: {  	v41 =	vld [tilespmem:s17+$0xFFFFF1A0]  }
0x2a2: {  	v38 =	vld [tilespmem:s17+$0xFFFFF1B0]  }
0x2a3: {  	v37 =	vld [tilespmem:s17+$0xFFFFF1C0]  }
0x2a4: {  	v45 =	vld [tilespmem:s17+$0xFFFFF1D0]  }
0x2a5: {  	v47 =	vld [tilespmem:s17+$0xFFFFF1E0]  }
0x2a6: {  	v44 =	vld [tilespmem:s17+$0xFFFFF1F0]  }
0x2a7: {  	v1 =	vld [tilespmem:s17+$0x180]  }
0x2a8: {  	v2 =	vld [tilespmem:s17+$0x190]  }
0x2a9: {  	v3 =	vld [tilespmem:s17+$0x1A0]  }
0x2aa: {  	v4 =	vld [tilespmem:s17+$0x1B0]  }
0x2ab: {  	v30 =	vld [tilespmem:s17+$0xFFFFF020]  }
0x2ac: {  	v5 =	vld [tilespmem:s17+$0x1C0]  }
0x2ad: {  	v6 =	vld [tilespmem:s17+$0x1D0]  }
0x2ae: {  	v7 =	vld [tilespmem:s17+$0x1E0]  }
0x2af: {  	v8 =	vld [tilespmem:s17+$0x1F0]  }
0x2b0: {  	v55 =	vld [tilespmem:s17+$0xFFFFF010];
	[tilespmem:$0x1FDE0] =	vst v30  }
0x2b1: {  	v29 =	vld [tilespmem:s17+$0xFFFFF030];
	_ =	sdelay $0x4  }
0x2b2: {  	[tilespmem:$0x1FDF0] =	vst v29  }
0x2b3: {  	v28 =	vld [tilespmem:s17+$0xFFFFF040];
	_ =	sdelay $0x4  }
0x2b4: {  	[tilespmem:$0x1FE00] =	vst v28  }
0x2b5: {  	v26 =	vld [tilespmem:s17+$0xFFFFF050]  }
0x2b6: {  	v2 =	vadd.f32 v2, v39;
	_ =	sdelay $0x1  }
0x2b7: {  	v16 =	vmul.f32 $2.000000030e-01, v2;
	_ =	sdelay $0x1  }
0x2b8: {  	v2 =	vmax.f32 v2, v16;
	v16 =	vld [tilespmem:$0x1FF80];
	[tilespmem:$0x1FE10] =	vst v26  }
0x2b9: {  	v15 =	vld [tilespmem:s17+$0xFFFFF060]  }
0x2ba: {  	v25 =	vld [tilespmem:s17+$0xFFFFF070]  }
0x2bb: {  	v0 =	vld [tilespmem:s17+$0x0]  }
0x2bc: {  	v1 =	vadd.f32 v1, v42;
	v3 =	vadd.f32 v3, v41;
	v9 =	vld [tilespmem:s17+$0x10]  }
0x2bd: {  	v4 =	vadd.f32 v4, v38;
	v5 =	vadd.f32 v5, v37;
	v10 =	vld [tilespmem:s17+$0x20]  }
0x2be: {  	v6 =	vadd.f32 v6, v45;
	v7 =	vadd.f32 v7, v47;
	v12 =	vmul.f32 $2.000000030e-01, v1;
	v11 =	vld [tilespmem:s17+$0x30]  }
0x2bf: {  	v14 =	vmovc v13;
	v8 =	vadd.f32 v8, v44;
	v17 =	vmul.f32 $2.000000030e-01, v3;
	v19 =	vmul.f32 $2.000000030e-01, v4;
	v13 =	vld [tilespmem:s17+$0x40]  }
0x2c0: {  	v20 =	vmul.f32 $2.000000030e-01, v5;
	v22 =	vmul.f32 $2.000000030e-01, v6;
	v18 =	vld [tilespmem:s17+$0x50]  }
0x2c1: {  	v23 =	vmul.f32 $2.000000030e-01, v7;
	v1 =	vmax.f32 v1, v12;
	v12 =	vmul.f32 $2.000000030e-01, v8;
	v21 =	vld [tilespmem:s17+$0x60]  }
0x2c2: {  	v3 =	vmax.f32 v3, v17;
	v4 =	vmax.f32 v4, v19;
	v5 =	vmax.f32 v5, v20;
	v24 =	vld [tilespmem:s17+$0x70]  }
0x2c3: {  	v6 =	vmax.f32 v6, v22;
	v2 =	vmul.f32 v2, v50;
	v3 =	vmul.f32 v3, v33;
	v53 =	vld [tilespmem:s17+$0xFFFFF080]  }
0x2c4: {  	v7 =	vmax.f32 v7, v23;
	v4 =	vmul.f32 v4, v43;
	v5 =	vmul.f32 v5, v46;
	v57 =	vld [tilespmem:s17+$0xFFFFF090]  }
0x2c5: {  	v6 =	vmul.f32 v6, v56;
	v8 =	vmax.f32 v8, v12;
	v1 =	vmul.f32 v1, v16;
	v49 =	vld [tilespmem:s17+$0xFFFFF0A0]  }
0x2c6: {  	v7 =	vmul.f32 v7, v62;
	v8 =	vmul.f32 v8, v14;
	v58 =	vld [tilespmem:s17+$0xFFFFF0B0]  }
0x2c7: {  	v1 =	vadd.f32 v2, v1;
	v2 =	vadd.f32 v4, v3;
	v48 =	vld [tilespmem:s17+$0xFFFFF0C0]  }
0x2c8: {  	v3 =	vadd.f32 v6, v5;
	v4 =	vadd.f32 v8, v7;
	v61 =	vld [tilespmem:s17+$0xFFFFF0D0]  }
0x2c9: {  	v52 =	vld [tilespmem:s17+$0xFFFFF0E0]  }
0x2ca: {  	v1 =	vadd.f32 v2, v1;
	v3 =	vadd.f32 v4, v3;
	v27 =	vld [tilespmem:s17+$0xFFFFF0F0]  }
0x2cb: {  	v2 =	vld [tilespmem:s17+$0x80]  }
0x2cc: {  	v1 =	vadd.f32 v3, v1;
	v12 =	vld [tilespmem:s17+$0xB0];
	v5 =	vadd.f32 v10, v30  }
0x2cd: {  	v6 =	vld [tilespmem:s17+$0x90];
	v4 =	vadd.f32 v11, v29;
	v7 =	vadd.f32 v9, v55  }
0x2ce: {  	v8 =	vadd.f32 v13, v28;
	v10 =	vld [tilespmem:s17+$0xA0];
	v11 =	vadd.f32 v18, v26;
	[tilespmem:$0x1FD70] =	vst v25  }
0x2cf: {  	v17 =	vadd.f32 v21, v15;
	v18 =	vadd.f32 v24, v25;
	v20 =	vld [tilespmem:s17+$0xC0]  }
0x2d0: {  	v2 =	vadd.f32 v2, v53;
	v21 =	vld [tilespmem:s17+$0xE0];
	v9 =	vmul.f32 $2.000000030e-01, v5;
	v3 =	vmul.f32 $2.000000030e-01, v4  }
0x2d1: {  	v12 =	vadd.f32 v12, v58;
	v22 =	vld [tilespmem:s17+$0xF0];
	v13 =	vmul.f32 $2.000000030e-01, v8;
	v19 =	vmul.f32 $2.000000030e-01, v11  }
0x2d2: {  	v29 =	vld [tilespmem:s17+$0xFFFFF130];
	v5 =	vmax.f32 v5, v9;
	v3 =	vmax.f32 v4, v3;
	v9 =	vmul.f32 $2.000000030e-01, v17  }
0x2d3: {  	v28 =	vld [tilespmem:s17+$0xFFFFF140];
	v8 =	vmax.f32 v8, v13;
	v13 =	vmul.f32 $2.000000030e-01, v18;
	v5 =	vmul.f32 v5, v33  }
0x2d4: {  	v24 =	vld [tilespmem:s17+$0xFFFFF150];
	v11 =	vmax.f32 v11, v19;
	v3 =	vmul.f32 v3, v43;
	v8 =	vmul.f32 v8, v46  }
0x2d5: {  	v4 =	vld [tilespmem:s17+$0xD0];
	v11 =	vmul.f32 v11, v56;
	v10 =	vadd.f32 v10, v49;
	v9 =	vmax.f32 v17, v9  }
0x2d6: {  	v19 =	vld [tilespmem:s17+$0xFFFFF120];
	v13 =	vmax.f32 v18, v13;
	v20 =	vadd.f32 v20, v48;
	v21 =	vadd.f32 v21, v52  }
0x2d7: {  	v17 =	vld [tilespmem:s17+$0xFFFFF100];
	v3 =	vadd.f32 v3, v5;
	v5 =	vadd.f32 v6, v57;
	v6 =	vmul.f32 $2.000000030e-01, v2  }
0x2d8: {  	v18 =	vld [tilespmem:s17+$0xFFFFF110];
	[tilespmem:$0x1FD80] =	vst v27;
	v22 =	vadd.f32 v22, v27;
	v25 =	vmul.f32 $2.000000030e-01, v10;
	v26 =	vmul.f32 $2.000000030e-01, v20  }
0x2d9: {  	v35 =	vld [tilespmem:s17+$0xFFFFF160];
	v23 =	vmul.f32 $2.000000030e-01, v5;
	v2 =	vmax.f32 v2, v6;
	v6 =	vmul.f32 $2.000000030e-01, v12  }
0x2da: {  	v32 =	vld [tilespmem:s17+$0xFFFFF170];
	v4 =	vadd.f32 v4, v61;
	v10 =	vmax.f32 v10, v25;
	v25 =	vmul.f32 $2.000000030e-01, v22  }
0x2db: {  	v27 =	vld [tilespmem:s17+$0x140];
	v20 =	vmax.f32 v20, v26;
	v2 =	vmul.f32 v2, v16;
	v5 =	vmax.f32 v5, v23  }
0x2dc: {  	(xrf2) =	vadd.scan.msk.f32 $0xffff, v1;
	v26 =	vld [tilespmem:s17+$0x100];
	v23 =	vmul.f32 $2.000000030e-01, v4;
	v6 =	vmax.f32 v12, v6;
	v12 =	vmul.f32 $2.000000030e-01, v21  }
0x2dd: {  	v10 =	vmul.f32 v10, v33;
	v22 =	vmax.f32 v22, v25;
	v25 =	vld [tilespmem:s17+$0x130];
	v5 =	vmul.f32 v5, v50  }
0x2de: {  	v6 =	vmul.f32 v6, v43;
	v4 =	vmax.f32 v4, v23;
	v23 =	vld [tilespmem:s17+$0x110];
	v12 =	vmax.f32 v21, v12  }
0x2df: {  	v8 =	vadd.f32 v11, v8;
	v21 =	vld [tilespmem:s17+$0x120];
	v11 =	vmul.f32 v12, v62;
	v12 =	vmul.f32 v22, v14  }
0x2e0: {  	v9 =	vmul.f32 v9, v62;
	v2 =	vadd.f32 v5, v2;
	v5 =	vadd.f32 v6, v10;
	v6 =	vld [tilespmem:s17+$0x150]  }
0x2e1: {  	v13 =	vmul.f32 v13, v14;
	v10 =	vmul.f32 $2.000000030e-01, v7;
	v11 =	vadd.f32 v12, v11;
	v12 =	vld [tilespmem:s17+$0x160]  }
0x2e2: {  	v20 =	vmul.f32 v20, v46;
	v4 =	vmul.f32 v4, v56;
	v2 =	vadd.f32 v5, v2;
	v5 =	vld [tilespmem:s17+$0x170];
	[tilespmem:$0x1FD90] =	vst v17  }
0x2e3: {  	v7 =	vmax.f32 v7, v10;
	v10 =	vadd.f32 v26, v17;
	v17 =	vld [tilespmem:s17+$0xFFFFF000]  }
0x2e4: {  	v9 =	vadd.f32 v13, v9;
	v4 =	vadd.f32 v4, v20;
	_ =	sdelay $0x1  }
0x2e5: {  	v36, _, _ =	vpop (xrf2);
	v8 =	vadd.f32 v9, v8;
	[tilespmem:$0x1FDA0] =	vst v18;
	v4 =	vadd.f32 v11, v4  }
0x2e6: {  	v36 =	vmul.f32 $1.442695020e+00, v36;
	[tilespmem:$0x1FDB0] =	vst v19;
	v11 =	vadd.f32 v23, v18;
	v13 =	vadd.f32 v21, v19  }
0x2e7: {  	s12 =	simm.s32 $0x33C0;
	v25 =	vadd.f32 v25, v29;
	v9 =	vmul.f32 $2.000000030e-01, v10;
	v6 =	vadd.f32 v6, v24;
	[tilespmem:$0x1FE20] =	vst v17  }
0x2e8: {  	v1 =	vadd.f32 v4, v2;
	v2 =	vmul.f32 $2.000000030e-01, v11;
	v4 =	vmul.f32 $2.000000030e-01, v13;
	v20 =	vld [tilespmem:s12+$0xFFFFF180]  }
0x2e9: {  	v9 =	vmax.f32 v10, v9;
	v10 =	vadd.f32 v27, v28;
	v27 =	vmul.f32 $2.000000030e-01, v25;
	v21 =	vld [tilespmem:s12+$0xFFFFF190]  }
0x2ea: {  	v12 =	vadd.f32 v12, v35;
	v30 =	vmul.f32 $2.000000030e-01, v6;
	v5 =	vadd.f32 v5, v32;
	v22 =	vld [tilespmem:s12+$0xFFFFF1A0]  }
0x2eb: {  	v9 =	vmul.f32 v9, v16;
	v2 =	vmax.f32 v11, v2;
	v4 =	vmax.f32 v13, v4;
	v23 =	vld [tilespmem:s12+$0xFFFFF1B0]  }
0x2ec: {  	v11 =	vmul.f32 $2.000000030e-01, v10;
	v13 =	vmax.f32 v25, v27;
	v0 =	vadd.f32 v0, v17;
	v40 =	vld [tilespmem:s12+$0xFFFFF1C0]  }
0x2ed: {  	v19 =	vmovc v33;
	v27 =	vld [tilespmem:s12+$0xFFFFF1D0];
	v31 =	vmul.f32 $2.000000030e-01, v12;
	v6 =	vmax.f32 v6, v30;
	v30 =	vmul.f32 $2.000000030e-01, v5  }
0x2ee: {  	v26 =	vld [tilespmem:s12+$0xFFFFF1E0];
	v2 =	vmul.f32 v2, v50;
	v4 =	vmul.f32 v4, v19  }
0x2ef: {  	v18 =	vmovc v56;
	v34 =	vld [tilespmem:s12+$0x180];
	v13 =	vmul.f32 v13, v43;
	v11 =	vmax.f32 v10, v11;
	v51 =	vmul.f32 $2.000000030e-01, v0  }
0x2f0: {  	v54 =	vld [tilespmem:s12+$0x1A0];
	v6 =	vmul.f32 v6, v18;
	v12 =	vmax.f32 v12, v31;
	v11 =	vmul.f32 v11, v46  }
0x2f1: {  	v31 =	vld [tilespmem:s12+$0x190];
	v5 =	vmax.f32 v5, v30;
	v2 =	vadd.f32 v2, v9;
	v4 =	vadd.f32 v13, v4  }
0x2f2: {  	v30 =	vld [tilespmem:s12+$0x1B0];
	v0 =	vmax.f32 v0, v51;
	v12 =	vmul.f32 v12, v62;
	v5 =	vmul.f32 v5, v14  }
0x2f3: {  	v7 =	vmul.f32 v7, v50;
	v9 =	vld [tilespmem:s12+$0x1C0];
	v0 =	vmul.f32 v0, v16;
	v6 =	vadd.f32 v6, v11  }
0x2f4: {  	v11 =	vld [tilespmem:s12+$0x1E0];
	v2 =	vadd.f32 v4, v2;
	v5 =	vadd.f32 v5, v12;
	v12 =	vbroadcast v36, $0xF  }
0x2f5: {  	v56 =	vld [tilespmem:s12+$0xFFFFF1F0];
	v4 =	vadd.f32 v34, v20;
	v0 =	vadd.f32 v7, v0  }
0x2f6: {  	(xrf2) =	vadd.scan.msk.f32 $0xffff, v1;
	v1 =	vadd.f32 v54, v22;
	v7 =	vld [tilespmem:s12+$0x1D0];
	v13 =	vadd.f32 v31, v21;
	(erf) = vpow2.f32 v12  }
0x2f7: {  	v12 =	vadd.f32 v30, v23;
	v10 =	vmul.f32 $2.000000030e-01, v4;
	v0 =	vadd.f32 v3, v0;
	v3 =	vld [tilespmem:s12+$0x1F0]  }
0x2f8: {  	v9 =	vadd.f32 v9, v40;
	v5 =	vadd.f32 v5, v6;
	v59 =	vmul.f32 $2.000000030e-01, v13  }
0x2f9: {  	v11 =	vadd.f32 v11, v26;
	v54 =	vmul.f32 $2.000000030e-01, v12;
	v4 =	vmax.f32 v4, v10  }
0x2fa: {  	v60 =	vmul.f32 $2.000000030e-01, v9;
	v0 =	vadd.f32 v8, v0;
	v4 =	vmul.f32 v4, v16  }
0x2fb: {  	[tilespmem:$0x1FDC0] =	vst v27;
	v7 =	vadd.f32 v7, v27;
	v27 =	vmul.f32 $2.000000030e-01, v1;
	v63 =	vmul.f32 $2.000000030e-01, v11  }
0x2fc: {  	[tilespmem:$0x1FDD0] =	vst v26;
	v13 =	vmax.f32 v13, v59;
	v9 =	vmax.f32 v9, v60;
	v3 =	vadd.f32 v3, v56  }
0x2fd: {  	v26 =	vmovc v50;
	(xrf2) =	vadd.scan.msk.f32 $0xffff, v0;
	v9 =	vmul.f32 v9, v46;
	v8 =	vmul.f32 $2.000000030e-01, v7;
	v0 =	vmax.f32 v1, v27  }
0x2fe: {  	v17 =	vmovc v43;
	v31 =	vld [tilespmem:s12+$0xFFFFF020];
	v1 =	vmax.f32 v12, v54;
	v12 =	vmul.f32 v13, v26;
	v59 =	vmul.f32 $2.000000030e-01, v3  }
0x2ff: {  	v10 =	vld [tilespmem:s12+$0xFFFFF030];
	v0 =	vmul.f32 v0, v19;
	v1 =	vmul.f32 v1, v17;
	v7 =	vmax.f32 v7, v8  }
0x300: {  	v34 =	vld [tilespmem:s12+$0xFFFFF040];
	v8 =	vmax.f32 v11, v63;
	v7 =	vmul.f32 v7, v18;
	v3 =	vmax.f32 v3, v59  }
0x301: {  	v2 =	vadd.f32 v5, v2;
	v5 =	vld [tilespmem:s12+$0x40];
	v6 =	vmul.f32 v8, v62;
	v3 =	vmul.f32 v3, v14  }
0x302: {  	v51 =	vld [tilespmem:s12+$0xFFFFF050];
	v4 =	vadd.f32 v12, v4;
	v0 =	vadd.f32 v1, v0  }
0x303: {  	v36 =	vmov v40;
	v40 =	vld [tilespmem:s12+$0xFFFFF060];
	v7 =	vadd.f32 v7, v9;
	v3 =	vadd.f32 v3, v6  }
0x304: {  	v43 =	vld [tilespmem:s12+$0xFFFFF070]  }
0x305: {  	v13 =	vld [tilespmem:s12+$0x20];
	v11, _, _ =	vpop (xrf2);
	v0 =	vadd.f32 v0, v4;
	v3 =	vadd.f32 v3, v7  }
0x306: {  	v5 =	vadd.f32 v5, v34;
	v12 =	vld [tilespmem:s12+$0x50];
	v8 =	vmul.f32 $1.442695020e+00, v11  }
0x307: {  	v0 =	vadd.f32 v3, v0;
	v3 =	vld [tilespmem:s12+$0x0]  }
0x308: {  	v1 =	vld [tilespmem:s12+$0x30];
	v60 =	vmul.f32 $2.000000030e-01, v5;
	v8 =	vbroadcast v8, $0xF  }
0x309: {  	(xrf2) =	vadd.scan.msk.f32 $0xffff, v2;
	v2 =	vld [tilespmem:s12+$0x60];
	v6 =	vpop (erf)  }
0x30a: {  	v25 =	vmovc v46;
	v5 =	vmax.f32 v5, v60;
	(erf) = vpow2.f32 v8;
	v8 =	vmul.f32 v6, v42;
	v42 =	vld [tilespmem:s12+$0x70]  }
0x30b: {  	v27 =	vmov v10;
	v13 =	vadd.f32 v13, v31;
	v5 =	vmul.f32 v5, v25  }
0x30c: {  	v30 =	vld [tilespmem:s12+$0xFFFFF010];
	v12 =	vadd.f32 v12, v51;
	v9 =	vmul.f32 v6, v44;
	v33, _, _ =	vpop (xrf2);
	(xrf2) =	vadd.scan.msk.f32 $0xffff, v0;
	[tilespmem:$0x1FE30] =	vst v3  }
0x30d: {  	v10 =	vmul.f32 v6, v39;
	v59 =	vmul.f32 v6, v37;
	v1 =	vadd.f32 v1, v27;
	v37 =	vld [tilespmem:s12+$0xFFFFF080]  }
0x30e: {  	v2 =	vadd.f32 v2, v40;
	v46 =	vmul.f32 v6, v38;
	v44 =	vmul.f32 $2.000000030e-01, v13;
	v38 =	vld [tilespmem:s12+$0xFFFFF090]  }
0x30f: {  	v11 =	vmul.f32 v6, v41;
	v54 =	vmul.f32 $2.000000030e-01, v1;
	v0 =	vadd.f32 v42, v43;
	v41 =	vld [tilespmem:s12+$0xFFFFF0A0]  }
0x310: {  	v63 =	vmul.f32 $2.000000030e-01, v12;
	v50 =	vmul.f32 $1.442695020e+00, v33;
	v13 =	vmax.f32 v13, v44;
	v39 =	vld [tilespmem:s12+$0xFFFFF0B0]  }
0x311: {  	v44 =	vmul.f32 $2.000000030e-01, v2;
	v1 =	vmax.f32 v1, v54;
	v54 =	vmul.f32 $2.000000030e-01, v0;
	v42 =	vld [tilespmem:s12+$0xFFFFF0C0]  }
0x312: {  	v7 =	vmul.f32 v6, v45;
	v12 =	vmax.f32 v12, v63;
	v13 =	vmul.f32 v13, v19;
	v3 =	vld [tilespmem:s12+$0x90]  }
0x313: {  	v4 =	vbroadcast v50, $0xF;
	v2 =	vmax.f32 v2, v44;
	v12 =	vmul.f32 v12, v18;
	v63 =	vld [tilespmem:s12+$0x80]  }
0x314: {  	v33 =	vmov v51;
	v1 =	vmul.f32 v1, v17;
	v2 =	vmul.f32 v2, v62;
	v44 =	vld [tilespmem:s12+$0xFFFFF0D0]  }
0x315: {  	s17 =	simm.s32 $0x81E0;
	(erf) = vpow2.f32 v4;
	v51 =	vadd.f32 v12, v5;
	v0 =	vmax.f32 v0, v54;
	v12 =	vld [tilespmem:s12+$0xB0];
	v54, _, _ =	vpop (xrf2)  }
0x316: {  	s9 =	simm.s32 $0x52C0;
	v60 =	vadd.f32 v1, v13;
	v13 =	vmul.f32 v6, v47;
	v4 =	vld [tilespmem:s12+$0xC0];
	[tilespmem:s17+$0x10] =	vst v6;
	v1 =	vmul.f32 $1.442695020e+00, v54;
	v54, _, _ =	vpop (xrf2)  }
0x317: {  	v0 =	vmul.f32 v0, v14;
	[tilespmem:s9+$0xF0] =	vst v9;
	v9 =	vld [tilespmem:s12+$0xD0];
	v3 =	vadd.f32 v3, v38;
	v6 =	vmul.f32 $1.442695020e+00, v54  }
0x318: {  	v50 =	vld [tilespmem:s12+$0xA0]  }
0x319: {  	v5 =	vadd.f32 v0, v2;
	v0 =	vbroadcast v6, $0xF;
	v6 =	vmul.f32 $2.000000030e-01, v3  }
0x31a: {  	v47 =	vld [tilespmem:s12+$0xFFFFF0F0];
	[tilespmem:s9+$0x80] =	vst v8;
	v1 =	vbroadcast v1, $0xF;
	v63 =	vadd.f32 v63, v37  }
0x31b: {  	[tilespmem:s9+$0x90] =	vst v10;
	v10 =	vadd.f32 v12, v39;
	v2 =	vmax.f32 v3, v6;
	v3 =	vadd.f32 v4, v42;
	v4 =	vld [tilespmem:s12+$0xF0]  }
0x31c: {  	v45 =	vld [tilespmem:s12+$0xFFFFF0E0];
	[tilespmem:s9+$0xA0] =	vst v11;
	v9 =	vadd.f32 v9, v44;
	(erf) = vpow2.f32 v1  }
0x31d: {  	[tilespmem:s9+$0xB0] =	vst v46;
	v12 =	vld [tilespmem:s12+$0xE0];
	v1 =	vadd.f32 v50, v41;
	v54 =	vmul.f32 $2.000000030e-01, v63;
	v50 =	vpop (erf);
	v46 =	vmul.f32 $2.000000030e-01, v10  }
0x31e: {  	[tilespmem:s9+$0xC0] =	vst v59;
	v11 =	vmul.f32 v50, v53;
	v53 =	vmul.f32 v50, v57  }
0x31f: {  	[tilespmem:s9+$0xE0] =	vst v13;
	v13 =	vmul.f32 $2.000000030e-01, v9;
	v61 =	vmul.f32 v50, v61  }
0x320: {  	[tilespmem:s9+$0xD0] =	vst v7;
	v8 =	vmax.f32 v63, v54;
	v54 =	vmul.f32 $2.000000030e-01, v1;
	v4 =	vadd.f32 v4, v47  }
0x321: {  	[tilespmem:s17+$0xFFFFFFF0] =	vst v50;
	v7 =	vmax.f32 v10, v46;
	v10 =	vmul.f32 v50, v49;
	v46 =	vmul.f32 v50, v58  }
0x322: {  	v12 =	vadd.f32 v12, v45;
	[tilespmem:s9+$0xFFFFFF80] =	vst v11;
	(erf) = vpow2.f32 v0;
	v0 =	vmul.f32 $2.000000030e-01, v4  }
0x323: {  	v9 =	vmax.f32 v9, v13;
	v11 =	vmul.f32 v50, v52;
	[tilespmem:s9+$0xFFFFFF90] =	vst v53;
	v8 =	vmul.f32 v8, v16  }
0x324: {  	[tilespmem:s9+$0xFFFFFFD0] =	vst v61;
	v63 =	vmul.f32 $2.000000030e-01, v3;
	v4 =	vmax.f32 v4, v0;
	v0 =	vmul.f32 v7, v17  }
0x325: {  	v1 =	vmax.f32 v1, v54;
	[tilespmem:s9+$0xFFFFFFA0] =	vst v10;
	v13 =	vmul.f32 $2.000000030e-01, v12;
	v2 =	vmul.f32 v2, v26  }
0x326: {  	[tilespmem:s9+$0xFFFFFFB0] =	vst v46;
	v1 =	vmul.f32 v1, v19;
	v3 =	vmax.f32 v3, v63;
	v63 =	vmul.f32 v50, v48  }
0x327: {  	[tilespmem:s9+$0xFFFFFFE0] =	vst v11  }
0x328: {  	v10 =	vmax.f32 v12, v13;
	v2 =	vadd.f32 v2, v8;
	[tilespmem:s9+$0xFFFFFFC0] =	vst v63;
	v13 =	vadd.f32 v0, v1;
	v0 =	vpop (erf)  }
0x329: {  	v8 =	vmul.f32 v9, v18;
	[tilespmem:s17+$0xFFFFFFE0] =	vst v0  }
0x32a: {  	v3 =	vmul.f32 v3, v25;
	v1 =	vadd.f32 v5, v51;
	v5 =	vadd.f32 v13, v2;
	v2 =	vld [tilespmem:$0x1FDE0]  }
0x32b: {  	v57 =	vld [tilespmem:s12+$0xFFFFF100]  }
0x32c: {  	v58 =	vld [tilespmem:s12+$0xFFFFF110];
	v3 =	vadd.f32 v8, v3;
	v8 =	vmul.f32 v0, v55  }
0x32d: {  	v12 =	vld [tilespmem:s12+$0x100];
	v10 =	vmul.f32 v10, v62;
	v4 =	vmul.f32 v4, v14  }
0x32e: {  	v9 =	vld [tilespmem:s12+$0x110];
	[tilespmem:s9+$0xFFFFFF10] =	vst v8  }
0x32f: {  	v4 =	vadd.f32 v4, v10;
	v10 =	vmul.f32 v0, v2;
	v2 =	vld [tilespmem:$0x1FDF0]  }
0x330: {  	v59 =	vld [tilespmem:s12+$0xFFFFF120];
	v61 =	vpop (erf)  }
0x331: {  	v6 =	vld [tilespmem:s12+$0x10];
	v63 =	vpop (erf)  }
0x332: {  	s2 =	simm.s32 $0x8220;
	v49 =	vld [tilespmem:s12+$0xFFFFF130];
	v11 =	vadd.f32 v12, v57;
	v12 =	vmul.f32 v63, v56  }
0x333: {  	s3 =	simm.s32 $0x54C0;
	v52 =	vld [tilespmem:s12+$0xFFFFF140];
	v3 =	vadd.f32 v4, v3;
	v4 =	vadd.f32 v9, v58;
	[tilespmem:s2+$0x10] =	vst v63  }
0x334: {  	v56 =	vmul.f32 v0, v2;
	v2 =	vld [tilespmem:$0x1FE00];
	[tilespmem:s3+$0xF0] =	vst v12  }
0x335: {  	v53 =	vld [tilespmem:s12+$0xFFFFF150];
	v3 =	vadd.f32 v3, v5;
	v5 =	vmul.f32 $2.000000030e-01, v4;
	[tilespmem:s9+$0xFFFFFF20] =	vst v10  }
0x336: {  	v54 =	vld [tilespmem:s12+$0x130];
	v6 =	vadd.f32 v6, v30;
	[tilespmem:s9+$0xFFFFFF30] =	vst v56  }
0x337: {  	v56 =	vmax.f32 v4, v5;
	v4 =	vld [tilespmem:$0x1FE10]  }
0x338: {  	v46 =	vld [tilespmem:s12+$0x120];
	v7 =	vmul.f32 $2.000000030e-01, v6  }
0x339: {  	v48 =	vld [tilespmem:s12+$0xFFFFF160]  }
0x33a: {  	v19 =	vmov v62;
	v62 =	vmax.f32 v6, v7;
	v7 =	vld [tilespmem:s12+$0x140]  }
0x33b: {  	v6 =	vld [tilespmem:s12+$0x170];
	v13 =	vadd.f32 v54, v49;
	v51 =	vmul.f32 v0, v2  }
0x33c: {  	v55 =	vld [tilespmem:s12+$0xFFFFF170];
	v4 =	vmul.f32 v0, v4  }
0x33d: {  	v9 =	vld [tilespmem:s12+$0x160];
	(xrf2) =	vadd.scan.msk.f32 $0xffff, v3;
	v3 =	vmul.f32 $2.000000030e-01, v13;
	[tilespmem:s9+$0xFFFFFF40] =	vst v51  }
0x33e: {  	v8 =	vld [tilespmem:s12+$0x150];
	[tilespmem:s9+$0xFFFFFF50] =	vst v4  }
0x33f: {  	v2 =	vadd.f32 v46, v59;
	v51 =	vmax.f32 v13, v3;
	v3 =	vld [tilespmem:$0x1FE20]  }
0x340: {  	v46 =	vld [tilespmem:s12+$0xFFFFF000];
	[tilespmem:s17+$0x0] =	vst v61  }
0x341: {  	v7 =	vadd.f32 v7, v52;
	v12 =	vmul.f32 $2.000000030e-01, v11;
	v10 =	vmul.f32 $2.000000030e-01, v2;
	v4 =	vld [tilespmem:$0x1FE30];
	_ =	sdelay $0x1  }
0x342: {  	v54 =	vmax.f32 v11, v12;
	v5 =	vmul.f32 $2.000000030e-01, v7;
	v10 =	vmax.f32 v2, v10  }
0x343: {  	v2 =	vadd.f32 v8, v53;
	v8 =	vmul.f32 v0, v3;
	v3 =	vadd.f32 v9, v48  }
0x344: {  	v12 =	vmul.f32 v62, v26;
	v62 =	vadd.f32 v6, v55;
	v13 =	vmax.f32 v7, v5  }
0x345: {  	v25 =	vmovc v14;
	s12 =	simm.s32 $0x35C0;
	v5 =	vmul.f32 $2.000000030e-01, v2;
	s17 =	simm.s32 $0x4;
	v4 =	vadd.f32 v4, v46;
	[tilespmem:s9+$0xFFFFFF00] =	vst v8;
	v11 =	vmul.f32 $2.000000030e-01, v3  }
.LBB2_9:
0x346: {  	v6 =	vld [tilespmem:s12+$0xFFFFF180]  }
0x347: {  	v8 =	vld [tilespmem:s12+$0xFFFFF190]  }
0x348: {  	[tilespmem:$0x1FCF0] =	vst v31;
	v31 =	vld [tilespmem:$0x1FFF0]  }
0x349: {  	[tilespmem:$0x1FD10] =	vst v34;
	v34 =	vmov v30;
	v30 =	vld [tilespmem:$0x1FFD0]  }
0x34a: {  	v26 =	vld [tilespmem:$0x1FFB0]  }
0x34b: {  	[tilespmem:$0x1FD00] =	vst v27;
	v27 =	vld [tilespmem:$0x1FFC0]  }
0x34c: {  	v18 =	vld [tilespmem:$0x1FFA0]  }
0x34d: {  	v14 =	vld [tilespmem:s12+$0xFFFFF1D0];
	v2 =	vmax.f32 v2, v5;
	v5 =	vmul.f32 $2.000000030e-01, v62;
	v9 =	vmul.f32 $2.000000030e-01, v4  }
0x34e: {  	v3 =	vmax.f32 v3, v11;
	v11 =	vld [tilespmem:s12+$0xFFFFF1A0];
	v7 =	vmul.f32 v54, v16;
	v54 =	vmul.f32 v56, v31  }
0x34f: {  	v4 =	vmax.f32 v4, v9;
	v56 =	vld [tilespmem:s12+$0xFFFFF1B0];
	v9 =	vmul.f32 v13, v30;
	v2 =	vmul.f32 v2, v26  }
0x350: {  	v3 =	vmul.f32 v3, v19;
	v5 =	vmax.f32 v62, v5;
	v10 =	vmul.f32 v10, v27;
	v13 =	vld [tilespmem:s12+$0xFFFFF1C0]  }
0x351: {  	v4 =	vmul.f32 v4, v16;
	v51 =	vmul.f32 v51, v18;
	v2 =	vadd.f32 v2, v9;
	v9 =	vld [tilespmem:s12+$0xFFFFF1E0]  }
0x352: {  	v5 =	vmul.f32 v5, v25;
	v7 =	vadd.f32 v54, v7;
	v54 =	vmul.f32 v0, v15;
	v15 =	vld [tilespmem:$0x1FD70]  }
0x353: {  	v4 =	vadd.f32 v12, v4;
	v17 =	vadd.f32 v51, v10;
	v51 =	vld [tilespmem:s12+$0xFFFFF1F0]  }
0x354: {  	v62 =	vadd.f32 v5, v3;
	v10 =	vmov v40;
	[tilespmem:s9+$0xFFFFFF60] =	vst v54;
	v54 =	vld [tilespmem:s12+$0x190]  }
0x355: {  	v3 =	vmov v47;
	v4 =	vadd.f32 v60, v4;
	[tilespmem:$0x1FD20] =	vst v10;
	v10 =	vld [tilespmem:$0x1FD80]  }
0x356: {  	v12, _, _ =	vpop (xrf2);
	v5 =	vadd.f32 v17, v7;
	v2 =	vadd.f32 v62, v2;
	[tilespmem:$0x1FD80] =	vst v3;
	v3 =	vld [tilespmem:s12+$0x1A0]  }
0x357: {  	v12 =	vmul.f32 $1.442695020e+00, v12;
	v1 =	vadd.f32 v1, v4;
	v4 =	vld [tilespmem:$0x1FDB0];
	v7 =	vmov v43  }
0x358: {  	v2 =	vadd.f32 v2, v5;
	v5 =	vmul.f32 v61, v28;
	[tilespmem:$0x1FD70] =	vst v7;
	v7 =	vld [tilespmem:s12+$0x180]  }
0x359: {  	v28 =	vmul.f32 v63, v20;
	v20 =	vmovc v6;
	v6 =	vmov v59;
	v0 =	vmul.f32 v0, v15;
	v15 =	vld [tilespmem:$0x1FD90]  }
0x35a: {  	[tilespmem:$0x1FDB0] =	vst v6;
	v6 =	vld [tilespmem:s12+$0x1E0]  }
0x35b: {  	v47 =	vmul.f32 v63, v23;
	v60 =	vbroadcast v12, $0xF;
	[tilespmem:s9+$0xFFFFFF70] =	vst v0;
	v0 =	vld [tilespmem:$0x1FDA0];
	v12 =	vmov v57  }
0x35c: {  	(xrf2) =	vadd.scan.msk.f32 $0xffff, v1;
	v1 =	vmul.f32 v61, v35;
	v35 =	vmul.f32 v63, v22;
	[tilespmem:$0x1FD90] =	vst v12;
	v12 =	vld [tilespmem:s12+$0x1C0]  }
0x35d: {  	[tilespmem:s9+$0x40] =	vst v5;
	v10 =	vmul.f32 v50, v10;
	v50 =	vmul.f32 v63, v21;
	v21 =	vmov v8;
	v8 =	vld [tilespmem:s12+$0x1F0]  }
0x35e: {  	v22 =	vmovc v11;
	(xrf2) =	vadd.scan.msk.f32 $0xffff, v2;
	(erf) = vpow2.f32 v60;
	[tilespmem:s9+$0x60] =	vst v1;
	v4 =	vmul.f32 v61, v4;
	v11 =	vld [tilespmem:s12+$0xFFFFF010]  }
0x35f: {  	v57 =	vmul.f32 v63, v36;
	[tilespmem:s9+$0xFFFFFFF0] =	vst v10;
	v10 =	vmul.f32 v61, v29;
	v2 =	vadd.f32 v7, v20;
	v7 =	vld [tilespmem:$0x1FDC0]  }
0x360: {  	v5 =	vadd.f32 v54, v21;
	v17 =	vmul.f32 v61, v15;
	v29 =	vld [tilespmem:s12+$0x1B0];
	[tilespmem:s9+$0x20] =	vst v4;
	v4 =	vmul.f32 v61, v32  }
0x361: {  	v6 =	vadd.f32 v6, v9;
	v0 =	vmul.f32 v61, v0;
	[tilespmem:s9+$0x30] =	vst v10;
	v10 =	vld [tilespmem:$0x1FDD0];
	v1 =	vmul.f32 $2.000000030e-01, v2  }
0x362: {  	v23 =	vmovc v56;
	v56 =	vld [tilespmem:s12+$0xFFFFF030];
	[tilespmem:s9+$0x70] =	vst v4;
	v4 =	vmul.f32 $2.000000030e-01, v5;
	v12 =	vadd.f32 v12, v13;
	v8 =	vadd.f32 v8, v51  }
0x363: {  	[tilespmem:s9+$0x10] =	vst v0;
	v0 =	vmul.f32 v61, v24;
	v24 =	vld [tilespmem:s12+$0x1D0];
	v61 =	vmul.f32 $2.000000030e-01, v6;
	v1 =	vmax.f32 v2, v1  }
0x364: {  	v62 =	vld [tilespmem:s12+$0xFFFFF040];
	v2 =	vmax.f32 v5, v4;
	v7 =	vmul.f32 v63, v7;
	v4 =	vmul.f32 $2.000000030e-01, v8  }
0x365: {  	v40 =	vld [tilespmem:s12+$0xFFFFF060];
	v1 =	vmul.f32 v1, v16;
	v2 =	vmul.f32 v2, v31;
	[tilespmem:s9+$0x50] =	vst v0;
	v0 =	vadd.f32 v3, v22  }
0x366: {  	v43 =	vld [tilespmem:s12+$0xFFFFF070];
	v15 =	vmovc v58;
	v3 =	vadd.f32 v29, v23;
	v6 =	vmax.f32 v6, v61;
	v58 =	vmul.f32 v63, v10  }
0x367: {  	v54 =	vld [tilespmem:s12+$0xFFFFF020];
	v5, _, _ =	vpop (xrf2);
	v4 =	vmax.f32 v8, v4;
	v6 =	vmul.f32 v6, v19;
	v1 =	vadd.f32 v2, v1  }
0x368: {  	v8 =	vld [tilespmem:s12+$0x40];
	v2 =	vmul.f32 $1.442695020e+00, v5;
	v60 =	vmul.f32 $2.000000030e-01, v0;
	v59 =	vadd.f32 v24, v14  }
0x369: {  	v36 =	vmovc v13;
	v13 =	vmovc v14;
	[tilespmem:s3+$0xC0] =	vst v57;
	v57 =	vld [tilespmem:s12+$0x30];
	v10 =	vmov v9;
	v9 =	vmul.f32 $2.000000030e-01, v3;
	v14 =	vmul.f32 $2.000000030e-01, v12  }
0x36a: {  	[tilespmem:$0x1FDD0] =	vst v10;
	v10 =	vld [tilespmem:s12+$0xFFFFF050];
	v4 =	vmul.f32 v4, v25;
	v32 =	vmul.f32 $2.000000030e-01, v59  }
0x36b: {  	[tilespmem:s3+$0x90] =	vst v50;
	v50 =	vpop (erf);
	v0 =	vmax.f32 v0, v60;
	v3 =	vmax.f32 v3, v9;
	v9 =	vmax.f32 v12, v14;
	v12 =	vld [tilespmem:s12+$0x10]  }
0x36c: {  	v24 =	vmovc v53;
	v53 =	vld [tilespmem:s12+$0x20];
	v0 =	vmul.f32 v0, v27;
	v3 =	vmul.f32 v3, v18;
	v14 =	vmax.f32 v59, v32  }
0x36d: {  	[tilespmem:s2+$0xFFFFFFF0] =	vst v50;
	v9 =	vmul.f32 v9, v30;
	v8 =	vadd.f32 v8, v62;
	v59 =	vld [tilespmem:s12+$0x50];
	v14 =	vmul.f32 v14, v26  }
0x36e: {  	[tilespmem:s3+$0xD0] =	vst v7;
	v7, _, _ =	vpop (xrf2);
	v2 =	vbroadcast v2, $0xF;
	v4 =	vadd.f32 v4, v6;
	v0 =	vadd.f32 v3, v0;
	v3 =	vld [tilespmem:s12+$0x60]  }
0x36f: {  	v29 =	vmovc v49;
	v49 =	vld [tilespmem:s12+$0xFFFFF090];
	v6 =	vmul.f32 $1.442695020e+00, v7;
	v60 =	vmul.f32 $2.000000030e-01, v8;
	v5 =	vadd.f32 v14, v9  }
0x370: {  	[tilespmem:s3+$0x80] =	vst v28;
	v28 =	vmovc v52;
	(erf) = vpow2.f32 v2;
	v0 =	vadd.f32 v0, v1;
	v7 =	vadd.f32 v12, v11;
	v12 =	vld [tilespmem:s12+$0x70]  }
0x371: {  	[tilespmem:s3+$0xA0] =	vst v35;
	v52 =	vld [tilespmem:s12+$0xFFFFF0A0];
	v9 =	vadd.f32 v53, v54;
	v8 =	vmax.f32 v8, v60;
	v1 =	vadd.f32 v4, v5  }
0x372: {  	[tilespmem:s3+$0xE0] =	vst v58;
	v58 =	vld [tilespmem:s12+$0xFFFFF0C0];
	v4 =	vbroadcast v6, $0xF;
	v5 =	vmul.f32 $2.000000030e-01, v7;
	v6 =	vadd.f32 v57, v56  }
0x373: {  	[tilespmem:s3+$0xB0] =	vst v47;
	v35 =	vmovc v48;
	v2 =	vld [tilespmem:s12+$0xB0];
	v47 =	vmul.f32 $2.000000030e-01, v9;
	v48 =	vadd.f32 v59, v10;
	v3 =	vadd.f32 v3, v40  }
0x374: {  	v32 =	vmovc v55;
	v55 =	vld [tilespmem:s12+$0xFFFFF0B0];
	v0 =	vadd.f32 v1, v0;
	v1 =	vmul.f32 $2.000000030e-01, v6;
	v5 =	vmax.f32 v7, v5  }
0x375: {  	v14 =	vld [tilespmem:s12+$0xFFFFF080];
	v7 =	vmul.f32 $2.000000030e-01, v48;
	(erf) = vpow2.f32 v4;
	v61 =	vadd.f32 v12, v43  }
0x376: {  	v53 =	vld [tilespmem:s12+$0xFFFFF0E0];
	v12 =	vmul.f32 v5, v31;
	v5 =	vmul.f32 v8, v30;
	(xrf2) =	vadd.scan.msk.f32 $0xffff, v0;
	v0 =	vmax.f32 v9, v47  }
0x377: {  	v8 =	vld [tilespmem:s12+$0x80];
	v1 =	vmax.f32 v6, v1;
	v6 =	vmul.f32 $2.000000030e-01, v3;
	v63 =	vmul.f32 $2.000000030e-01, v61  }
0x378: {  	v59 =	vld [tilespmem:s12+$0x90];
	v7 =	vmax.f32 v48, v7;
	v0 =	vmul.f32 v0, v27;
	v1 =	vmul.f32 v1, v18  }
0x379: {  	[tilespmem:$0x1FDA0] =	vst v15;
	v4 =	vld [tilespmem:s12+$0xC0];
	v7 =	vmul.f32 v7, v26;
	v3 =	vmax.f32 v3, v6;
	v6 =	vmax.f32 v61, v63  }
0x37a: {  	[tilespmem:s9+$0x0] =	vst v17;
	v9 =	vld [tilespmem:s12+$0xFFFFF0D0];
	v3 =	vmul.f32 v3, v19;
	v6 =	vmul.f32 v6, v25  }
0x37b: {  	v60 =	vadd.f32 v1, v0;
	v0 =	vld [tilespmem:s12+$0xA0];
	v1 =	vadd.f32 v7, v5;
	v5 =	vmul.f32 v50, v37;
	v37 =	vmovc v14  }
0x37c: {  	[tilespmem:$0x1FDC0] =	vst v13;
	v47 =	vld [tilespmem:s12+$0xFFFFF0F0];
	v7 =	vmul.f32 v50, v41;
	v8 =	vadd.f32 v8, v37;
	v3 =	vadd.f32 v6, v3  }
0x37d: {  	v14 =	vld [tilespmem:s12+$0xD0];
	[tilespmem:s3+$0xFFFFFF80] =	vst v5;
	v5 =	vmul.f32 v50, v39;
	v39 =	vmov v55;
	v6 =	vmul.f32 v50, v38  }
0x37e: {  	v13 =	vld [tilespmem:s12+$0x0];
	v38 =	vmovc v49;
	v49 =	vmul.f32 v50, v42;
	v2 =	vadd.f32 v2, v39;
	v1 =	vadd.f32 v3, v1  }
0x37f: {  	v48 =	vld [tilespmem:s12+$0xE0];
	v3 =	vadd.f32 v59, v38;
	[tilespmem:s3+$0xFFFFFF90] =	vst v6;
	v6 =	vmul.f32 v50, v44;
	v59 =	vmul.f32 $2.000000030e-01, v8  }
0x380: {  	v63 =	vadd.f32 v0, v52;
	v44 =	vmov v9;
	v9 =	vmul.f32 $2.000000030e-01, v2;
	v61 =	vld [tilespmem:s12+$0xF0];
	[tilespmem:s3+$0xFFFFFFA0] =	vst v7;
	v42, _, _ =	vpop (xrf2)  }
0x381: {  	v57 =	vld [tilespmem:s12+$0xFFFFF100];
	[tilespmem:s3+$0xFFFFFFB0] =	vst v5;
	v5 =	vmul.f32 v50, v45;
	v0 =	vmul.f32 $1.442695020e+00, v42  }
0x382: {  	v41 =	vmovc v52;
	v52 =	vld [tilespmem:s12+$0xFFFFF140];
	[tilespmem:s3+$0xFFFFFFC0] =	vst v49;
	v14 =	vadd.f32 v14, v44;
	v7 =	vmul.f32 $2.000000030e-01, v3;
	v55 =	vmul.f32 $2.000000030e-01, v63;
	v42 =	vmovc v58  }
0x383: {  	v45 =	vmovc v53;
	v49 =	vld [tilespmem:s12+$0xFFFFF130];
	v8 =	vmax.f32 v8, v59;
	v2 =	vmax.f32 v2, v9;
	v4 =	vadd.f32 v4, v42  }
0x384: {  	v53 =	vld [tilespmem:s12+$0xFFFFF150];
	v15 =	vadd.f32 v48, v45;
	[tilespmem:s3+$0xFFFFFFE0] =	vst v5;
	v5 =	vmul.f32 $2.000000030e-01, v14;
	v3 =	vmax.f32 v3, v7  }
0x385: {  	v59 =	vld [tilespmem:s12+$0xFFFFF120];
	[tilespmem:s3+$0xFFFFFFD0] =	vst v6;
	v17 =	vbroadcast v0, $0xF;
	v6 =	vmul.f32 $2.000000030e-01, v4;
	v7 =	vadd.f32 v61, v47;
	v0 =	vpop (erf)  }
0x386: {  	v58 =	vld [tilespmem:s12+$0xFFFFF110];
	v8 =	vmul.f32 v8, v16;
	v2 =	vmul.f32 v2, v18;
	v63 =	vmax.f32 v63, v55;
	v61 =	vpop (erf)  }
0x387: {  	v16 =	vld [tilespmem:$0x1FD00];
	(erf) = vpow2.f32 v17;
	v4 =	vmax.f32 v4, v6;
	v6 =	vmul.f32 $2.000000030e-01, v7;
	[tilespmem:s2+$0x0] =	vst v61  }
0x388: {  	v5 =	vmax.f32 v14, v5;
	v3 =	vmul.f32 v3, v31;
	v14 =	vmul.f32 v63, v27;
	v48 =	vld [tilespmem:s12+$0xFFFFF160]  }
0x389: {  	v9 =	vmul.f32 $2.000000030e-01, v15;
	v6 =	vmax.f32 v7, v6;
	v7 =	vld [tilespmem:s12+$0x100]  }
0x38a: {  	v3 =	vadd.f32 v3, v8;
	v2 =	vadd.f32 v2, v14;
	v8 =	vld [tilespmem:s12+$0x110]  }
0x38b: {  	v5 =	vmul.f32 v5, v26;
	v9 =	vmax.f32 v15, v9;
	v14 =	vld [tilespmem:s12+$0x120]  }
0x38c: {  	v9 =	vmul.f32 v9, v19;
	v2 =	vadd.f32 v2, v3;
	v3 =	vld [tilespmem:s12+$0x140];
	v6 =	vmul.f32 v6, v25  }
0x38d: {  	v34 =	vmul.f32 v0, v34;
	v4 =	vmul.f32 v4, v30;
	v30 =	vmov v11;
	v11 =	vld [tilespmem:s12+$0x150]  }
0x38e: {  	[tilespmem:s2+$0xFFFFFFE0] =	vst v0;
	v6 =	vadd.f32 v6, v9;
	v9 =	vld [tilespmem:$0x1FCF0]  }
0x38f: {  	[tilespmem:s3+$0xFFFFFF10] =	vst v34;
	v4 =	vadd.f32 v5, v4;
	v5 =	vld [tilespmem:s12+$0x130]  }
0x390: {  	v15 =	vmul.f32 v0, v46;
	v18 =	vmul.f32 v0, v33;
	v46 =	vld [tilespmem:s12+$0xFFFFF000];
	v7 =	vadd.f32 v7, v57;
	v63 =	vpop (erf)  }
0x391: {  	s9 =	smov.u32 s3;
	v4 =	vadd.f32 v6, v4;
	v6 =	vadd.f32 v8, v58;
	v8 =	vld [tilespmem:s12+$0x160];
	v26 =	vmul.f32 v63, v51  }
0x392: {  	[tilespmem:s9+$0xFFFFFF50] =	vst v18;
	v14 =	vadd.f32 v14, v59;
	v51 =	vmul.f32 v0, v16;
	v16 =	vld [tilespmem:$0x1FD10];
	v34 =	vmul.f32 $2.000000030e-01, v7  }
0x393: {  	s17 =	sadd.s32 $0x4, s17;
	s2 =	sadd.s32 $0x40, s2;
	v55 =	vld [tilespmem:s12+$0xFFFFF170];
	[tilespmem:s9+$0xFFFFFF00] =	vst v15;
	v4 =	vadd.f32 v4, v2;
	v2 =	vmul.f32 $2.000000030e-01, v6;
	v9 =	vmul.f32 v0, v9  }
0x394: {  	p0 =	slt.u32 s17, $0x1C;
	v31 =	vmov v54;
	v17 =	vld [tilespmem:s12+$0x170];
	v5 =	vadd.f32 v5, v49;
	[tilespmem:s2+$0x10] =	vst v63;
	v54 =	vmax.f32 v7, v34  }
.Ltmp7:
0x395: {  	v27 =	vmovc v56;
	s3 =	sadd.s32 $0x200, s3;
	v7 =	vmul.f32 $2.000000030e-01, v14;
	v56 =	vmax.f32 v6, v2;
	[tilespmem:s9+$0xFFFFFF20] =	vst v9;
	v9 =	vadd.f32 v3, v52;
	(pc) =	sbr.rel @p0 .LBB2_9-.Ltmp7, $4  }
0x396: {  	[tilespmem:s3+$0xF0] =	vst v26;
	v6 =	vmul.f32 $2.000000030e-01, v5;
	v2 =	vadd.f32 v11, v53;
	v3 =	vadd.f32 v8, v48  }
0x397: {  	v33 =	vmovc v10;
	[tilespmem:s9+$0xFFFFFF30] =	vst v51;
	v10 =	vmax.f32 v14, v7;
	v16 =	vmul.f32 v0, v16;
	v7 =	vmul.f32 $2.000000030e-01, v9  }
0x398: {  	v15 =	vld [tilespmem:$0x1FD20];
	(xrf2) =	vadd.scan.msk.f32 $0xffff, v4;
	v4 =	vadd.f32 v13, v46;
	v51 =	vmax.f32 v5, v6;
	v5 =	vmul.f32 $2.000000030e-01, v2  }
0x399: {  	s12 =	sadd.s32 $0x200, s12;
	v34 =	vmovc v62;
	v62 =	vadd.f32 v17, v55;
	v11 =	vmul.f32 $2.000000030e-01, v3;
	[tilespmem:s9+$0xFFFFFF40] =	vst v16;
	v16 =	vld [tilespmem:$0x1FF80];
	v13 =	vmax.f32 v9, v7  }
0x39a: {  	v17 =	vld [tilespmem:$0x1FD80];
	_ =	sdelay $0x2  }
0x39b: {  	v6 =	vmul.f32 $2.000000030e-01, v4;
	v7 =	vld [tilespmem:$0x1FD70];
	_ =	sdelay $0x1  }
0x39c: {  	v2 =	vmax.f32 v2, v5;
	v4 =	vmax.f32 v4, v6;
	v5 =	vmul.f32 v50, v17;
	v50 =	vld [tilespmem:$0x1FFF0]  }
0x39d: {  	v6 =	vmul.f32 v0, v15;
	v4 =	vmul.f32 v4, v16  }
0x39e: {  	v3 =	vmax.f32 v3, v11;
	v11 =	vld [tilespmem:$0x1FFA0]  }
0x39f: {  	v0 =	vmul.f32 v0, v7;
	v4 =	vadd.f32 v12, v4;
	v12 =	vld [tilespmem:$0x1FFC0];
	[tilespmem:s9+$0xFFFFFF60] =	vst v6  }
0x3a0: {  	v14 =	vld [tilespmem:$0x1FFD0]  }
0x3a1: {  	v18 =	vmul.f32 v54, v16;
	v8 =	vmul.f32 v56, v50;
	v56 =	vld [tilespmem:$0x1FFB0];
	[tilespmem:s9+$0xFFFFFF70] =	vst v0  }
0x3a2: {  	v15 =	vld [tilespmem:$0x1FD90];
	[tilespmem:s9+$0xFFFFFFF0] =	vst v5  }
0x3a3: {  	v26 =	vmul.f32 $2.000000030e-01, v62;
	v4 =	vadd.f32 v60, v4;
	v16 =	vadd.f32 v8, v18;
	v18 =	vld [tilespmem:$0x1FDA0]  }
0x3a4: {  	v51 =	vmul.f32 v51, v11;
	v17, _, _ =	vpop (xrf2)  }
0x3a5: {  	v1 =	vadd.f32 v1, v4;
	v4 =	vmax.f32 v62, v26;
	v26 =	vmul.f32 $1.442695020e+00, v17  }
0x3a6: {  	v9 =	vmul.f32 v10, v12;
	v60 =	vmul.f32 v13, v14  }
0x3a7: {  	v13 =	vmul.f32 v3, v19;
	v3 =	vmul.f32 v61, v15  }
0x3a8: {  	(xrf2) =	vadd.scan.msk.f32 $0xffff, v1;
	v2 =	vmul.f32 v2, v56;
	v7 =	vmul.f32 v61, v18  }
0x3a9: {  	v54 =	vmul.f32 v61, v29;
	v4 =	vmul.f32 v4, v25;
	v25 =	vadd.f32 v51, v9;
	[tilespmem:s9+$0x0] =	vst v3  }
0x3aa: {  	v1 =	vadd.f32 v2, v60;
	v60 =	vmul.f32 v61, v28;
	v3 =	vbroadcast v26, $0xF;
	v51 =	vld [tilespmem:$0x1FDB0];
	[tilespmem:s9+$0x10] =	vst v7  }
0x3ab: {  	v6 =	vmul.f32 v61, v24;
	v0 =	vadd.f32 v4, v13;
	[tilespmem:s9+$0x30] =	vst v54  }
0x3ac: {  	v8 =	vmul.f32 v61, v32;
	[tilespmem:s9+$0x40] =	vst v60;
	(erf) = vpow2.f32 v3  }
0x3ad: {  	v9 =	vmul.f32 v63, v20;
	v62 =	vadd.f32 v25, v16;
	v0 =	vadd.f32 v0, v1;
	[tilespmem:s9+$0x50] =	vst v6  }
0x3ae: {  	v10 =	vmul.f32 v63, v21;
	[tilespmem:s9+$0x70] =	vst v8  }
0x3af: {  	v15 =	vmul.f32 v63, v22;
	[tilespmem:s3+$0x80] =	vst v9;
	v0 =	vadd.f32 v0, v62  }
0x3b0: {  	v16 =	vmul.f32 v63, v23;
	[tilespmem:s3+$0x90] =	vst v10  }
0x3b1: {  	v7 =	vmul.f32 v61, v35;
	[tilespmem:s3+$0xA0] =	vst v15;
	(xrf2) =	vadd.scan.msk.f32 $0xffff, v0  }
0x3b2: {  	[tilespmem:s3+$0xB0] =	vst v16;
	v13, _, _ =	vpop (xrf2);
	v5 =	vmul.f32 v61, v51  }
0x3b3: {  	[tilespmem:s9+$0x60] =	vst v7;
	v2 =	vmul.f32 $1.442695020e+00, v13  }
0x3b4: {  	v17 =	vmul.f32 v63, v36;
	[tilespmem:s9+$0x20] =	vst v5  }
0x3b5: {  	v2 =	vbroadcast v2, $0xF;
	v0 =	vld [tilespmem:$0x1FDC0];
	v18 =	vpop (erf)  }
0x3b6: {  	v3 =	vld [tilespmem:$0x1FDD0];
	[tilespmem:s3+$0xC0] =	vst v17;
	v20 =	vmul.f32 v18, v37  }
0x3b7: {  	(erf) = vpow2.f32 v2;
	[tilespmem:s2+$0xFFFFFFF0] =	vst v18;
	v21 =	vmul.f32 v18, v38  }
0x3b8: {  	v22 =	vmul.f32 v18, v41;
	[tilespmem:s3+$0xFFFFFF80] =	vst v20  }
0x3b9: {  	v24 =	vmul.f32 v18, v39;
	[tilespmem:s3+$0xFFFFFF90] =	vst v21  }
0x3ba: {  	v26 =	vmul.f32 v18, v42;
	[tilespmem:s3+$0xFFFFFFA0] =	vst v22  }
0x3bb: {  	v28 =	vmul.f32 v18, v44;
	[tilespmem:s3+$0xFFFFFFB0] =	vst v24;
	v23, _, _ =	vpop (xrf2)  }
0x3bc: {  	v29 =	vmul.f32 v18, v45;
	[tilespmem:s3+$0xFFFFFFC0] =	vst v26;
	v25 =	vmul.f32 $1.442695020e+00, v23  }
0x3bd: {  	v0 =	vmul.f32 v63, v0;
	[tilespmem:s3+$0xFFFFFFD0] =	vst v28  }
0x3be: {  	v3 =	vmul.f32 v63, v3;
	[tilespmem:s3+$0xFFFFFFE0] =	vst v29;
	v1 =	vbroadcast v25, $0xF  }
0x3bf: {  	[tilespmem:s3+$0xD0] =	vst v0;
	v0 =	vmul.f32 v18, v47  }
0x3c0: {  	[tilespmem:s3+$0xE0] =	vst v3;
	v32 =	vpop (erf);
	(erf) = vpow2.f32 v1  }
0x3c1: {  	[tilespmem:s3+$0xFFFFFFF0] =	vst v0;
	v35 =	vmul.f32 v32, v30  }
0x3c2: {  	[tilespmem:s2+$0xFFFFFFE0] =	vst v32;
	v36 =	vmul.f32 v32, v31  }
0x3c3: {  	v37 =	vmul.f32 v32, v27;
	[tilespmem:s3+$0xFFFFFF10] =	vst v35  }
0x3c4: {  	v38 =	vmul.f32 v32, v34;
	[tilespmem:s3+$0xFFFFFF20] =	vst v36  }
0x3c5: {  	v39 =	vmul.f32 v32, v33;
	[tilespmem:s3+$0xFFFFFF30] =	vst v37  }
0x3c6: {  	v41 =	vmul.f32 v32, v46;
	[tilespmem:s3+$0xFFFFFF40] =	vst v38  }
0x3c7: {  	v42 =	vmul.f32 v32, v40;
	[tilespmem:s3+$0xFFFFFF50] =	vst v39  }
0x3c8: {  	v43 =	vmul.f32 v32, v43;
	[tilespmem:s3+$0xFFFFFF00] =	vst v41  }
0x3c9: {  	[tilespmem:s3+$0xFFFFFF60] =	vst v42;
	v44 =	vpop (erf)  }
0x3ca: {  	[tilespmem:s3+$0xFFFFFF70] =	vst v43;
	v45 =	vmul.f32 v44, v57  }
0x3cb: {  	[tilespmem:s2+$0x0] =	vst v44;
	v46 =	vmul.f32 v44, v58  }
0x3cc: {  	v47 =	vmul.f32 v44, v59;
	[tilespmem:s3+$0x0] =	vst v45  }
0x3cd: {  	v51 =	vmul.f32 v44, v49;
	[tilespmem:s3+$0x10] =	vst v46  }
0x3ce: {  	v52 =	vmul.f32 v44, v52;
	[tilespmem:s3+$0x20] =	vst v47  }
0x3cf: {  	v53 =	vmul.f32 v44, v53;
	[tilespmem:s3+$0x30] =	vst v51  }
0x3d0: {  	v54 =	vmul.f32 v44, v48;
	[tilespmem:s3+$0x40] =	vst v52  }
0x3d1: {  	v1 =	vmul.f32 v44, v55;
	[tilespmem:s3+$0x50] =	vst v53  }
0x3d2: {  	[tilespmem:s3+$0x60] =	vst v54  }
0x3d3: {  	[tilespmem:s3+$0x70] =	vst v1  }
0x3d4: {  	v2 =	vld [tilespmem:$0x1FD50]  }
0x3d5: {  	v0 =	vld [tilespmem:$0x60];
	_ =	sdelay $0x1  }
0x3d6: {  	v58 =	vld [tilespmem:$0x1FD40];
	_ =	sdelay $0x2  }
0x3d7: {  	v57 =	vshll.u32 v0, $0x4  }
0x3d8: {  	v1 =	vand.u32 $0x70, v57  }
0x3d9: {  	v3 =	vor.u32 v58, v1;
	v2 =	vld.idx.msk [tilespmem:v2+s29+$0x0], $0xffff;
	_ =	sdelay $0x4  }
0x3da: {  	v61 =	vld [tilespmem:$0x1FD60];
	[tilespmem:v3+s11+$0x0] =	vst.idx.msk $0xffff, v2  }
0x3db: {  	v2 =	vld [tilespmem:$0x70];
	_ =	sdelay $0x1  }
0x3dc: {  	v62 =	vld [tilespmem:$0x1FD30];
	_ =	sdelay $0x1  }
0x3dd: {  	[tilespmem:$0x1A0] =	vst v1  }
0x3de: {  	[tilespmem:$0x120] =	vst v0;
	v0 =	vshra.s32 v0, $0x3;
	v59 =	vshll.u32 v2, $0x4  }
0x3df: {  	[tilespmem:$0x160] =	vst v0;
	v60 =	vand.u32 $0x70, v59  }
0x3e0: {  	v1 =	vld.idx.msk [tilespmem:v61+s29+$0x0], $0xffff;
	v3 =	vor.u32 v62, v60;
	_ =	sdelay $0x4  }
0x3e1: {  	p0 =	seq.s32 s10, $0xA0;
	[tilespmem:v3+s11+$0x0] =	vst.idx.msk $0xffff, v1  }
0x3e2: {  	s2 =	sadd.s32 @!p0 s8, s15;
	[tilespmem:$0x1B0] =	vst v60  }
0x3e3: {  	s9 =	simm.s32 @!p0 $0x40;
	s2 =	sshrl.u32 @!p0 s2, $0x3;
	v63 =	vshra.s32 v2, $0x3;
	[tilespmem:$0x130] =	vst v2  }
0x3e4: {  	s8 =	simm.s32 @!p0 $0x50C00;
	s2 =	sadd.s32 @!p0 s0, s2;
	s3 =	simm.s32 @!p0 $0x20;
	[tilespmem:$0x170] =	vst v63  }
0x3e5: {  	[tilespmem:s9], [sflag:$0x2] =	stream.strided.gather @!p0 [hbm4b:s2+s3], $0x40, s8, s3, $0x38;
	[tilespmem:$0x1EC40] =	vst v63  }
.Ltmp8:
0x3e6: {  	_ = 	snop;
	(pc) =	sbr.rel .LBB2_11-.Ltmp8, $4  }
0x3e7: {  	s17 =	simm.s32 $0x120  }
0x3e8: {  	[spmem:s4] =	stream.indirect.scatter.add.f32 [tilespmem:s13], [sflag:$0x6], $0x80, s17, s21, $0xb8;
	[tilespmem:$0x1EC40] =	vst v63  }
0x3e9: {  	_ = 	snop  }
0x3ea: {  	v33 =	vmovc v12;
	v43 =	vmov v11;
	v46 =	vmov v14;
	v62 =	vmov v19;
	[spmem:s5] =	stream.indirect.scatter.add.f32 [tilespmem:s11], [sflag:$0x6], $0x80, s16, s21, $0xb8;
	[tilespmem:$0x1EC40] =	vst v63  }
.LBB2_13:
0x3eb: {  	_ =	sfence.sel $0x180000  }
0x3ec: {  	[bflag:$0x0] =	sbarrier.arrive $0xFFFF  }
0x3ed: {  	_ =	strace $0x90000047  }
0x3ee: {  	s0 =	stileid.u32;
	[bflag:$0x2] =	sbarrier.arrive $0xFFFF  }
0x3ef: {  	p0 =	sne.s32 s0, $0x0;
	s0 =	rddreg [dreg:$0x5]  }
0x3f0: {  	s0 =	sadd.s32 @!p0 $0x100000, s0  }
0x3f1: {  	[sflag:s0] =	ssyncadd.tile.s32 @!p0 $0x1;
	_ =	shalt  }
.Lfunc_end2:
_tile_overlayer_lowered:
.L_overlay_start_2:
0x3f2: {  	(tag) =	ssettag $0x2  }
0x3f3: {  	s0 =	rddreg [dreg:$0x0];
	s2 =	stileid.u32  }
0x3f4: {  	s1 =	rddreg [dreg:$0x1];
	p0 =	sne.s32 s2, $0x0  }
0x3f5: {  	s3 =	rddreg [dreg:$0x2];
	[bflag:$0x3] =	sbarrier.arrive $0xFFFF;
	s2 =	simm.s32 @!p0 $0x1C07  }
0x3f6: {  	[timem:s3], [sflag:s2] =	dma.local @!p0 [hbm:s0], s1  }
0x3f7: {  	s0 =	simm.s32 @!p0 $0x7  }
0x3f8: {  	_ =	swait.ge @!p0 [sflag:s0], s1  }
0x3f9: {  	s1 =	ssub.s32 @!p0 $0x0, s1;
	[sflag:s0] =	ssyncset.done @!p0 $0x0  }
0x3fa: {  	[sflag:s0] =	ssyncadd.s32 @!p0 s1  }
0x3fb: {  	[bflag:$0x3] =	sbarrier.arrive $0xFFFF  }
0x3fc: {  	_ =	shalt  }

</sc_bundles>
